<compile_context>
chip_gen: v7x
topology: tpu7x:2x2x1
jax: 0.10.2.dev20260603
libtpu: 0.0.44.dev20260713+nightly
codegen_flags: <defaults>
</compile_context>

<pallas_src>
import jax
import jax.numpy as jnp
from jax import lax
from jax.experimental import pallas as pl
from jax.experimental.pallas import tpu as pltpu
from jax.experimental.pallas import tpu_sc as plsc

NUM_EXPERTS = 8
TOP_K = 2
D_MODEL = 2048
D_FF = 768
N_TOKENS = 2048
N_ASSIGN = N_TOKENS * TOP_K
TM = 256
NT = N_ASSIGN // TM + NUM_EXPERTS
PAD_TOTAL = NT * TM

NW = 32
DISPATCH_CHUNK = 16
COMBINE_CHUNK = 8

_NEG = -1e30


def _router_body(x_ref, gwt_ref, ids_ref, w_ref):
    logits = jnp.dot(x_ref[...], gwt_ref[...], preferred_element_type=jnp.float32)
    lane = lax.broadcasted_iota(jnp.int32, logits.shape, 1)
    logits = jnp.where(lane < NUM_EXPERTS, logits, _NEG)
    m1 = jnp.max(logits, axis=1, keepdims=True)
    a1 = jnp.min(jnp.where(logits == m1, lane, 127), axis=1, keepdims=True)
    l2 = jnp.where(lane == a1, _NEG, logits)
    m2 = jnp.max(l2, axis=1, keepdims=True)
    a2 = jnp.min(jnp.where(l2 == m2, lane, 127), axis=1, keepdims=True)
    w1 = 1.0 / (1.0 + jnp.exp(m2 - m1))
    w2 = 1.0 - w1
    ids_ref[...] = jnp.where(lane == 0, a1, jnp.where(lane == 1, a2, 0))
    w_ref[...] = jnp.where(lane == 0, w1, jnp.where(lane == 1, w2, 0.0))


def _run_router(x, gate_w):
    gwt = jnp.zeros((D_MODEL, 128), jnp.float32).at[:, :NUM_EXPERTS].set(gate_w.T)
    rt = 512
    ids, w = pl.pallas_call(
        _router_body,
        grid=(N_TOKENS // rt,),
        in_specs=[
            pl.BlockSpec((rt, D_MODEL), lambda i: (i, 0)),
            pl.BlockSpec((D_MODEL, 128), lambda i: (0, 0)),
        ],
        out_specs=[
            pl.BlockSpec((rt, 128), lambda i: (i, 0)),
            pl.BlockSpec((rt, 128), lambda i: (i, 0)),
        ],
        out_shape=[
            jax.ShapeDtypeStruct((N_TOKENS, 128), jnp.int32),
            jax.ShapeDtypeStruct((N_TOKENS, 128), jnp.float32),
        ],
    )(x, gwt)
    return ids[:, :TOP_K], w[:, :TOP_K]


def _build_metadata(topk_ids):
    flat_e = topk_ids.reshape(-1)
    onehot = (flat_e[:, None] == jnp.arange(NUM_EXPERTS)[None, :]).astype(jnp.int32)
    csum = jnp.cumsum(onehot, axis=0)
    counts = csum[-1]
    ranks = jnp.sum(csum * onehot, axis=1) - 1
    padded_counts = ((counts + TM - 1) // TM) * TM
    pad_end = jnp.cumsum(padded_counts)
    pad_off = pad_end - padded_counts
    dst = jnp.sum(onehot * pad_off[None, :], axis=1) + ranks
    tile_start = jnp.arange(NT, dtype=jnp.int32) * TM
    tile_expert = jnp.sum(
        (tile_start[:, None] >= pad_end[None, :]).astype(jnp.int32), axis=1)
    tile_valid = (tile_start < pad_end[-1]).astype(jnp.int32)
    last_e = jnp.max(jnp.where(counts > 0, jnp.arange(NUM_EXPERTS, dtype=jnp.int32), 0))
    tile_expert = jnp.where(tile_valid == 1,
                            jnp.minimum(tile_expert, NUM_EXPERTS - 1), last_e)
    return dst.astype(jnp.int32), tile_expert.astype(jnp.int32), tile_valid


def _dispatch_body(x_hbm, d0_hbm, d1_hbm, xs_hbm,
                  i0a_v, i1a_v, i0b_v, i1b_v, buf_a, buf_b,
                  sem_ra, sem_rb, sem_wa, sem_wb):
    wid = lax.axis_index("s") * 2 + lax.axis_index("c")
    per_w = N_TOKENS // NW
    base = wid * per_w
    ch = DISPATCH_CHUNK
    n_chunks = per_w // ch

    def rd(c, buf, sem):
        return pltpu.async_copy(x_hbm.at[pl.ds(base + c * ch, ch)], buf, sem)

    def idx_load(c, i0, i1):
        pltpu.sync_copy(d0_hbm.at[pl.ds(base + c * ch, ch)], i0)
        pltpu.sync_copy(d1_hbm.at[pl.ds(base + c * ch, ch)], i1)

    bufs = (buf_a, buf_b)
    idxs = ((i0a_v, i1a_v), (i0b_v, i1b_v))
    rsems = (sem_ra, sem_rb)
    wsems = (sem_wa, sem_wb)

    reads = {0: rd(0, buf_a, sem_ra)}
    if n_chunks > 1:
        reads[1] = rd(1, buf_b, sem_rb)
    scats = {}
    for c in range(n_chunks):
        s = c % 2
        if c >= 2:
            scats[c - 2][0].wait()
            scats[c - 2][1].wait()
            reads[c] = rd(c, bufs[s], rsems[s])
        idx_load(c, *idxs[s])
        reads[c].wait()
        scats[c] = (pltpu.async_copy(bufs[s], xs_hbm.at[idxs[s][0]], wsems[s]),
                    pltpu.async_copy(bufs[s], xs_hbm.at[idxs[s][1]], wsems[s]))
    for c in (n_chunks - 2, n_chunks - 1):
        if c >= 0:
            scats[c][0].wait()
            scats[c][1].wait()


def _run_dispatch(x, dst0, dst1):
    mesh = plsc.VectorSubcoreMesh(core_axis_name="c", subcore_axis_name="s")
    f = pl.kernel(
        _dispatch_body,
        out_type=jax.ShapeDtypeStruct((PAD_TOTAL, D_MODEL), jnp.float32),
        mesh=mesh,
        scratch_types=[
            pltpu.VMEM((DISPATCH_CHUNK,), jnp.int32),
            pltpu.VMEM((DISPATCH_CHUNK,), jnp.int32),
            pltpu.VMEM((DISPATCH_CHUNK,), jnp.int32),
            pltpu.VMEM((DISPATCH_CHUNK,), jnp.int32),
            pltpu.VMEM((DISPATCH_CHUNK, D_MODEL), jnp.float32),
            pltpu.VMEM((DISPATCH_CHUNK, D_MODEL), jnp.float32),
            pltpu.SemaphoreType.DMA,
            pltpu.SemaphoreType.DMA,
            pltpu.SemaphoreType.DMA,
            pltpu.SemaphoreType.DMA,
        ],
    )
    return f(x, dst0, dst1)


def _mm_body(te_ref, tv_ref, x_ref, wg_ref, wu_ref, wd_ref, y_ref):
    @pl.when(tv_ref[pl.program_id(0)] > 0)
    def _():
        x = x_ref[...]
        g = lax.dot_general(x, wg_ref[0], (((1,), (1,)), ((), ())),
                            preferred_element_type=jnp.float32)
        u = lax.dot_general(x, wu_ref[0], (((1,), (1,)), ((), ())),
                            preferred_element_type=jnp.float32)
        h = g * jax.nn.sigmoid(g) * u
        y_ref[...] = lax.dot_general(h, wd_ref[0], (((1,), (1,)), ((), ())),
                                     preferred_element_type=jnp.float32)


def _run_grouped_mm(x_sorted, w_gate, w_up, w_down, tile_expert, tile_valid):
    grid_spec = pltpu.PrefetchScalarGridSpec(
        num_scalar_prefetch=2,
        grid=(NT,),
        in_specs=[
            pl.BlockSpec((TM, D_MODEL), lambda i, te, tv: (i, 0)),
            pl.BlockSpec((1, D_FF, D_MODEL), lambda i, te, tv: (te[i], 0, 0)),
            pl.BlockSpec((1, D_FF, D_MODEL), lambda i, te, tv: (te[i], 0, 0)),
            pl.BlockSpec((1, D_MODEL, D_FF), lambda i, te, tv: (te[i], 0, 0)),
        ],
        out_specs=pl.BlockSpec((TM, D_MODEL), lambda i, te, tv: (i, 0)),
    )
    return pl.pallas_call(
        _mm_body,
        grid_spec=grid_spec,
        out_shape=jax.ShapeDtypeStruct((PAD_TOTAL, D_MODEL), jnp.float32),
        compiler_params=pltpu.CompilerParams(
            dimension_semantics=("arbitrary",),
            vmem_limit_bytes=100 * 1024 * 1024,
        ),
    )(tile_expert, tile_valid, x_sorted, w_gate, w_up, w_down)


def _combine_body(y_hbm, mi_hbm, mw_hbm, out_hbm, *refs):
    (iv_a, wv_a, y01_a,
     iv_b, wv_b, y01_b,
     iv_c, wv_c, y01_c,
     sem_ga, sem_gb, sem_gc, sem_oa, sem_ob, sem_oc) = refs
    wid = lax.axis_index("s") * 2 + lax.axis_index("c")
    per_w = N_TOKENS // NW
    ct = COMBINE_CHUNK
    n_chunks = per_w // ct
    cbase = wid * n_chunks
    base = wid * per_w
    slots = ((iv_a, wv_a, y01_a, sem_ga, sem_oa),
             (iv_b, wv_b, y01_b, sem_gb, sem_ob),
             (iv_c, wv_c, y01_c, sem_gc, sem_oc))

    def gather(c, s):
        iv, wv, y01, sem, _so = slots[s]
        pltpu.sync_copy(mi_hbm.at[cbase + c], iv)
        pltpu.sync_copy(mw_hbm.at[cbase + c], wv)
        return pltpu.async_copy(y_hbm.at[iv], y01, sem)

    def compute(s):
        _, wv, y01, _sg, _so = slots[s]

        def per_token(j, carry):
            wb0 = plsc.load_gather(wv, [jnp.full((16,), j, jnp.int32)])
            wb1 = plsc.load_gather(wv, [jnp.full((16,), j + ct, jnp.int32)])

            @plsc.parallel_loop(0, D_MODEL // 16, unroll=8)
            def _(q):
                d = pl.ds(q * 16, 16)
                y01[j, d] = y01[j, d] * wb0 + y01[j + ct, d] * wb1

            return carry

        lax.fori_loop(0, ct, per_token, 0)

    gat = {0: gather(0, 0)}
    if n_chunks > 1:
        gat[1] = gather(1, 1)
    wo = {}
    for c in range(n_chunks):
        s = c % 3
        gat[c].wait()
        compute(s)
        wo[c] = pltpu.async_copy(slots[s][2].at[pl.ds(0, ct)],
                                 out_hbm.at[pl.ds(base + c * ct, ct)],
                                 slots[s][4])
        if c + 2 < n_chunks:
            if c - 1 >= 0:
                wo[c - 1].wait()
            gat[c + 2] = gather(c + 2, (c + 2) % 3)
    for c in (n_chunks - 2, n_chunks - 1):
        if c >= 0:
            wo[c].wait()


def _run_combine(y_sorted, pos, topk_w):
    mesh = plsc.VectorSubcoreMesh(core_axis_name="c", subcore_axis_name="s")
    ct = COMBINE_CHUNK
    nc = N_TOKENS // ct
    slot = [
        pltpu.VMEM((2 * ct,), jnp.int32),
        pltpu.VMEM((2 * ct,), jnp.float32),
        pltpu.VMEM((2 * ct, D_MODEL), jnp.float32),
    ]
    f = pl.kernel(
        _combine_body,
        out_type=jax.ShapeDtypeStruct((N_TOKENS, D_MODEL), jnp.float32),
        mesh=mesh,
        scratch_types=slot + slot + slot + [
            pltpu.SemaphoreType.DMA,
            pltpu.SemaphoreType.DMA,
            pltpu.SemaphoreType.DMA,
            pltpu.SemaphoreType.DMA,
            pltpu.SemaphoreType.DMA,
            pltpu.SemaphoreType.DMA,
        ],
        compiler_params=pltpu.CompilerParams(needs_layout_passes=False),
    )
    meta_i = jnp.concatenate(
        [pos[:, 0].reshape(nc, ct), pos[:, 1].reshape(nc, ct)], axis=1
    ).astype(jnp.int32)
    meta_w = jnp.concatenate(
        [topk_w[:, 0].reshape(nc, ct), topk_w[:, 1].reshape(nc, ct)], axis=1)
    return f(y_sorted, meta_i, meta_w)


def kernel(hidden_states, gate_w, w_gate, w_up, w_down):
    B, S, H = hidden_states.shape
    x = hidden_states.reshape(-1, H)
    topk_ids, topk_w = _run_router(x, gate_w)
    dst, tile_expert, tile_valid = _build_metadata(topk_ids)
    pos = dst.reshape(N_TOKENS, TOP_K)
    x_sorted = _run_dispatch(x, pos[:, 0], pos[:, 1])
    y_sorted = _run_grouped_mm(x_sorted, w_gate, w_up, w_down,
                               tile_expert, tile_valid)
    out = _run_combine(y_sorted, pos, topk_w)
    return out.reshape(B, S, H)

# --- scband reference (transcript-rebuilt; emitter-appended) ---
"""Pipeline reference for scband-qwen3-moe-for-causal-lm-58102317580886 (READ-ONLY COPY).

The authoritative reference and input builder live on the scoring server;
editing this copy changes nothing except your own understanding.
"""

import jax, jax.numpy as jnp
import numpy as np

NUM_EXPERTS = 8
TOP_K = 2
D_MODEL = 2048
D_FF = 768
BATCH = 1
SEQ = 2048


def setup_inputs(seed: int = 0) -> dict:
    key = jax.random.key(seed)
    ks = jax.random.split(key, 5)
    hidden_states = jax.random.normal(ks[0], (BATCH, SEQ, D_MODEL), dtype=jnp.float32)
    gate_w = jax.random.normal(ks[1], (NUM_EXPERTS, D_MODEL), dtype=jnp.float32) * 0.02
    w_gate = jax.random.normal(ks[2], (NUM_EXPERTS, D_FF, D_MODEL), dtype=jnp.float32) * 0.02
    w_up = jax.random.normal(ks[3], (NUM_EXPERTS, D_FF, D_MODEL), dtype=jnp.float32) * 0.02
    w_down = jax.random.normal(ks[4], (NUM_EXPERTS, D_MODEL, D_FF), dtype=jnp.float32) * 0.02
    return {"hidden_states": hidden_states, "gate_w": gate_w, "w_gate": w_gate, "w_up": w_up, "w_down": w_down}


def reference(hidden_states, gate_w, w_gate, w_up, w_down):
    B, S, H = hidden_states.shape
    x = hidden_states.reshape(-1, H)
    # router: linear gate -> softmax -> top_k (SoftmaxTopK)
    router_logits = x @ gate_w.T
    probs = jax.nn.softmax(router_logits, axis=-1)
    topk_w, topk_ids = jax.lax.top_k(probs, TOP_K)
    # norm_topk_prob=True -> renormalize selected probs
    topk_w = topk_w / jnp.sum(topk_w, axis=-1, keepdims=True)
    # fused MoE experts: SiluAndMul MLP per expert, weighted combine
    out = jnp.zeros_like(x)
    for e in range(NUM_EXPERTS):
        coef = jnp.sum(jnp.where(topk_ids == e, topk_w, 0.0), axis=-1)
        h = jax.nn.silu(x @ w_gate[e].T) * (x @ w_up[e].T)
        out = out + coef[:, None] * (h @ w_down[e].T)
    return out.reshape(B, S, H)

if __name__ == "__main__":
    import jax
    _d = setup_inputs()
    print(jax.jit(kernel)(*tuple(_d.values())))

</pallas_src>

<mosaic_0001>
#map = affine_map<(d0, d1) -> (0, 0)>
module attributes {stable_mosaic.version = 14 : i64} {
  func.func @_combine_body(%arg0: i32, %arg1: i32, %arg2: memref<6144x2048xf32, #tpu.memory_space<hbm>>, %arg3: memref<256x16xi32, #tpu.memory_space<hbm>>, %arg4: memref<256x16xf32, #tpu.memory_space<hbm>>, %arg5: memref<2048x2048xf32, #tpu.memory_space<hbm>>, %arg6: memref<16xi32, #tpu.memory_space<vmem>>, %arg7: memref<16xf32, #tpu.memory_space<vmem>>, %arg8: memref<16x2048xf32, #tpu.memory_space<vmem>>, %arg9: memref<16xi32, #tpu.memory_space<vmem>>, %arg10: memref<16xf32, #tpu.memory_space<vmem>>, %arg11: memref<16x2048xf32, #tpu.memory_space<vmem>>, %arg12: memref<16xi32, #tpu.memory_space<vmem>>, %arg13: memref<16xf32, #tpu.memory_space<vmem>>, %arg14: memref<16x2048xf32, #tpu.memory_space<vmem>>, %arg15: memref<!tpu.dma_semaphore, #tpu.memory_space<semaphore_mem>>, %arg16: memref<!tpu.dma_semaphore, #tpu.memory_space<semaphore_mem>>, %arg17: memref<!tpu.dma_semaphore, #tpu.memory_space<semaphore_mem>>, %arg18: memref<!tpu.dma_semaphore, #tpu.memory_space<semaphore_mem>>, %arg19: memref<!tpu.dma_semaphore, #tpu.memory_space<semaphore_mem>>, %arg20: memref<!tpu.dma_semaphore, #tpu.memory_space<semaphore_mem>>) attributes {dimension_semantics = [#tpu.dimension_semantics<core_parallel>, #tpu.dimension_semantics<subcore_parallel>], iteration_bounds = array<i64: 2, 16>, scalar_prefetch = 0 : i64, scratch_operands = 15 : i64, tpu.core_type = #tpu.core_type<sc_vector_subcore>, window_params = [{transform_indices = #map}, {transform_indices = #map}, {transform_indices = #map}, {transform_indices = #map}]} {
    %mul3A = arith.constant 2 : i32
    %mul3A_0 = arith.muli %arg1, %mul3A : i32
    %add3A = arith.addi %mul3A_0, %arg0 : i32
    %mul3A_1 = arith.constant 8 : i32
    %mul3A_2 = arith.muli %add3A, %mul3A_1 : i32
    %mul3A_3 = arith.constant 64 : i32
    %mul3A_4 = arith.muli %add3A, %mul3A_3 : i32
    %add3A_5 = arith.constant 0 : i32
    %add3A_6 = arith.addi %mul3A_2, %add3A_5 : i32
    "tpu.region"() ({
      %run_scoped3A = tpu.sem_alloc : memref<!tpu.dma_semaphore, #tpu.memory_space<semaphore_mem>>
      %dma_start3A_296 = arith.constant 0 : i32
      %dma_start3A_297 = tpu.memref_slice %arg3[%add3A_6, %dma_start3A_296] : memref<256x16xi32, #tpu.memory_space<hbm>> -> memref<1x16xi32, #tpu.memory_space<hbm>>
      %dma_start3A_298 = tpu.memref_squeeze %dma_start3A_297 : memref<1x16xi32, #tpu.memory_space<hbm>> -> memref<16xi32, #tpu.memory_space<hbm>>
      %dma_start3A_299 = arith.constant 0 : i32
      %dma_start3A_300 = tpu.memref_slice %arg3[%add3A_6, %dma_start3A_299] : memref<256x16xi32, #tpu.memory_space<hbm>> -> memref<1x16xi32, #tpu.memory_space<hbm>>
      %dma_start3A_301 = tpu.memref_squeeze %dma_start3A_300 : memref<1x16xi32, #tpu.memory_space<hbm>> -> memref<16xi32, #tpu.memory_space<hbm>>
      tpu.enqueue_dma source(%dma_start3A_301 : memref<16xi32, #tpu.memory_space<hbm>>) target(%arg6 : memref<16xi32, #tpu.memory_space<vmem>>) target_semaphore(%run_scoped3A : memref<!tpu.dma_semaphore, #tpu.memory_space<semaphore_mem>>)
      %dma_wait3A_302 = arith.constant 0 : i32
      %dma_wait3A_303 = tpu.memref_slice %arg3[%add3A_6, %dma_wait3A_302] : memref<256x16xi32, #tpu.memory_space<hbm>> -> memref<1x16xi32, #tpu.memory_space<hbm>>
      %dma_wait3A_304 = tpu.memref_squeeze %dma_wait3A_303 : memref<1x16xi32, #tpu.memory_space<hbm>> -> memref<16xi32, #tpu.memory_space<hbm>>
      %dma_wait3A_305 = arith.constant 0 : i32
      %dma_wait3A_306 = tpu.memref_slice %arg3[%add3A_6, %dma_wait3A_305] : memref<256x16xi32, #tpu.memory_space<hbm>> -> memref<1x16xi32, #tpu.memory_space<hbm>>
      %dma_wait3A_307 = tpu.memref_squeeze %dma_wait3A_306 : memref<1x16xi32, #tpu.memory_space<hbm>> -> memref<16xi32, #tpu.memory_space<hbm>>
      tpu.wait_dma2 semaphore(%run_scoped3A : memref<!tpu.dma_semaphore, #tpu.memory_space<semaphore_mem>>) src(%dma_wait3A_307 : memref<16xi32, #tpu.memory_space<hbm>>) dst(%arg6 : memref<16xi32, #tpu.memory_space<vmem>>)
      tpu.yield
    }) : () -> ()
    %add3A_7 = arith.constant 0 : i32
    %add3A_8 = arith.addi %mul3A_2, %add3A_7 : i32
    "tpu.region"() ({
      %run_scoped3A = tpu.sem_alloc : memref<!tpu.dma_semaphore, #tpu.memory_space<semaphore_mem>>
      %dma_start3A_296 = arith.constant 0 : i32
      %dma_start3A_297 = tpu.memref_slice %arg4[%add3A_8, %dma_start3A_296] : memref<256x16xf32, #tpu.memory_space<hbm>> -> memref<1x16xf32, #tpu.memory_space<hbm>>
      %dma_start3A_298 = tpu.memref_squeeze %dma_start3A_297 : memref<1x16xf32, #tpu.memory_space<hbm>> -> memref<16xf32, #tpu.memory_space<hbm>>
      %dma_start3A_299 = arith.constant 0 : i32
      %dma_start3A_300 = tpu.memref_slice %arg4[%add3A_8, %dma_start3A_299] : memref<256x16xf32, #tpu.memory_space<hbm>> -> memref<1x16xf32, #tpu.memory_space<hbm>>
      %dma_start3A_301 = tpu.memref_squeeze %dma_start3A_300 : memref<1x16xf32, #tpu.memory_space<hbm>> -> memref<16xf32, #tpu.memory_space<hbm>>
      tpu.enqueue_dma source(%dma_start3A_301 : memref<16xf32, #tpu.memory_space<hbm>>) target(%arg7 : memref<16xf32, #tpu.memory_space<vmem>>) target_semaphore(%run_scoped3A : memref<!tpu.dma_semaphore, #tpu.memory_space<semaphore_mem>>)
      %dma_wait3A_302 = arith.constant 0 : i32
      %dma_wait3A_303 = tpu.memref_slice %arg4[%add3A_8, %dma_wait3A_302] : memref<256x16xf32, #tpu.memory_space<hbm>> -> memref<1x16xf32, #tpu.memory_space<hbm>>
      %dma_wait3A_304 = tpu.memref_squeeze %dma_wait3A_303 : memref<1x16xf32, #tpu.memory_space<hbm>> -> memref<16xf32, #tpu.memory_space<hbm>>
      %dma_wait3A_305 = arith.constant 0 : i32
      %dma_wait3A_306 = tpu.memref_slice %arg4[%add3A_8, %dma_wait3A_305] : memref<256x16xf32, #tpu.memory_space<hbm>> -> memref<1x16xf32, #tpu.memory_space<hbm>>
      %dma_wait3A_307 = tpu.memref_squeeze %dma_wait3A_306 : memref<1x16xf32, #tpu.memory_space<hbm>> -> memref<16xf32, #tpu.memory_space<hbm>>
      tpu.wait_dma2 semaphore(%run_scoped3A : memref<!tpu.dma_semaphore, #tpu.memory_space<semaphore_mem>>) src(%dma_wait3A_307 : memref<16xf32, #tpu.memory_space<hbm>>) dst(%arg7 : memref<16xf32, #tpu.memory_space<vmem>>)
      tpu.yield
    }) : () -> ()
    %dma_start3A = arith.constant 0 : i32
    %dma_start3A_9 = arith.constant 0 : i32
    %dma_start3A_10 = tpu.memref_slice %arg2[%dma_start3A, %dma_start3A_9] : memref<6144x2048xf32, #tpu.memory_space<hbm>> -> memref<6144x2048xf32, #tpu.memory_space<hbm>>
    tpu.enqueue_indirect_dma source(%dma_start3A_10 : memref<6144x2048xf32, #tpu.memory_space<hbm>>) target(%arg8 : memref<16x2048xf32, #tpu.memory_space<vmem>>) offsets(%arg6 : memref<16xi32, #tpu.memory_space<vmem>>) semaphore(%arg15 : memref<!tpu.dma_semaphore, #tpu.memory_space<semaphore_mem>>)
    %add3A_11 = arith.constant 1 : i32
    %add3A_12 = arith.addi %mul3A_2, %add3A_11 : i32
    "tpu.region"() ({
      %run_scoped3A = tpu.sem_alloc : memref<!tpu.dma_semaphore, #tpu.memory_space<semaphore_mem>>
      %dma_start3A_296 = arith.constant 0 : i32
      %dma_start3A_297 = tpu.memref_slice %arg3[%add3A_12, %dma_start3A_296] : memref<256x16xi32, #tpu.memory_space<hbm>> -> memref<1x16xi32, #tpu.memory_space<hbm>>
      %dma_start3A_298 = tpu.memref_squeeze %dma_start3A_297 : memref<1x16xi32, #tpu.memory_space<hbm>> -> memref<16xi32, #tpu.memory_space<hbm>>
      %dma_start3A_299 = arith.constant 0 : i32
      %dma_start3A_300 = tpu.memref_slice %arg3[%add3A_12, %dma_start3A_299] : memref<256x16xi32, #tpu.memory_space<hbm>> -> memref<1x16xi32, #tpu.memory_space<hbm>>
      %dma_start3A_301 = tpu.memref_squeeze %dma_start3A_300 : memref<1x16xi32, #tpu.memory_space<hbm>> -> memref<16xi32, #tpu.memory_space<hbm>>
      tpu.enqueue_dma source(%dma_start3A_301 : memref<16xi32, #tpu.memory_space<hbm>>) target(%arg9 : memref<16xi32, #tpu.memory_space<vmem>>) target_semaphore(%run_scoped3A : memref<!tpu.dma_semaphore, #tpu.memory_space<semaphore_mem>>)
      %dma_wait3A_302 = arith.constant 0 : i32
      %dma_wait3A_303 = tpu.memref_slice %arg3[%add3A_12, %dma_wait3A_302] : memref<256x16xi32, #tpu.memory_space<hbm>> -> memref<1x16xi32, #tpu.memory_space<hbm>>
      %dma_wait3A_304 = tpu.memref_squeeze %dma_wait3A_303 : memref<1x16xi32, #tpu.memory_space<hbm>> -> memref<16xi32, #tpu.memory_space<hbm>>
      %dma_wait3A_305 = arith.constant 0 : i32
      %dma_wait3A_306 = tpu.memref_slice %arg3[%add3A_12, %dma_wait3A_305] : memref<256x16xi32, #tpu.memory_space<hbm>> -> memref<1x16xi32, #tpu.memory_space<hbm>>
      %dma_wait3A_307 = tpu.memref_squeeze %dma_wait3A_306 : memref<1x16xi32, #tpu.memory_space<hbm>> -> memref<16xi32, #tpu.memory_space<hbm>>
      tpu.wait_dma2 semaphore(%run_scoped3A : memref<!tpu.dma_semaphore, #tpu.memory_space<semaphore_mem>>) src(%dma_wait3A_307 : memref<16xi32, #tpu.memory_space<hbm>>) dst(%arg9 : memref<16xi32, #tpu.memory_space<vmem>>)
      tpu.yield
    }) : () -> ()
    %add3A_13 = arith.constant 1 : i32
    %add3A_14 = arith.addi %mul3A_2, %add3A_13 : i32
    "tpu.region"() ({
      %run_scoped3A = tpu.sem_alloc : memref<!tpu.dma_semaphore, #tpu.memory_space<semaphore_mem>>
      %dma_start3A_296 = arith.constant 0 : i32
      %dma_start3A_297 = tpu.memref_slice %arg4[%add3A_14, %dma_start3A_296] : memref<256x16xf32, #tpu.memory_space<hbm>> -> memref<1x16xf32, #tpu.memory_space<hbm>>
      %dma_start3A_298 = tpu.memref_squeeze %dma_start3A_297 : memref<1x16xf32, #tpu.memory_space<hbm>> -> memref<16xf32, #tpu.memory_space<hbm>>
      %dma_start3A_299 = arith.constant 0 : i32
      %dma_start3A_300 = tpu.memref_slice %arg4[%add3A_14, %dma_start3A_299] : memref<256x16xf32, #tpu.memory_space<hbm>> -> memref<1x16xf32, #tpu.memory_space<hbm>>
      %dma_start3A_301 = tpu.memref_squeeze %dma_start3A_300 : memref<1x16xf32, #tpu.memory_space<hbm>> -> memref<16xf32, #tpu.memory_space<hbm>>
      tpu.enqueue_dma source(%dma_start3A_301 : memref<16xf32, #tpu.memory_space<hbm>>) target(%arg10 : memref<16xf32, #tpu.memory_space<vmem>>) target_semaphore(%run_scoped3A : memref<!tpu.dma_semaphore, #tpu.memory_space<semaphore_mem>>)
      %dma_wait3A_302 = arith.constant 0 : i32
      %dma_wait3A_303 = tpu.memref_slice %arg4[%add3A_14, %dma_wait3A_302] : memref<256x16xf32, #tpu.memory_space<hbm>> -> memref<1x16xf32, #tpu.memory_space<hbm>>
      %dma_wait3A_304 = tpu.memref_squeeze %dma_wait3A_303 : memref<1x16xf32, #tpu.memory_space<hbm>> -> memref<16xf32, #tpu.memory_space<hbm>>
      %dma_wait3A_305 = arith.constant 0 : i32
      %dma_wait3A_306 = tpu.memref_slice %arg4[%add3A_14, %dma_wait3A_305] : memref<256x16xf32, #tpu.memory_space<hbm>> -> memref<1x16xf32, #tpu.memory_space<hbm>>
      %dma_wait3A_307 = tpu.memref_squeeze %dma_wait3A_306 : memref<1x16xf32, #tpu.memory_space<hbm>> -> memref<16xf32, #tpu.memory_space<hbm>>
      tpu.wait_dma2 semaphore(%run_scoped3A : memref<!tpu.dma_semaphore, #tpu.memory_space<semaphore_mem>>) src(%dma_wait3A_307 : memref<16xf32, #tpu.memory_space<hbm>>) dst(%arg10 : memref<16xf32, #tpu.memory_space<vmem>>)
      tpu.yield
    }) : () -> ()
    %dma_start3A_15 = arith.constant 0 : i32
    %dma_start3A_16 = arith.constant 0 : i32
    %dma_start3A_17 = tpu.memref_slice %arg2[%dma_start3A_15, %dma_start3A_16] : memref<6144x2048xf32, #tpu.memory_space<hbm>> -> memref<6144x2048xf32, #tpu.memory_space<hbm>>
    tpu.enqueue_indirect_dma source(%dma_start3A_17 : memref<6144x2048xf32, #tpu.memory_space<hbm>>) target(%arg11 : memref<16x2048xf32, #tpu.memory_space<vmem>>) offsets(%arg9 : memref<16xi32, #tpu.memory_space<vmem>>) semaphore(%arg16 : memref<!tpu.dma_semaphore, #tpu.memory_space<semaphore_mem>>)
    %dma_wait3A = arith.constant 0 : i32
    %dma_wait3A_18 = arith.constant 0 : i32
    %dma_wait3A_19 = tpu.memref_slice %arg2[%dma_wait3A, %dma_wait3A_18] : memref<6144x2048xf32, #tpu.memory_space<hbm>> -> memref<6144x2048xf32, #tpu.memory_space<hbm>>
    tpu.wait_indirect_dma semaphore(%arg15 : memref<!tpu.dma_semaphore, #tpu.memory_space<semaphore_mem>>) src(%dma_wait3A_19 : memref<6144x2048xf32, #tpu.memory_space<hbm>>) dst(%arg8 : memref<16x2048xf32, #tpu.memory_space<vmem>>)
    %scan3A = arith.constant 0 : i32
    %scan3A_20 = arith.constant 0 : i32
    %scan3A_21 = arith.constant 8 : i32
    %scan3A_22 = arith.addi %scan3A_20, %scan3A_21 : i32
    %scan3A_23 = arith.constant 1 : i32
    scf.for %scan3A_296 = %scan3A_20 to %scan3A_22 step %scan3A_23  : i32 {
      %broadcast_in_dim3A = vector.broadcast %scan3A_296 : i32 to vector<16xi32>
      %gather3A = tpu.vector_load_idx %arg7[%broadcast_in_dim3A] : memref<16xf32, #tpu.memory_space<vmem>>[vector<16xi32>], vector<16xf32>,
      %add3A_297 = arith.constant 8 : i32
      %add3A_298 = arith.addi %scan3A_296, %add3A_297 : i32
      %broadcast_in_dim3A_299 = vector.broadcast %add3A_298 : i32 to vector<16xi32>
      %gather3A_300 = tpu.vector_load_idx %arg7[%broadcast_in_dim3A_299] : memref<16xf32, #tpu.memory_space<vmem>>[vector<16xi32>], vector<16xf32>,
      %parallel_loop3A = arith.constant 0 : i32
      %parallel_loop3A_301 = arith.constant 128 : i32
      %parallel_loop3A_302 = arith.constant 1 : i32
      scf.for %parallel_loop3A_303 = %parallel_loop3A to %parallel_loop3A_301 step %parallel_loop3A_302  : i32 {
        %parallel_loop3A_304 = arith.constant 16 : i32
        %parallel_loop3A_305 = arith.muli %parallel_loop3A_303, %parallel_loop3A_304 : i32
        %parallel_loop3A_306 = arith.index_cast %scan3A_296 : i32 to index
        %parallel_loop3A_307 = arith.index_cast %parallel_loop3A_305 : i32 to index
        %parallel_loop3A_308 = tpu.vector_load %arg8[%parallel_loop3A_306, %parallel_loop3A_307] {strides = array<i32>} : memref<16x2048xf32, #tpu.memory_space<vmem>>, vector<16xf32>,
        %parallel_loop3A_309 = arith.mulf %parallel_loop3A_308, %gather3A : vector<16xf32>
        %parallel_loop3A_310 = arith.constant 8 : i32
        %parallel_loop3A_311 = arith.addi %scan3A_296, %parallel_loop3A_310 : i32
        %parallel_loop3A_312 = arith.index_cast %parallel_loop3A_311 : i32 to index
        %parallel_loop3A_313 = arith.index_cast %parallel_loop3A_305 : i32 to index
        %parallel_loop3A_314 = tpu.vector_load %arg8[%parallel_loop3A_312, %parallel_loop3A_313] {strides = array<i32>} : memref<16x2048xf32, #tpu.memory_space<vmem>>, vector<16xf32>,
        %parallel_loop3A_315 = arith.mulf %parallel_loop3A_314, %gather3A_300 : vector<16xf32>
        %parallel_loop3A_316 = arith.addf %parallel_loop3A_309, %parallel_loop3A_315 : vector<16xf32>
        %parallel_loop3A_317 = arith.index_cast %scan3A_296 : i32 to index
        %parallel_loop3A_318 = arith.index_cast %parallel_loop3A_305 : i32 to index
        %parallel_loop3A_319 = tpu.vector_load %arg8[%parallel_loop3A_317, %parallel_loop3A_318] {strides = array<i32>} : memref<16x2048xf32, #tpu.memory_space<vmem>>, vector<16xf32>,
        tpu.vector_store %arg8[%parallel_loop3A_317, %parallel_loop3A_318], %parallel_loop3A_316 {strides = array<i32>} : memref<16x2048xf32, #tpu.memory_space<vmem>>, vector<16xf32>,
      } {sc.loop_unroll_factor = 8 : i64, sc.parallel_access}
    }
    %scan3A_24 = arith.constant 8 : i32
    %add3A_25 = arith.constant 0 : i32
    %add3A_26 = arith.addi %mul3A_4, %add3A_25 : i32
    %dma_start3A_27 = arith.constant 0 : i32
    %dma_start3A_28 = arith.constant 0 : i32
    %dma_start3A_29 = tpu.memref_slice %arg8[%dma_start3A_27, %dma_start3A_28] : memref<16x2048xf32, #tpu.memory_space<vmem>> -> memref<8x2048xf32, #tpu.memory_space<vmem>>
    %dma_start3A_30 = arith.constant 0 : i32
    %dma_start3A_31 = tpu.memref_slice %arg5[%add3A_26, %dma_start3A_30] : memref<2048x2048xf32, #tpu.memory_space<hbm>> -> memref<8x2048xf32, #tpu.memory_space<hbm>>
    %dma_start3A_32 = arith.constant 0 : i32
    %dma_start3A_33 = tpu.memref_slice %arg5[%add3A_26, %dma_start3A_32] : memref<2048x2048xf32, #tpu.memory_space<hbm>> -> memref<8x2048xf32, #tpu.memory_space<hbm>>
    %dma_start3A_34 = arith.constant 0 : i32
    %dma_start3A_35 = arith.constant 0 : i32
    %dma_start3A_36 = tpu.memref_slice %arg8[%dma_start3A_34, %dma_start3A_35] : memref<16x2048xf32, #tpu.memory_space<vmem>> -> memref<8x2048xf32, #tpu.memory_space<vmem>>
    tpu.enqueue_dma source(%dma_start3A_36 : memref<8x2048xf32, #tpu.memory_space<vmem>>) target(%dma_start3A_33 : memref<8x2048xf32, #tpu.memory_space<hbm>>) target_semaphore(%arg18 : memref<!tpu.dma_semaphore, #tpu.memory_space<semaphore_mem>>)
    %add3A_37 = arith.constant 2 : i32
    %add3A_38 = arith.addi %mul3A_2, %add3A_37 : i32
    "tpu.region"() ({
      %run_scoped3A = tpu.sem_alloc : memref<!tpu.dma_semaphore, #tpu.memory_space<semaphore_mem>>
      %dma_start3A_296 = arith.constant 0 : i32
      %dma_start3A_297 = tpu.memref_slice %arg3[%add3A_38, %dma_start3A_296] : memref<256x16xi32, #tpu.memory_space<hbm>> -> memref<1x16xi32, #tpu.memory_space<hbm>>
      %dma_start3A_298 = tpu.memref_squeeze %dma_start3A_297 : memref<1x16xi32, #tpu.memory_space<hbm>> -> memref<16xi32, #tpu.memory_space<hbm>>
      %dma_start3A_299 = arith.constant 0 : i32
      %dma_start3A_300 = tpu.memref_slice %arg3[%add3A_38, %dma_start3A_299] : memref<256x16xi32, #tpu.memory_space<hbm>> -> memref<1x16xi32, #tpu.memory_space<hbm>>
      %dma_start3A_301 = tpu.memref_squeeze %dma_start3A_300 : memref<1x16xi32, #tpu.memory_space<hbm>> -> memref<16xi32, #tpu.memory_space<hbm>>
      tpu.enqueue_dma source(%dma_start3A_301 : memref<16xi32, #tpu.memory_space<hbm>>) target(%arg12 : memref<16xi32, #tpu.memory_space<vmem>>) target_semaphore(%run_scoped3A : memref<!tpu.dma_semaphore, #tpu.memory_space<semaphore_mem>>)
      %dma_wait3A_302 = arith.constant 0 : i32
      %dma_wait3A_303 = tpu.memref_slice %arg3[%add3A_38, %dma_wait3A_302] : memref<256x16xi32, #tpu.memory_space<hbm>> -> memref<1x16xi32, #tpu.memory_space<hbm>>
      %dma_wait3A_304 = tpu.memref_squeeze %dma_wait3A_303 : memref<1x16xi32, #tpu.memory_space<hbm>> -> memref<16xi32, #tpu.memory_space<hbm>>
      %dma_wait3A_305 = arith.constant 0 : i32
      %dma_wait3A_306 = tpu.memref_slice %arg3[%add3A_38, %dma_wait3A_305] : memref<256x16xi32, #tpu.memory_space<hbm>> -> memref<1x16xi32, #tpu.memory_space<hbm>>
      %dma_wait3A_307 = tpu.memref_squeeze %dma_wait3A_306 : memref<1x16xi32, #tpu.memory_space<hbm>> -> memref<16xi32, #tpu.memory_space<hbm>>
      tpu.wait_dma2 semaphore(%run_scoped3A : memref<!tpu.dma_semaphore, #tpu.memory_space<semaphore_mem>>) src(%dma_wait3A_307 : memref<16xi32, #tpu.memory_space<hbm>>) dst(%arg12 : memref<16xi32, #tpu.memory_space<vmem>>)
      tpu.yield
    }) : () -> ()
    %add3A_39 = arith.constant 2 : i32
    %add3A_40 = arith.addi %mul3A_2, %add3A_39 : i32
    "tpu.region"() ({
      %run_scoped3A = tpu.sem_alloc : memref<!tpu.dma_semaphore, #tpu.memory_space<semaphore_mem>>
      %dma_start3A_296 = arith.constant 0 : i32
      %dma_start3A_297 = tpu.memref_slice %arg4[%add3A_40, %dma_start3A_296] : memref<256x16xf32, #tpu.memory_space<hbm>> -> memref<1x16xf32, #tpu.memory_space<hbm>>
      %dma_start3A_298 = tpu.memref_squeeze %dma_start3A_297 : memref<1x16xf32, #tpu.memory_space<hbm>> -> memref<16xf32, #tpu.memory_space<hbm>>
      %dma_start3A_299 = arith.constant 0 : i32
      %dma_start3A_300 = tpu.memref_slice %arg4[%add3A_40, %dma_start3A_299] : memref<256x16xf32, #tpu.memory_space<hbm>> -> memref<1x16xf32, #tpu.memory_space<hbm>>
      %dma_start3A_301 = tpu.memref_squeeze %dma_start3A_300 : memref<1x16xf32, #tpu.memory_space<hbm>> -> memref<16xf32, #tpu.memory_space<hbm>>
      tpu.enqueue_dma source(%dma_start3A_301 : memref<16xf32, #tpu.memory_space<hbm>>) target(%arg13 : memref<16xf32, #tpu.memory_space<vmem>>) target_semaphore(%run_scoped3A : memref<!tpu.dma_semaphore, #tpu.memory_space<semaphore_mem>>)
      %dma_wait3A_302 = arith.constant 0 : i32
      %dma_wait3A_303 = tpu.memref_slice %arg4[%add3A_40, %dma_wait3A_302] : memref<256x16xf32, #tpu.memory_space<hbm>> -> memref<1x16xf32, #tpu.memory_space<hbm>>
      %dma_wait3A_304 = tpu.memref_squeeze %dma_wait3A_303 : memref<1x16xf32, #tpu.memory_space<hbm>> -> memref<16xf32, #tpu.memory_space<hbm>>
      %dma_wait3A_305 = arith.constant 0 : i32
      %dma_wait3A_306 = tpu.memref_slice %arg4[%add3A_40, %dma_wait3A_305] : memref<256x16xf32, #tpu.memory_space<hbm>> -> memref<1x16xf32, #tpu.memory_space<hbm>>
      %dma_wait3A_307 = tpu.memref_squeeze %dma_wait3A_306 : memref<1x16xf32, #tpu.memory_space<hbm>> -> memref<16xf32, #tpu.memory_space<hbm>>
      tpu.wait_dma2 semaphore(%run_scoped3A : memref<!tpu.dma_semaphore, #tpu.memory_space<semaphore_mem>>) src(%dma_wait3A_307 : memref<16xf32, #tpu.memory_space<hbm>>) dst(%arg13 : memref<16xf32, #tpu.memory_space<vmem>>)
      tpu.yield
    }) : () -> ()
    %dma_start3A_41 = arith.constant 0 : i32
    %dma_start3A_42 = arith.constant 0 : i32
    %dma_start3A_43 = tpu.memref_slice %arg2[%dma_start3A_41, %dma_start3A_42] : memref<6144x2048xf32, #tpu.memory_space<hbm>> -> memref<6144x2048xf32, #tpu.memory_space<hbm>>
    tpu.enqueue_indirect_dma source(%dma_start3A_43 : memref<6144x2048xf32, #tpu.memory_space<hbm>>) target(%arg14 : memref<16x2048xf32, #tpu.memory_space<vmem>>) offsets(%arg12 : memref<16xi32, #tpu.memory_space<vmem>>) semaphore(%arg17 : memref<!tpu.dma_semaphore, #tpu.memory_space<semaphore_mem>>)
    %dma_wait3A_44 = arith.constant 0 : i32
    %dma_wait3A_45 = arith.constant 0 : i32
    %dma_wait3A_46 = tpu.memref_slice %arg2[%dma_wait3A_44, %dma_wait3A_45] : memref<6144x2048xf32, #tpu.memory_space<hbm>> -> memref<6144x2048xf32, #tpu.memory_space<hbm>>
    tpu.wait_indirect_dma semaphore(%arg16 : memref<!tpu.dma_semaphore, #tpu.memory_space<semaphore_mem>>) src(%dma_wait3A_46 : memref<6144x2048xf32, #tpu.memory_space<hbm>>) dst(%arg11 : memref<16x2048xf32, #tpu.memory_space<vmem>>)
    %scan3A_47 = arith.constant 0 : i32
    %scan3A_48 = arith.constant 0 : i32
    %scan3A_49 = arith.constant 8 : i32
    %scan3A_50 = arith.addi %scan3A_48, %scan3A_49 : i32
    %scan3A_51 = arith.constant 1 : i32
    scf.for %scan3A_296 = %scan3A_48 to %scan3A_50 step %scan3A_51  : i32 {
      %broadcast_in_dim3A = vector.broadcast %scan3A_296 : i32 to vector<16xi32>
      %gather3A = tpu.vector_load_idx %arg10[%broadcast_in_dim3A] : memref<16xf32, #tpu.memory_space<vmem>>[vector<16xi32>], vector<16xf32>,
      %add3A_297 = arith.constant 8 : i32
      %add3A_298 = arith.addi %scan3A_296, %add3A_297 : i32
      %broadcast_in_dim3A_299 = vector.broadcast %add3A_298 : i32 to vector<16xi32>
      %gather3A_300 = tpu.vector_load_idx %arg10[%broadcast_in_dim3A_299] : memref<16xf32, #tpu.memory_space<vmem>>[vector<16xi32>], vector<16xf32>,
      %parallel_loop3A = arith.constant 0 : i32
      %parallel_loop3A_301 = arith.constant 128 : i32
      %parallel_loop3A_302 = arith.constant 1 : i32
      scf.for %parallel_loop3A_303 = %parallel_loop3A to %parallel_loop3A_301 step %parallel_loop3A_302  : i32 {
        %parallel_loop3A_304 = arith.constant 16 : i32
        %parallel_loop3A_305 = arith.muli %parallel_loop3A_303, %parallel_loop3A_304 : i32
        %parallel_loop3A_306 = arith.index_cast %scan3A_296 : i32 to index
        %parallel_loop3A_307 = arith.index_cast %parallel_loop3A_305 : i32 to index
        %parallel_loop3A_308 = tpu.vector_load %arg11[%parallel_loop3A_306, %parallel_loop3A_307] {strides = array<i32>} : memref<16x2048xf32, #tpu.memory_space<vmem>>, vector<16xf32>,
        %parallel_loop3A_309 = arith.mulf %parallel_loop3A_308, %gather3A : vector<16xf32>
        %parallel_loop3A_310 = arith.constant 8 : i32
        %parallel_loop3A_311 = arith.addi %scan3A_296, %parallel_loop3A_310 : i32
        %parallel_loop3A_312 = arith.index_cast %parallel_loop3A_311 : i32 to index
        %parallel_loop3A_313 = arith.index_cast %parallel_loop3A_305 : i32 to index
        %parallel_loop3A_314 = tpu.vector_load %arg11[%parallel_loop3A_312, %parallel_loop3A_313] {strides = array<i32>} : memref<16x2048xf32, #tpu.memory_space<vmem>>, vector<16xf32>,
        %parallel_loop3A_315 = arith.mulf %parallel_loop3A_314, %gather3A_300 : vector<16xf32>
        %parallel_loop3A_316 = arith.addf %parallel_loop3A_309, %parallel_loop3A_315 : vector<16xf32>
        %parallel_loop3A_317 = arith.index_cast %scan3A_296 : i32 to index
        %parallel_loop3A_318 = arith.index_cast %parallel_loop3A_305 : i32 to index
        %parallel_loop3A_319 = tpu.vector_load %arg11[%parallel_loop3A_317, %parallel_loop3A_318] {strides = array<i32>} : memref<16x2048xf32, #tpu.memory_space<vmem>>, vector<16xf32>,
        tpu.vector_store %arg11[%parallel_loop3A_317, %parallel_loop3A_318], %parallel_loop3A_316 {strides = array<i32>} : memref<16x2048xf32, #tpu.memory_space<vmem>>, vector<16xf32>,
      } {sc.loop_unroll_factor = 8 : i64, sc.parallel_access}
    }
    %scan3A_52 = arith.constant 8 : i32
    %add3A_53 = arith.constant 8 : i32
    %add3A_54 = arith.addi %mul3A_4, %add3A_53 : i32
    %dma_start3A_55 = arith.constant 0 : i32
    %dma_start3A_56 = arith.constant 0 : i32
    %dma_start3A_57 = tpu.memref_slice %arg11[%dma_start3A_55, %dma_start3A_56] : memref<16x2048xf32, #tpu.memory_space<vmem>> -> memref<8x2048xf32, #tpu.memory_space<vmem>>
    %dma_start3A_58 = arith.constant 0 : i32
    %dma_start3A_59 = tpu.memref_slice %arg5[%add3A_54, %dma_start3A_58] : memref<2048x2048xf32, #tpu.memory_space<hbm>> -> memref<8x2048xf32, #tpu.memory_space<hbm>>
    %dma_start3A_60 = arith.constant 0 : i32
    %dma_start3A_61 = tpu.memref_slice %arg5[%add3A_54, %dma_start3A_60] : memref<2048x2048xf32, #tpu.memory_space<hbm>> -> memref<8x2048xf32, #tpu.memory_space<hbm>>
    %dma_start3A_62 = arith.constant 0 : i32
    %dma_start3A_63 = arith.constant 0 : i32
    %dma_start3A_64 = tpu.memref_slice %arg11[%dma_start3A_62, %dma_start3A_63] : memref<16x2048xf32, #tpu.memory_space<vmem>> -> memref<8x2048xf32, #tpu.memory_space<vmem>>
    tpu.enqueue_dma source(%dma_start3A_64 : memref<8x2048xf32, #tpu.memory_space<vmem>>) target(%dma_start3A_61 : memref<8x2048xf32, #tpu.memory_space<hbm>>) target_semaphore(%arg19 : memref<!tpu.dma_semaphore, #tpu.memory_space<semaphore_mem>>)
    %dma_wait3A_65 = arith.constant 0 : i32
    %dma_wait3A_66 = arith.constant 0 : i32
    %dma_wait3A_67 = tpu.memref_slice %arg8[%dma_wait3A_65, %dma_wait3A_66] : memref<16x2048xf32, #tpu.memory_space<vmem>> -> memref<8x2048xf32, #tpu.memory_space<vmem>>
    %dma_wait3A_68 = arith.constant 0 : i32
    %dma_wait3A_69 = tpu.memref_slice %arg5[%add3A_26, %dma_wait3A_68] : memref<2048x2048xf32, #tpu.memory_space<hbm>> -> memref<8x2048xf32, #tpu.memory_space<hbm>>
    %dma_wait3A_70 = arith.constant 0 : i32
    %dma_wait3A_71 = tpu.memref_slice %arg5[%add3A_26, %dma_wait3A_70] : memref<2048x2048xf32, #tpu.memory_space<hbm>> -> memref<8x2048xf32, #tpu.memory_space<hbm>>
    %dma_wait3A_72 = arith.constant 0 : i32
    %dma_wait3A_73 = arith.constant 0 : i32
    %dma_wait3A_74 = tpu.memref_slice %arg8[%dma_wait3A_72, %dma_wait3A_73] : memref<16x2048xf32, #tpu.memory_space<vmem>> -> memref<8x2048xf32, #tpu.memory_space<vmem>>
    tpu.wait_dma2 semaphore(%arg18 : memref<!tpu.dma_semaphore, #tpu.memory_space<semaphore_mem>>) src(%dma_wait3A_74 : memref<8x2048xf32, #tpu.memory_space<vmem>>) dst(%dma_wait3A_71 : memref<8x2048xf32, #tpu.memory_space<hbm>>)
    %add3A_75 = arith.constant 3 : i32
    %add3A_76 = arith.addi %mul3A_2, %add3A_75 : i32
    "tpu.region"() ({
      %run_scoped3A = tpu.sem_alloc : memref<!tpu.dma_semaphore, #tpu.memory_space<semaphore_mem>>
      %dma_start3A_296 = arith.constant 0 : i32
      %dma_start3A_297 = tpu.memref_slice %arg3[%add3A_76, %dma_start3A_296] : memref<256x16xi32, #tpu.memory_space<hbm>> -> memref<1x16xi32, #tpu.memory_space<hbm>>
      %dma_start3A_298 = tpu.memref_squeeze %dma_start3A_297 : memref<1x16xi32, #tpu.memory_space<hbm>> -> memref<16xi32, #tpu.memory_space<hbm>>
      %dma_start3A_299 = arith.constant 0 : i32
      %dma_start3A_300 = tpu.memref_slice %arg3[%add3A_76, %dma_start3A_299] : memref<256x16xi32, #tpu.memory_space<hbm>> -> memref<1x16xi32, #tpu.memory_space<hbm>>
      %dma_start3A_301 = tpu.memref_squeeze %dma_start3A_300 : memref<1x16xi32, #tpu.memory_space<hbm>> -> memref<16xi32, #tpu.memory_space<hbm>>
      tpu.enqueue_dma source(%dma_start3A_301 : memref<16xi32, #tpu.memory_space<hbm>>) target(%arg6 : memref<16xi32, #tpu.memory_space<vmem>>) target_semaphore(%run_scoped3A : memref<!tpu.dma_semaphore, #tpu.memory_space<semaphore_mem>>)
      %dma_wait3A_302 = arith.constant 0 : i32
      %dma_wait3A_303 = tpu.memref_slice %arg3[%add3A_76, %dma_wait3A_302] : memref<256x16xi32, #tpu.memory_space<hbm>> -> memref<1x16xi32, #tpu.memory_space<hbm>>
      %dma_wait3A_304 = tpu.memref_squeeze %dma_wait3A_303 : memref<1x16xi32, #tpu.memory_space<hbm>> -> memref<16xi32, #tpu.memory_space<hbm>>
      %dma_wait3A_305 = arith.constant 0 : i32
      %dma_wait3A_306 = tpu.memref_slice %arg3[%add3A_76, %dma_wait3A_305] : memref<256x16xi32, #tpu.memory_space<hbm>> -> memref<1x16xi32, #tpu.memory_space<hbm>>
      %dma_wait3A_307 = tpu.memref_squeeze %dma_wait3A_306 : memref<1x16xi32, #tpu.memory_space<hbm>> -> memref<16xi32, #tpu.memory_space<hbm>>
      tpu.wait_dma2 semaphore(%run_scoped3A : memref<!tpu.dma_semaphore, #tpu.memory_space<semaphore_mem>>) src(%dma_wait3A_307 : memref<16xi32, #tpu.memory_space<hbm>>) dst(%arg6 : memref<16xi32, #tpu.memory_space<vmem>>)
      tpu.yield
    }) : () -> ()
    %add3A_77 = arith.constant 3 : i32
    %add3A_78 = arith.addi %mul3A_2, %add3A_77 : i32
    "tpu.region"() ({
      %run_scoped3A = tpu.sem_alloc : memref<!tpu.dma_semaphore, #tpu.memory_space<semaphore_mem>>
      %dma_start3A_296 = arith.constant 0 : i32
      %dma_start3A_297 = tpu.memref_slice %arg4[%add3A_78, %dma_start3A_296] : memref<256x16xf32, #tpu.memory_space<hbm>> -> memref<1x16xf32, #tpu.memory_space<hbm>>
      %dma_start3A_298 = tpu.memref_squeeze %dma_start3A_297 : memref<1x16xf32, #tpu.memory_space<hbm>> -> memref<16xf32, #tpu.memory_space<hbm>>
      %dma_start3A_299 = arith.constant 0 : i32
      %dma_start3A_300 = tpu.memref_slice %arg4[%add3A_78, %dma_start3A_299] : memref<256x16xf32, #tpu.memory_space<hbm>> -> memref<1x16xf32, #tpu.memory_space<hbm>>
      %dma_start3A_301 = tpu.memref_squeeze %dma_start3A_300 : memref<1x16xf32, #tpu.memory_space<hbm>> -> memref<16xf32, #tpu.memory_space<hbm>>
      tpu.enqueue_dma source(%dma_start3A_301 : memref<16xf32, #tpu.memory_space<hbm>>) target(%arg7 : memref<16xf32, #tpu.memory_space<vmem>>) target_semaphore(%run_scoped3A : memref<!tpu.dma_semaphore, #tpu.memory_space<semaphore_mem>>)
      %dma_wait3A_302 = arith.constant 0 : i32
      %dma_wait3A_303 = tpu.memref_slice %arg4[%add3A_78, %dma_wait3A_302] : memref<256x16xf32, #tpu.memory_space<hbm>> -> memref<1x16xf32, #tpu.memory_space<hbm>>
      %dma_wait3A_304 = tpu.memref_squeeze %dma_wait3A_303 : memref<1x16xf32, #tpu.memory_space<hbm>> -> memref<16xf32, #tpu.memory_space<hbm>>
      %dma_wait3A_305 = arith.constant 0 : i32
      %dma_wait3A_306 = tpu.memref_slice %arg4[%add3A_78, %dma_wait3A_305] : memref<256x16xf32, #tpu.memory_space<hbm>> -> memref<1x16xf32, #tpu.memory_space<hbm>>
      %dma_wait3A_307 = tpu.memref_squeeze %dma_wait3A_306 : memref<1x16xf32, #tpu.memory_space<hbm>> -> memref<16xf32, #tpu.memory_space<hbm>>
      tpu.wait_dma2 semaphore(%run_scoped3A : memref<!tpu.dma_semaphore, #tpu.memory_space<semaphore_mem>>) src(%dma_wait3A_307 : memref<16xf32, #tpu.memory_space<hbm>>) dst(%arg7 : memref<16xf32, #tpu.memory_space<vmem>>)
      tpu.yield
    }) : () -> ()
    %dma_start3A_79 = arith.constant 0 : i32
    %dma_start3A_80 = arith.constant 0 : i32
    %dma_start3A_81 = tpu.memref_slice %arg2[%dma_start3A_79, %dma_start3A_80] : memref<6144x2048xf32, #tpu.memory_space<hbm>> -> memref<6144x2048xf32, #tpu.memory_space<hbm>>
    tpu.enqueue_indirect_dma source(%dma_start3A_81 : memref<6144x2048xf32, #tpu.memory_space<hbm>>) target(%arg8 : memref<16x2048xf32, #tpu.memory_space<vmem>>) offsets(%arg6 : memref<16xi32, #tpu.memory_space<vmem>>) semaphore(%arg15 : memref<!tpu.dma_semaphore, #tpu.memory_space<semaphore_mem>>)
    %dma_wait3A_82 = arith.constant 0 : i32
    %dma_wait3A_83 = arith.constant 0 : i32
    %dma_wait3A_84 = tpu.memref_slice %arg2[%dma_wait3A_82, %dma_wait3A_83] : memref<6144x2048xf32, #tpu.memory_space<hbm>> -> memref<6144x2048xf32, #tpu.memory_space<hbm>>
    tpu.wait_indirect_dma semaphore(%arg17 : memref<!tpu.dma_semaphore, #tpu.memory_space<semaphore_mem>>) src(%dma_wait3A_84 : memref<6144x2048xf32, #tpu.memory_space<hbm>>) dst(%arg14 : memref<16x2048xf32, #tpu.memory_space<vmem>>)
    %scan3A_85 = arith.constant 0 : i32
    %scan3A_86 = arith.constant 0 : i32
    %scan3A_87 = arith.constant 8 : i32
    %scan3A_88 = arith.addi %scan3A_86, %scan3A_87 : i32
    %scan3A_89 = arith.constant 1 : i32
    scf.for %scan3A_296 = %scan3A_86 to %scan3A_88 step %scan3A_89  : i32 {
      %broadcast_in_dim3A = vector.broadcast %scan3A_296 : i32 to vector<16xi32>
      %gather3A = tpu.vector_load_idx %arg13[%broadcast_in_dim3A] : memref<16xf32, #tpu.memory_space<vmem>>[vector<16xi32>], vector<16xf32>,
      %add3A_297 = arith.constant 8 : i32
      %add3A_298 = arith.addi %scan3A_296, %add3A_297 : i32
      %broadcast_in_dim3A_299 = vector.broadcast %add3A_298 : i32 to vector<16xi32>
      %gather3A_300 = tpu.vector_load_idx %arg13[%broadcast_in_dim3A_299] : memref<16xf32, #tpu.memory_space<vmem>>[vector<16xi32>], vector<16xf32>,
      %parallel_loop3A = arith.constant 0 : i32
      %parallel_loop3A_301 = arith.constant 128 : i32
      %parallel_loop3A_302 = arith.constant 1 : i32
      scf.for %parallel_loop3A_303 = %parallel_loop3A to %parallel_loop3A_301 step %parallel_loop3A_302  : i32 {
        %parallel_loop3A_304 = arith.constant 16 : i32
        %parallel_loop3A_305 = arith.muli %parallel_loop3A_303, %parallel_loop3A_304 : i32
        %parallel_loop3A_306 = arith.index_cast %scan3A_296 : i32 to index
        %parallel_loop3A_307 = arith.index_cast %parallel_loop3A_305 : i32 to index
        %parallel_loop3A_308 = tpu.vector_load %arg14[%parallel_loop3A_306, %parallel_loop3A_307] {strides = array<i32>} : memref<16x2048xf32, #tpu.memory_space<vmem>>, vector<16xf32>,
        %parallel_loop3A_309 = arith.mulf %parallel_loop3A_308, %gather3A : vector<16xf32>
        %parallel_loop3A_310 = arith.constant 8 : i32
        %parallel_loop3A_311 = arith.addi %scan3A_296, %parallel_loop3A_310 : i32
        %parallel_loop3A_312 = arith.index_cast %parallel_loop3A_311 : i32 to index
        %parallel_loop3A_313 = arith.index_cast %parallel_loop3A_305 : i32 to index
        %parallel_loop3A_314 = tpu.vector_load %arg14[%parallel_loop3A_312, %parallel_loop3A_313] {strides = array<i32>} : memref<16x2048xf32, #tpu.memory_space<vmem>>, vector<16xf32>,
        %parallel_loop3A_315 = arith.mulf %parallel_loop3A_314, %gather3A_300 : vector<16xf32>
        %parallel_loop3A_316 = arith.addf %parallel_loop3A_309, %parallel_loop3A_315 : vector<16xf32>
        %parallel_loop3A_317 = arith.index_cast %scan3A_296 : i32 to index
        %parallel_loop3A_318 = arith.index_cast %parallel_loop3A_305 : i32 to index
        %parallel_loop3A_319 = tpu.vector_load %arg14[%parallel_loop3A_317, %parallel_loop3A_318] {strides = array<i32>} : memref<16x2048xf32, #tpu.memory_space<vmem>>, vector<16xf32>,
        tpu.vector_store %arg14[%parallel_loop3A_317, %parallel_loop3A_318], %parallel_loop3A_316 {strides = array<i32>} : memref<16x2048xf32, #tpu.memory_space<vmem>>, vector<16xf32>,
      } {sc.loop_unroll_factor = 8 : i64, sc.parallel_access}
    }
    %scan3A_90 = arith.constant 8 : i32
    %add3A_91 = arith.constant 16 : i32
    %add3A_92 = arith.addi %mul3A_4, %add3A_91 : i32
    %dma_start3A_93 = arith.constant 0 : i32
    %dma_start3A_94 = arith.constant 0 : i32
    %dma_start3A_95 = tpu.memref_slice %arg14[%dma_start3A_93, %dma_start3A_94] : memref<16x2048xf32, #tpu.memory_space<vmem>> -> memref<8x2048xf32, #tpu.memory_space<vmem>>
    %dma_start3A_96 = arith.constant 0 : i32
    %dma_start3A_97 = tpu.memref_slice %arg5[%add3A_92, %dma_start3A_96] : memref<2048x2048xf32, #tpu.memory_space<hbm>> -> memref<8x2048xf32, #tpu.memory_space<hbm>>
    %dma_start3A_98 = arith.constant 0 : i32
    %dma_start3A_99 = tpu.memref_slice %arg5[%add3A_92, %dma_start3A_98] : memref<2048x2048xf32, #tpu.memory_space<hbm>> -> memref<8x2048xf32, #tpu.memory_space<hbm>>
    %dma_start3A_100 = arith.constant 0 : i32
    %dma_start3A_101 = arith.constant 0 : i32
    %dma_start3A_102 = tpu.memref_slice %arg14[%dma_start3A_100, %dma_start3A_101] : memref<16x2048xf32, #tpu.memory_space<vmem>> -> memref<8x2048xf32, #tpu.memory_space<vmem>>
    tpu.enqueue_dma source(%dma_start3A_102 : memref<8x2048xf32, #tpu.memory_space<vmem>>) target(%dma_start3A_99 : memref<8x2048xf32, #tpu.memory_space<hbm>>) target_semaphore(%arg20 : memref<!tpu.dma_semaphore, #tpu.memory_space<semaphore_mem>>)
    %dma_wait3A_103 = arith.constant 0 : i32
    %dma_wait3A_104 = arith.constant 0 : i32
    %dma_wait3A_105 = tpu.memref_slice %arg11[%dma_wait3A_103, %dma_wait3A_104] : memref<16x2048xf32, #tpu.memory_space<vmem>> -> memref<8x2048xf32, #tpu.memory_space<vmem>>
    %dma_wait3A_106 = arith.constant 0 : i32
    %dma_wait3A_107 = tpu.memref_slice %arg5[%add3A_54, %dma_wait3A_106] : memref<2048x2048xf32, #tpu.memory_space<hbm>> -> memref<8x2048xf32, #tpu.memory_space<hbm>>
    %dma_wait3A_108 = arith.constant 0 : i32
    %dma_wait3A_109 = tpu.memref_slice %arg5[%add3A_54, %dma_wait3A_108] : memref<2048x2048xf32, #tpu.memory_space<hbm>> -> memref<8x2048xf32, #tpu.memory_space<hbm>>
    %dma_wait3A_110 = arith.constant 0 : i32
    %dma_wait3A_111 = arith.constant 0 : i32
    %dma_wait3A_112 = tpu.memref_slice %arg11[%dma_wait3A_110, %dma_wait3A_111] : memref<16x2048xf32, #tpu.memory_space<vmem>> -> memref<8x2048xf32, #tpu.memory_space<vmem>>
    tpu.wait_dma2 semaphore(%arg19 : memref<!tpu.dma_semaphore, #tpu.memory_space<semaphore_mem>>) src(%dma_wait3A_112 : memref<8x2048xf32, #tpu.memory_space<vmem>>) dst(%dma_wait3A_109 : memref<8x2048xf32, #tpu.memory_space<hbm>>)
    %add3A_113 = arith.constant 4 : i32
    %add3A_114 = arith.addi %mul3A_2, %add3A_113 : i32
    "tpu.region"() ({
      %run_scoped3A = tpu.sem_alloc : memref<!tpu.dma_semaphore, #tpu.memory_space<semaphore_mem>>
      %dma_start3A_296 = arith.constant 0 : i32
      %dma_start3A_297 = tpu.memref_slice %arg3[%add3A_114, %dma_start3A_296] : memref<256x16xi32, #tpu.memory_space<hbm>> -> memref<1x16xi32, #tpu.memory_space<hbm>>
      %dma_start3A_298 = tpu.memref_squeeze %dma_start3A_297 : memref<1x16xi32, #tpu.memory_space<hbm>> -> memref<16xi32, #tpu.memory_space<hbm>>
      %dma_start3A_299 = arith.constant 0 : i32
      %dma_start3A_300 = tpu.memref_slice %arg3[%add3A_114, %dma_start3A_299] : memref<256x16xi32, #tpu.memory_space<hbm>> -> memref<1x16xi32, #tpu.memory_space<hbm>>
      %dma_start3A_301 = tpu.memref_squeeze %dma_start3A_300 : memref<1x16xi32, #tpu.memory_space<hbm>> -> memref<16xi32, #tpu.memory_space<hbm>>
      tpu.enqueue_dma source(%dma_start3A_301 : memref<16xi32, #tpu.memory_space<hbm>>) target(%arg9 : memref<16xi32, #tpu.memory_space<vmem>>) target_semaphore(%run_scoped3A : memref<!tpu.dma_semaphore, #tpu.memory_space<semaphore_mem>>)
      %dma_wait3A_302 = arith.constant 0 : i32
      %dma_wait3A_303 = tpu.memref_slice %arg3[%add3A_114, %dma_wait3A_302] : memref<256x16xi32, #tpu.memory_space<hbm>> -> memref<1x16xi32, #tpu.memory_space<hbm>>
      %dma_wait3A_304 = tpu.memref_squeeze %dma_wait3A_303 : memref<1x16xi32, #tpu.memory_space<hbm>> -> memref<16xi32, #tpu.memory_space<hbm>>
      %dma_wait3A_305 = arith.constant 0 : i32
      %dma_wait3A_306 = tpu.memref_slice %arg3[%add3A_114, %dma_wait3A_305] : memref<256x16xi32, #tpu.memory_space<hbm>> -> memref<1x16xi32, #tpu.memory_space<hbm>>
      %dma_wait3A_307 = tpu.memref_squeeze %dma_wait3A_306 : memref<1x16xi32, #tpu.memory_space<hbm>> -> memref<16xi32, #tpu.memory_space<hbm>>
      tpu.wait_dma2 semaphore(%run_scoped3A : memref<!tpu.dma_semaphore, #tpu.memory_space<semaphore_mem>>) src(%dma_wait3A_307 : memref<16xi32, #tpu.memory_space<hbm>>) dst(%arg9 : memref<16xi32, #tpu.memory_space<vmem>>)
      tpu.yield
    }) : () -> ()
    %add3A_115 = arith.constant 4 : i32
    %add3A_116 = arith.addi %mul3A_2, %add3A_115 : i32
    "tpu.region"() ({
      %run_scoped3A = tpu.sem_alloc : memref<!tpu.dma_semaphore, #tpu.memory_space<semaphore_mem>>
      %dma_start3A_296 = arith.constant 0 : i32
      %dma_start3A_297 = tpu.memref_slice %arg4[%add3A_116, %dma_start3A_296] : memref<256x16xf32, #tpu.memory_space<hbm>> -> memref<1x16xf32, #tpu.memory_space<hbm>>
      %dma_start3A_298 = tpu.memref_squeeze %dma_start3A_297 : memref<1x16xf32, #tpu.memory_space<hbm>> -> memref<16xf32, #tpu.memory_space<hbm>>
      %dma_start3A_299 = arith.constant 0 : i32
      %dma_start3A_300 = tpu.memref_slice %arg4[%add3A_116, %dma_start3A_299] : memref<256x16xf32, #tpu.memory_space<hbm>> -> memref<1x16xf32, #tpu.memory_space<hbm>>
      %dma_start3A_301 = tpu.memref_squeeze %dma_start3A_300 : memref<1x16xf32, #tpu.memory_space<hbm>> -> memref<16xf32, #tpu.memory_space<hbm>>
      tpu.enqueue_dma source(%dma_start3A_301 : memref<16xf32, #tpu.memory_space<hbm>>) target(%arg10 : memref<16xf32, #tpu.memory_space<vmem>>) target_semaphore(%run_scoped3A : memref<!tpu.dma_semaphore, #tpu.memory_space<semaphore_mem>>)
      %dma_wait3A_302 = arith.constant 0 : i32
      %dma_wait3A_303 = tpu.memref_slice %arg4[%add3A_116, %dma_wait3A_302] : memref<256x16xf32, #tpu.memory_space<hbm>> -> memref<1x16xf32, #tpu.memory_space<hbm>>
      %dma_wait3A_304 = tpu.memref_squeeze %dma_wait3A_303 : memref<1x16xf32, #tpu.memory_space<hbm>> -> memref<16xf32, #tpu.memory_space<hbm>>
      %dma_wait3A_305 = arith.constant 0 : i32
      %dma_wait3A_306 = tpu.memref_slice %arg4[%add3A_116, %dma_wait3A_305] : memref<256x16xf32, #tpu.memory_space<hbm>> -> memref<1x16xf32, #tpu.memory_space<hbm>>
      %dma_wait3A_307 = tpu.memref_squeeze %dma_wait3A_306 : memref<1x16xf32, #tpu.memory_space<hbm>> -> memref<16xf32, #tpu.memory_space<hbm>>
      tpu.wait_dma2 semaphore(%run_scoped3A : memref<!tpu.dma_semaphore, #tpu.memory_space<semaphore_mem>>) src(%dma_wait3A_307 : memref<16xf32, #tpu.memory_space<hbm>>) dst(%arg10 : memref<16xf32, #tpu.memory_space<vmem>>)
      tpu.yield
    }) : () -> ()
    %dma_start3A_117 = arith.constant 0 : i32
    %dma_start3A_118 = arith.constant 0 : i32
    %dma_start3A_119 = tpu.memref_slice %arg2[%dma_start3A_117, %dma_start3A_118] : memref<6144x2048xf32, #tpu.memory_space<hbm>> -> memref<6144x2048xf32, #tpu.memory_space<hbm>>
    tpu.enqueue_indirect_dma source(%dma_start3A_119 : memref<6144x2048xf32, #tpu.memory_space<hbm>>) target(%arg11 : memref<16x2048xf32, #tpu.memory_space<vmem>>) offsets(%arg9 : memref<16xi32, #tpu.memory_space<vmem>>) semaphore(%arg16 : memref<!tpu.dma_semaphore, #tpu.memory_space<semaphore_mem>>)
    %dma_wait3A_120 = arith.constant 0 : i32
    %dma_wait3A_121 = arith.constant 0 : i32
    %dma_wait3A_122 = tpu.memref_slice %arg2[%dma_wait3A_120, %dma_wait3A_121] : memref<6144x2048xf32, #tpu.memory_space<hbm>> -> memref<6144x2048xf32, #tpu.memory_space<hbm>>
    tpu.wait_indirect_dma semaphore(%arg15 : memref<!tpu.dma_semaphore, #tpu.memory_space<semaphore_mem>>) src(%dma_wait3A_122 : memref<6144x2048xf32, #tpu.memory_space<hbm>>) dst(%arg8 : memref<16x2048xf32, #tpu.memory_space<vmem>>)
    %scan3A_123 = arith.constant 0 : i32
    %scan3A_124 = arith.constant 0 : i32
    %scan3A_125 = arith.constant 8 : i32
    %scan3A_126 = arith.addi %scan3A_124, %scan3A_125 : i32
    %scan3A_127 = arith.constant 1 : i32
    scf.for %scan3A_296 = %scan3A_124 to %scan3A_126 step %scan3A_127  : i32 {
      %broadcast_in_dim3A = vector.broadcast %scan3A_296 : i32 to vector<16xi32>
      %gather3A = tpu.vector_load_idx %arg7[%broadcast_in_dim3A] : memref<16xf32, #tpu.memory_space<vmem>>[vector<16xi32>], vector<16xf32>,
      %add3A_297 = arith.constant 8 : i32
      %add3A_298 = arith.addi %scan3A_296, %add3A_297 : i32
      %broadcast_in_dim3A_299 = vector.broadcast %add3A_298 : i32 to vector<16xi32>
      %gather3A_300 = tpu.vector_load_idx %arg7[%broadcast_in_dim3A_299] : memref<16xf32, #tpu.memory_space<vmem>>[vector<16xi32>], vector<16xf32>,
      %parallel_loop3A = arith.constant 0 : i32
      %parallel_loop3A_301 = arith.constant 128 : i32
      %parallel_loop3A_302 = arith.constant 1 : i32
      scf.for %parallel_loop3A_303 = %parallel_loop3A to %parallel_loop3A_301 step %parallel_loop3A_302  : i32 {
        %parallel_loop3A_304 = arith.constant 16 : i32
        %parallel_loop3A_305 = arith.muli %parallel_loop3A_303, %parallel_loop3A_304 : i32
        %parallel_loop3A_306 = arith.index_cast %scan3A_296 : i32 to index
        %parallel_loop3A_307 = arith.index_cast %parallel_loop3A_305 : i32 to index
        %parallel_loop3A_308 = tpu.vector_load %arg8[%parallel_loop3A_306, %parallel_loop3A_307] {strides = array<i32>} : memref<16x2048xf32, #tpu.memory_space<vmem>>, vector<16xf32>,
        %parallel_loop3A_309 = arith.mulf %parallel_loop3A_308, %gather3A : vector<16xf32>
        %parallel_loop3A_310 = arith.constant 8 : i32
        %parallel_loop3A_311 = arith.addi %scan3A_296, %parallel_loop3A_310 : i32
        %parallel_loop3A_312 = arith.index_cast %parallel_loop3A_311 : i32 to index
        %parallel_loop3A_313 = arith.index_cast %parallel_loop3A_305 : i32 to index
        %parallel_loop3A_314 = tpu.vector_load %arg8[%parallel_loop3A_312, %parallel_loop3A_313] {strides = array<i32>} : memref<16x2048xf32, #tpu.memory_space<vmem>>, vector<16xf32>,
        %parallel_loop3A_315 = arith.mulf %parallel_loop3A_314, %gather3A_300 : vector<16xf32>
        %parallel_loop3A_316 = arith.addf %parallel_loop3A_309, %parallel_loop3A_315 : vector<16xf32>
        %parallel_loop3A_317 = arith.index_cast %scan3A_296 : i32 to index
        %parallel_loop3A_318 = arith.index_cast %parallel_loop3A_305 : i32 to index
        %parallel_loop3A_319 = tpu.vector_load %arg8[%parallel_loop3A_317, %parallel_loop3A_318] {strides = array<i32>} : memref<16x2048xf32, #tpu.memory_space<vmem>>, vector<16xf32>,
        tpu.vector_store %arg8[%parallel_loop3A_317, %parallel_loop3A_318], %parallel_loop3A_316 {strides = array<i32>} : memref<16x2048xf32, #tpu.memory_space<vmem>>, vector<16xf32>,
      } {sc.loop_unroll_factor = 8 : i64, sc.parallel_access}
    }
    %scan3A_128 = arith.constant 8 : i32
    %add3A_129 = arith.constant 24 : i32
    %add3A_130 = arith.addi %mul3A_4, %add3A_129 : i32
    %dma_start3A_131 = arith.constant 0 : i32
    %dma_start3A_132 = arith.constant 0 : i32
    %dma_start3A_133 = tpu.memref_slice %arg8[%dma_start3A_131, %dma_start3A_132] : memref<16x2048xf32, #tpu.memory_space<vmem>> -> memref<8x2048xf32, #tpu.memory_space<vmem>>
    %dma_start3A_134 = arith.constant 0 : i32
    %dma_start3A_135 = tpu.memref_slice %arg5[%add3A_130, %dma_start3A_134] : memref<2048x2048xf32, #tpu.memory_space<hbm>> -> memref<8x2048xf32, #tpu.memory_space<hbm>>
    %dma_start3A_136 = arith.constant 0 : i32
    %dma_start3A_137 = tpu.memref_slice %arg5[%add3A_130, %dma_start3A_136] : memref<2048x2048xf32, #tpu.memory_space<hbm>> -> memref<8x2048xf32, #tpu.memory_space<hbm>>
    %dma_start3A_138 = arith.constant 0 : i32
    %dma_start3A_139 = arith.constant 0 : i32
    %dma_start3A_140 = tpu.memref_slice %arg8[%dma_start3A_138, %dma_start3A_139] : memref<16x2048xf32, #tpu.memory_space<vmem>> -> memref<8x2048xf32, #tpu.memory_space<vmem>>
    tpu.enqueue_dma source(%dma_start3A_140 : memref<8x2048xf32, #tpu.memory_space<vmem>>) target(%dma_start3A_137 : memref<8x2048xf32, #tpu.memory_space<hbm>>) target_semaphore(%arg18 : memref<!tpu.dma_semaphore, #tpu.memory_space<semaphore_mem>>)
    %dma_wait3A_141 = arith.constant 0 : i32
    %dma_wait3A_142 = arith.constant 0 : i32
    %dma_wait3A_143 = tpu.memref_slice %arg14[%dma_wait3A_141, %dma_wait3A_142] : memref<16x2048xf32, #tpu.memory_space<vmem>> -> memref<8x2048xf32, #tpu.memory_space<vmem>>
    %dma_wait3A_144 = arith.constant 0 : i32
    %dma_wait3A_145 = tpu.memref_slice %arg5[%add3A_92, %dma_wait3A_144] : memref<2048x2048xf32, #tpu.memory_space<hbm>> -> memref<8x2048xf32, #tpu.memory_space<hbm>>
    %dma_wait3A_146 = arith.constant 0 : i32
    %dma_wait3A_147 = tpu.memref_slice %arg5[%add3A_92, %dma_wait3A_146] : memref<2048x2048xf32, #tpu.memory_space<hbm>> -> memref<8x2048xf32, #tpu.memory_space<hbm>>
    %dma_wait3A_148 = arith.constant 0 : i32
    %dma_wait3A_149 = arith.constant 0 : i32
    %dma_wait3A_150 = tpu.memref_slice %arg14[%dma_wait3A_148, %dma_wait3A_149] : memref<16x2048xf32, #tpu.memory_space<vmem>> -> memref<8x2048xf32, #tpu.memory_space<vmem>>
    tpu.wait_dma2 semaphore(%arg20 : memref<!tpu.dma_semaphore, #tpu.memory_space<semaphore_mem>>) src(%dma_wait3A_150 : memref<8x2048xf32, #tpu.memory_space<vmem>>) dst(%dma_wait3A_147 : memref<8x2048xf32, #tpu.memory_space<hbm>>)
    %add3A_151 = arith.constant 5 : i32
    %add3A_152 = arith.addi %mul3A_2, %add3A_151 : i32
    "tpu.region"() ({
      %run_scoped3A = tpu.sem_alloc : memref<!tpu.dma_semaphore, #tpu.memory_space<semaphore_mem>>
      %dma_start3A_296 = arith.constant 0 : i32
      %dma_start3A_297 = tpu.memref_slice %arg3[%add3A_152, %dma_start3A_296] : memref<256x16xi32, #tpu.memory_space<hbm>> -> memref<1x16xi32, #tpu.memory_space<hbm>>
      %dma_start3A_298 = tpu.memref_squeeze %dma_start3A_297 : memref<1x16xi32, #tpu.memory_space<hbm>> -> memref<16xi32, #tpu.memory_space<hbm>>
      %dma_start3A_299 = arith.constant 0 : i32
      %dma_start3A_300 = tpu.memref_slice %arg3[%add3A_152, %dma_start3A_299] : memref<256x16xi32, #tpu.memory_space<hbm>> -> memref<1x16xi32, #tpu.memory_space<hbm>>
      %dma_start3A_301 = tpu.memref_squeeze %dma_start3A_300 : memref<1x16xi32, #tpu.memory_space<hbm>> -> memref<16xi32, #tpu.memory_space<hbm>>
      tpu.enqueue_dma source(%dma_start3A_301 : memref<16xi32, #tpu.memory_space<hbm>>) target(%arg12 : memref<16xi32, #tpu.memory_space<vmem>>) target_semaphore(%run_scoped3A : memref<!tpu.dma_semaphore, #tpu.memory_space<semaphore_mem>>)
      %dma_wait3A_302 = arith.constant 0 : i32
      %dma_wait3A_303 = tpu.memref_slice %arg3[%add3A_152, %dma_wait3A_302] : memref<256x16xi32, #tpu.memory_space<hbm>> -> memref<1x16xi32, #tpu.memory_space<hbm>>
      %dma_wait3A_304 = tpu.memref_squeeze %dma_wait3A_303 : memref<1x16xi32, #tpu.memory_space<hbm>> -> memref<16xi32, #tpu.memory_space<hbm>>
      %dma_wait3A_305 = arith.constant 0 : i32
      %dma_wait3A_306 = tpu.memref_slice %arg3[%add3A_152, %dma_wait3A_305] : memref<256x16xi32, #tpu.memory_space<hbm>> -> memref<1x16xi32, #tpu.memory_space<hbm>>
      %dma_wait3A_307 = tpu.memref_squeeze %dma_wait3A_306 : memref<1x16xi32, #tpu.memory_space<hbm>> -> memref<16xi32, #tpu.memory_space<hbm>>
      tpu.wait_dma2 semaphore(%run_scoped3A : memref<!tpu.dma_semaphore, #tpu.memory_space<semaphore_mem>>) src(%dma_wait3A_307 : memref<16xi32, #tpu.memory_space<hbm>>) dst(%arg12 : memref<16xi32, #tpu.memory_space<vmem>>)
      tpu.yield
    }) : () -> ()
    %add3A_153 = arith.constant 5 : i32
    %add3A_154 = arith.addi %mul3A_2, %add3A_153 : i32
    "tpu.region"() ({
      %run_scoped3A = tpu.sem_alloc : memref<!tpu.dma_semaphore, #tpu.memory_space<semaphore_mem>>
      %dma_start3A_296 = arith.constant 0 : i32
      %dma_start3A_297 = tpu.memref_slice %arg4[%add3A_154, %dma_start3A_296] : memref<256x16xf32, #tpu.memory_space<hbm>> -> memref<1x16xf32, #tpu.memory_space<hbm>>
      %dma_start3A_298 = tpu.memref_squeeze %dma_start3A_297 : memref<1x16xf32, #tpu.memory_space<hbm>> -> memref<16xf32, #tpu.memory_space<hbm>>
      %dma_start3A_299 = arith.constant 0 : i32
      %dma_start3A_300 = tpu.memref_slice %arg4[%add3A_154, %dma_start3A_299] : memref<256x16xf32, #tpu.memory_space<hbm>> -> memref<1x16xf32, #tpu.memory_space<hbm>>
      %dma_start3A_301 = tpu.memref_squeeze %dma_start3A_300 : memref<1x16xf32, #tpu.memory_space<hbm>> -> memref<16xf32, #tpu.memory_space<hbm>>
      tpu.enqueue_dma source(%dma_start3A_301 : memref<16xf32, #tpu.memory_space<hbm>>) target(%arg13 : memref<16xf32, #tpu.memory_space<vmem>>) target_semaphore(%run_scoped3A : memref<!tpu.dma_semaphore, #tpu.memory_space<semaphore_mem>>)
      %dma_wait3A_302 = arith.constant 0 : i32
      %dma_wait3A_303 = tpu.memref_slice %arg4[%add3A_154, %dma_wait3A_302] : memref<256x16xf32, #tpu.memory_space<hbm>> -> memref<1x16xf32, #tpu.memory_space<hbm>>
      %dma_wait3A_304 = tpu.memref_squeeze %dma_wait3A_303 : memref<1x16xf32, #tpu.memory_space<hbm>> -> memref<16xf32, #tpu.memory_space<hbm>>
      %dma_wait3A_305 = arith.constant 0 : i32
      %dma_wait3A_306 = tpu.memref_slice %arg4[%add3A_154, %dma_wait3A_305] : memref<256x16xf32, #tpu.memory_space<hbm>> -> memref<1x16xf32, #tpu.memory_space<hbm>>
      %dma_wait3A_307 = tpu.memref_squeeze %dma_wait3A_306 : memref<1x16xf32, #tpu.memory_space<hbm>> -> memref<16xf32, #tpu.memory_space<hbm>>
      tpu.wait_dma2 semaphore(%run_scoped3A : memref<!tpu.dma_semaphore, #tpu.memory_space<semaphore_mem>>) src(%dma_wait3A_307 : memref<16xf32, #tpu.memory_space<hbm>>) dst(%arg13 : memref<16xf32, #tpu.memory_space<vmem>>)
      tpu.yield
    }) : () -> ()
    %dma_start3A_155 = arith.constant 0 : i32
    %dma_start3A_156 = arith.constant 0 : i32
    %dma_start3A_157 = tpu.memref_slice %arg2[%dma_start3A_155, %dma_start3A_156] : memref<6144x2048xf32, #tpu.memory_space<hbm>> -> memref<6144x2048xf32, #tpu.memory_space<hbm>>
    tpu.enqueue_indirect_dma source(%dma_start3A_157 : memref<6144x2048xf32, #tpu.memory_space<hbm>>) target(%arg14 : memref<16x2048xf32, #tpu.memory_space<vmem>>) offsets(%arg12 : memref<16xi32, #tpu.memory_space<vmem>>) semaphore(%arg17 : memref<!tpu.dma_semaphore, #tpu.memory_space<semaphore_mem>>)
    %dma_wait3A_158 = arith.constant 0 : i32
    %dma_wait3A_159 = arith.constant 0 : i32
    %dma_wait3A_160 = tpu.memref_slice %arg2[%dma_wait3A_158, %dma_wait3A_159] : memref<6144x2048xf32, #tpu.memory_space<hbm>> -> memref<6144x2048xf32, #tpu.memory_space<hbm>>
    tpu.wait_indirect_dma semaphore(%arg16 : memref<!tpu.dma_semaphore, #tpu.memory_space<semaphore_mem>>) src(%dma_wait3A_160 : memref<6144x2048xf32, #tpu.memory_space<hbm>>) dst(%arg11 : memref<16x2048xf32, #tpu.memory_space<vmem>>)
    %scan3A_161 = arith.constant 0 : i32
    %scan3A_162 = arith.constant 0 : i32
    %scan3A_163 = arith.constant 8 : i32
    %scan3A_164 = arith.addi %scan3A_162, %scan3A_163 : i32
    %scan3A_165 = arith.constant 1 : i32
    scf.for %scan3A_296 = %scan3A_162 to %scan3A_164 step %scan3A_165  : i32 {
      %broadcast_in_dim3A = vector.broadcast %scan3A_296 : i32 to vector<16xi32>
      %gather3A = tpu.vector_load_idx %arg10[%broadcast_in_dim3A] : memref<16xf32, #tpu.memory_space<vmem>>[vector<16xi32>], vector<16xf32>,
      %add3A_297 = arith.constant 8 : i32
      %add3A_298 = arith.addi %scan3A_296, %add3A_297 : i32
      %broadcast_in_dim3A_299 = vector.broadcast %add3A_298 : i32 to vector<16xi32>
      %gather3A_300 = tpu.vector_load_idx %arg10[%broadcast_in_dim3A_299] : memref<16xf32, #tpu.memory_space<vmem>>[vector<16xi32>], vector<16xf32>,
      %parallel_loop3A = arith.constant 0 : i32
      %parallel_loop3A_301 = arith.constant 128 : i32
      %parallel_loop3A_302 = arith.constant 1 : i32
      scf.for %parallel_loop3A_303 = %parallel_loop3A to %parallel_loop3A_301 step %parallel_loop3A_302  : i32 {
        %parallel_loop3A_304 = arith.constant 16 : i32
        %parallel_loop3A_305 = arith.muli %parallel_loop3A_303, %parallel_loop3A_304 : i32
        %parallel_loop3A_306 = arith.index_cast %scan3A_296 : i32 to index
        %parallel_loop3A_307 = arith.index_cast %parallel_loop3A_305 : i32 to index
        %parallel_loop3A_308 = tpu.vector_load %arg11[%parallel_loop3A_306, %parallel_loop3A_307] {strides = array<i32>} : memref<16x2048xf32, #tpu.memory_space<vmem>>, vector<16xf32>,
        %parallel_loop3A_309 = arith.mulf %parallel_loop3A_308, %gather3A : vector<16xf32>
        %parallel_loop3A_310 = arith.constant 8 : i32
        %parallel_loop3A_311 = arith.addi %scan3A_296, %parallel_loop3A_310 : i32
        %parallel_loop3A_312 = arith.index_cast %parallel_loop3A_311 : i32 to index
        %parallel_loop3A_313 = arith.index_cast %parallel_loop3A_305 : i32 to index
        %parallel_loop3A_314 = tpu.vector_load %arg11[%parallel_loop3A_312, %parallel_loop3A_313] {strides = array<i32>} : memref<16x2048xf32, #tpu.memory_space<vmem>>, vector<16xf32>,
        %parallel_loop3A_315 = arith.mulf %parallel_loop3A_314, %gather3A_300 : vector<16xf32>
        %parallel_loop3A_316 = arith.addf %parallel_loop3A_309, %parallel_loop3A_315 : vector<16xf32>
        %parallel_loop3A_317 = arith.index_cast %scan3A_296 : i32 to index
        %parallel_loop3A_318 = arith.index_cast %parallel_loop3A_305 : i32 to index
        %parallel_loop3A_319 = tpu.vector_load %arg11[%parallel_loop3A_317, %parallel_loop3A_318] {strides = array<i32>} : memref<16x2048xf32, #tpu.memory_space<vmem>>, vector<16xf32>,
        tpu.vector_store %arg11[%parallel_loop3A_317, %parallel_loop3A_318], %parallel_loop3A_316 {strides = array<i32>} : memref<16x2048xf32, #tpu.memory_space<vmem>>, vector<16xf32>,
      } {sc.loop_unroll_factor = 8 : i64, sc.parallel_access}
    }
    %scan3A_166 = arith.constant 8 : i32
    %add3A_167 = arith.constant 32 : i32
    %add3A_168 = arith.addi %mul3A_4, %add3A_167 : i32
    %dma_start3A_169 = arith.constant 0 : i32
    %dma_start3A_170 = arith.constant 0 : i32
    %dma_start3A_171 = tpu.memref_slice %arg11[%dma_start3A_169, %dma_start3A_170] : memref<16x2048xf32, #tpu.memory_space<vmem>> -> memref<8x2048xf32, #tpu.memory_space<vmem>>
    %dma_start3A_172 = arith.constant 0 : i32
    %dma_start3A_173 = tpu.memref_slice %arg5[%add3A_168, %dma_start3A_172] : memref<2048x2048xf32, #tpu.memory_space<hbm>> -> memref<8x2048xf32, #tpu.memory_space<hbm>>
    %dma_start3A_174 = arith.constant 0 : i32
    %dma_start3A_175 = tpu.memref_slice %arg5[%add3A_168, %dma_start3A_174] : memref<2048x2048xf32, #tpu.memory_space<hbm>> -> memref<8x2048xf32, #tpu.memory_space<hbm>>
    %dma_start3A_176 = arith.constant 0 : i32
    %dma_start3A_177 = arith.constant 0 : i32
    %dma_start3A_178 = tpu.memref_slice %arg11[%dma_start3A_176, %dma_start3A_177] : memref<16x2048xf32, #tpu.memory_space<vmem>> -> memref<8x2048xf32, #tpu.memory_space<vmem>>
    tpu.enqueue_dma source(%dma_start3A_178 : memref<8x2048xf32, #tpu.memory_space<vmem>>) target(%dma_start3A_175 : memref<8x2048xf32, #tpu.memory_space<hbm>>) target_semaphore(%arg19 : memref<!tpu.dma_semaphore, #tpu.memory_space<semaphore_mem>>)
    %dma_wait3A_179 = arith.constant 0 : i32
    %dma_wait3A_180 = arith.constant 0 : i32
    %dma_wait3A_181 = tpu.memref_slice %arg8[%dma_wait3A_179, %dma_wait3A_180] : memref<16x2048xf32, #tpu.memory_space<vmem>> -> memref<8x2048xf32, #tpu.memory_space<vmem>>
    %dma_wait3A_182 = arith.constant 0 : i32
    %dma_wait3A_183 = tpu.memref_slice %arg5[%add3A_130, %dma_wait3A_182] : memref<2048x2048xf32, #tpu.memory_space<hbm>> -> memref<8x2048xf32, #tpu.memory_space<hbm>>
    %dma_wait3A_184 = arith.constant 0 : i32
    %dma_wait3A_185 = tpu.memref_slice %arg5[%add3A_130, %dma_wait3A_184] : memref<2048x2048xf32, #tpu.memory_space<hbm>> -> memref<8x2048xf32, #tpu.memory_space<hbm>>
    %dma_wait3A_186 = arith.constant 0 : i32
    %dma_wait3A_187 = arith.constant 0 : i32
    %dma_wait3A_188 = tpu.memref_slice %arg8[%dma_wait3A_186, %dma_wait3A_187] : memref<16x2048xf32, #tpu.memory_space<vmem>> -> memref<8x2048xf32, #tpu.memory_space<vmem>>
    tpu.wait_dma2 semaphore(%arg18 : memref<!tpu.dma_semaphore, #tpu.memory_space<semaphore_mem>>) src(%dma_wait3A_188 : memref<8x2048xf32, #tpu.memory_space<vmem>>) dst(%dma_wait3A_185 : memref<8x2048xf32, #tpu.memory_space<hbm>>)
    %add3A_189 = arith.constant 6 : i32
    %add3A_190 = arith.addi %mul3A_2, %add3A_189 : i32
    "tpu.region"() ({
      %run_scoped3A = tpu.sem_alloc : memref<!tpu.dma_semaphore, #tpu.memory_space<semaphore_mem>>
      %dma_start3A_296 = arith.constant 0 : i32
      %dma_start3A_297 = tpu.memref_slice %arg3[%add3A_190, %dma_start3A_296] : memref<256x16xi32, #tpu.memory_space<hbm>> -> memref<1x16xi32, #tpu.memory_space<hbm>>
      %dma_start3A_298 = tpu.memref_squeeze %dma_start3A_297 : memref<1x16xi32, #tpu.memory_space<hbm>> -> memref<16xi32, #tpu.memory_space<hbm>>
      %dma_start3A_299 = arith.constant 0 : i32
      %dma_start3A_300 = tpu.memref_slice %arg3[%add3A_190, %dma_start3A_299] : memref<256x16xi32, #tpu.memory_space<hbm>> -> memref<1x16xi32, #tpu.memory_space<hbm>>
      %dma_start3A_301 = tpu.memref_squeeze %dma_start3A_300 : memref<1x16xi32, #tpu.memory_space<hbm>> -> memref<16xi32, #tpu.memory_space<hbm>>
      tpu.enqueue_dma source(%dma_start3A_301 : memref<16xi32, #tpu.memory_space<hbm>>) target(%arg6 : memref<16xi32, #tpu.memory_space<vmem>>) target_semaphore(%run_scoped3A : memref<!tpu.dma_semaphore, #tpu.memory_space<semaphore_mem>>)
      %dma_wait3A_302 = arith.constant 0 : i32
      %dma_wait3A_303 = tpu.memref_slice %arg3[%add3A_190, %dma_wait3A_302] : memref<256x16xi32, #tpu.memory_space<hbm>> -> memref<1x16xi32, #tpu.memory_space<hbm>>
      %dma_wait3A_304 = tpu.memref_squeeze %dma_wait3A_303 : memref<1x16xi32, #tpu.memory_space<hbm>> -> memref<16xi32, #tpu.memory_space<hbm>>
      %dma_wait3A_305 = arith.constant 0 : i32
      %dma_wait3A_306 = tpu.memref_slice %arg3[%add3A_190, %dma_wait3A_305] : memref<256x16xi32, #tpu.memory_space<hbm>> -> memref<1x16xi32, #tpu.memory_space<hbm>>
      %dma_wait3A_307 = tpu.memref_squeeze %dma_wait3A_306 : memref<1x16xi32, #tpu.memory_space<hbm>> -> memref<16xi32, #tpu.memory_space<hbm>>
      tpu.wait_dma2 semaphore(%run_scoped3A : memref<!tpu.dma_semaphore, #tpu.memory_space<semaphore_mem>>) src(%dma_wait3A_307 : memref<16xi32, #tpu.memory_space<hbm>>) dst(%arg6 : memref<16xi32, #tpu.memory_space<vmem>>)
      tpu.yield
    }) : () -> ()
    %add3A_191 = arith.constant 6 : i32
    %add3A_192 = arith.addi %mul3A_2, %add3A_191 : i32
    "tpu.region"() ({
      %run_scoped3A = tpu.sem_alloc : memref<!tpu.dma_semaphore, #tpu.memory_space<semaphore_mem>>
      %dma_start3A_296 = arith.constant 0 : i32
      %dma_start3A_297 = tpu.memref_slice %arg4[%add3A_192, %dma_start3A_296] : memref<256x16xf32, #tpu.memory_space<hbm>> -> memref<1x16xf32, #tpu.memory_space<hbm>>
      %dma_start3A_298 = tpu.memref_squeeze %dma_start3A_297 : memref<1x16xf32, #tpu.memory_space<hbm>> -> memref<16xf32, #tpu.memory_space<hbm>>
      %dma_start3A_299 = arith.constant 0 : i32
      %dma_start3A_300 = tpu.memref_slice %arg4[%add3A_192, %dma_start3A_299] : memref<256x16xf32, #tpu.memory_space<hbm>> -> memref<1x16xf32, #tpu.memory_space<hbm>>
      %dma_start3A_301 = tpu.memref_squeeze %dma_start3A_300 : memref<1x16xf32, #tpu.memory_space<hbm>> -> memref<16xf32, #tpu.memory_space<hbm>>
      tpu.enqueue_dma source(%dma_start3A_301 : memref<16xf32, #tpu.memory_space<hbm>>) target(%arg7 : memref<16xf32, #tpu.memory_space<vmem>>) target_semaphore(%run_scoped3A : memref<!tpu.dma_semaphore, #tpu.memory_space<semaphore_mem>>)
      %dma_wait3A_302 = arith.constant 0 : i32
      %dma_wait3A_303 = tpu.memref_slice %arg4[%add3A_192, %dma_wait3A_302] : memref<256x16xf32, #tpu.memory_space<hbm>> -> memref<1x16xf32, #tpu.memory_space<hbm>>
      %dma_wait3A_304 = tpu.memref_squeeze %dma_wait3A_303 : memref<1x16xf32, #tpu.memory_space<hbm>> -> memref<16xf32, #tpu.memory_space<hbm>>
      %dma_wait3A_305 = arith.constant 0 : i32
      %dma_wait3A_306 = tpu.memref_slice %arg4[%add3A_192, %dma_wait3A_305] : memref<256x16xf32, #tpu.memory_space<hbm>> -> memref<1x16xf32, #tpu.memory_space<hbm>>
      %dma_wait3A_307 = tpu.memref_squeeze %dma_wait3A_306 : memref<1x16xf32, #tpu.memory_space<hbm>> -> memref<16xf32, #tpu.memory_space<hbm>>
      tpu.wait_dma2 semaphore(%run_scoped3A : memref<!tpu.dma_semaphore, #tpu.memory_space<semaphore_mem>>) src(%dma_wait3A_307 : memref<16xf32, #tpu.memory_space<hbm>>) dst(%arg7 : memref<16xf32, #tpu.memory_space<vmem>>)
      tpu.yield
    }) : () -> ()
    %dma_start3A_193 = arith.constant 0 : i32
    %dma_start3A_194 = arith.constant 0 : i32
    %dma_start3A_195 = tpu.memref_slice %arg2[%dma_start3A_193, %dma_start3A_194] : memref<6144x2048xf32, #tpu.memory_space<hbm>> -> memref<6144x2048xf32, #tpu.memory_space<hbm>>
    tpu.enqueue_indirect_dma source(%dma_start3A_195 : memref<6144x2048xf32, #tpu.memory_space<hbm>>) target(%arg8 : memref<16x2048xf32, #tpu.memory_space<vmem>>) offsets(%arg6 : memref<16xi32, #tpu.memory_space<vmem>>) semaphore(%arg15 : memref<!tpu.dma_semaphore, #tpu.memory_space<semaphore_mem>>)
    %dma_wait3A_196 = arith.constant 0 : i32
    %dma_wait3A_197 = arith.constant 0 : i32
    %dma_wait3A_198 = tpu.memref_slice %arg2[%dma_wait3A_196, %dma_wait3A_197] : memref<6144x2048xf32, #tpu.memory_space<hbm>> -> memref<6144x2048xf32, #tpu.memory_space<hbm>>
    tpu.wait_indirect_dma semaphore(%arg17 : memref<!tpu.dma_semaphore, #tpu.memory_space<semaphore_mem>>) src(%dma_wait3A_198 : memref<6144x2048xf32, #tpu.memory_space<hbm>>) dst(%arg14 : memref<16x2048xf32, #tpu.memory_space<vmem>>)
    %scan3A_199 = arith.constant 0 : i32
    %scan3A_200 = arith.constant 0 : i32
    %scan3A_201 = arith.constant 8 : i32
    %scan3A_202 = arith.addi %scan3A_200, %scan3A_201 : i32
    %scan3A_203 = arith.constant 1 : i32
    scf.for %scan3A_296 = %scan3A_200 to %scan3A_202 step %scan3A_203  : i32 {
      %broadcast_in_dim3A = vector.broadcast %scan3A_296 : i32 to vector<16xi32>
      %gather3A = tpu.vector_load_idx %arg13[%broadcast_in_dim3A] : memref<16xf32, #tpu.memory_space<vmem>>[vector<16xi32>], vector<16xf32>,
      %add3A_297 = arith.constant 8 : i32
      %add3A_298 = arith.addi %scan3A_296, %add3A_297 : i32
      %broadcast_in_dim3A_299 = vector.broadcast %add3A_298 : i32 to vector<16xi32>
      %gather3A_300 = tpu.vector_load_idx %arg13[%broadcast_in_dim3A_299] : memref<16xf32, #tpu.memory_space<vmem>>[vector<16xi32>], vector<16xf32>,
      %parallel_loop3A = arith.constant 0 : i32
      %parallel_loop3A_301 = arith.constant 128 : i32
      %parallel_loop3A_302 = arith.constant 1 : i32
      scf.for %parallel_loop3A_303 = %parallel_loop3A to %parallel_loop3A_301 step %parallel_loop3A_302  : i32 {
        %parallel_loop3A_304 = arith.constant 16 : i32
        %parallel_loop3A_305 = arith.muli %parallel_loop3A_303, %parallel_loop3A_304 : i32
        %parallel_loop3A_306 = arith.index_cast %scan3A_296 : i32 to index
        %parallel_loop3A_307 = arith.index_cast %parallel_loop3A_305 : i32 to index
        %parallel_loop3A_308 = tpu.vector_load %arg14[%parallel_loop3A_306, %parallel_loop3A_307] {strides = array<i32>} : memref<16x2048xf32, #tpu.memory_space<vmem>>, vector<16xf32>,
        %parallel_loop3A_309 = arith.mulf %parallel_loop3A_308, %gather3A : vector<16xf32>
        %parallel_loop3A_310 = arith.constant 8 : i32
        %parallel_loop3A_311 = arith.addi %scan3A_296, %parallel_loop3A_310 : i32
        %parallel_loop3A_312 = arith.index_cast %parallel_loop3A_311 : i32 to index
        %parallel_loop3A_313 = arith.index_cast %parallel_loop3A_305 : i32 to index
        %parallel_loop3A_314 = tpu.vector_load %arg14[%parallel_loop3A_312, %parallel_loop3A_313] {strides = array<i32>} : memref<16x2048xf32, #tpu.memory_space<vmem>>, vector<16xf32>,
        %parallel_loop3A_315 = arith.mulf %parallel_loop3A_314, %gather3A_300 : vector<16xf32>
        %parallel_loop3A_316 = arith.addf %parallel_loop3A_309, %parallel_loop3A_315 : vector<16xf32>
        %parallel_loop3A_317 = arith.index_cast %scan3A_296 : i32 to index
        %parallel_loop3A_318 = arith.index_cast %parallel_loop3A_305 : i32 to index
        %parallel_loop3A_319 = tpu.vector_load %arg14[%parallel_loop3A_317, %parallel_loop3A_318] {strides = array<i32>} : memref<16x2048xf32, #tpu.memory_space<vmem>>, vector<16xf32>,
        tpu.vector_store %arg14[%parallel_loop3A_317, %parallel_loop3A_318], %parallel_loop3A_316 {strides = array<i32>} : memref<16x2048xf32, #tpu.memory_space<vmem>>, vector<16xf32>,
      } {sc.loop_unroll_factor = 8 : i64, sc.parallel_access}
    }
    %scan3A_204 = arith.constant 8 : i32
    %add3A_205 = arith.constant 40 : i32
    %add3A_206 = arith.addi %mul3A_4, %add3A_205 : i32
    %dma_start3A_207 = arith.constant 0 : i32
    %dma_start3A_208 = arith.constant 0 : i32
    %dma_start3A_209 = tpu.memref_slice %arg14[%dma_start3A_207, %dma_start3A_208] : memref<16x2048xf32, #tpu.memory_space<vmem>> -> memref<8x2048xf32, #tpu.memory_space<vmem>>
    %dma_start3A_210 = arith.constant 0 : i32
    %dma_start3A_211 = tpu.memref_slice %arg5[%add3A_206, %dma_start3A_210] : memref<2048x2048xf32, #tpu.memory_space<hbm>> -> memref<8x2048xf32, #tpu.memory_space<hbm>>
    %dma_start3A_212 = arith.constant 0 : i32
    %dma_start3A_213 = tpu.memref_slice %arg5[%add3A_206, %dma_start3A_212] : memref<2048x2048xf32, #tpu.memory_space<hbm>> -> memref<8x2048xf32, #tpu.memory_space<hbm>>
    %dma_start3A_214 = arith.constant 0 : i32
    %dma_start3A_215 = arith.constant 0 : i32
    %dma_start3A_216 = tpu.memref_slice %arg14[%dma_start3A_214, %dma_start3A_215] : memref<16x2048xf32, #tpu.memory_space<vmem>> -> memref<8x2048xf32, #tpu.memory_space<vmem>>
    tpu.enqueue_dma source(%dma_start3A_216 : memref<8x2048xf32, #tpu.memory_space<vmem>>) target(%dma_start3A_213 : memref<8x2048xf32, #tpu.memory_space<hbm>>) target_semaphore(%arg20 : memref<!tpu.dma_semaphore, #tpu.memory_space<semaphore_mem>>)
    %dma_wait3A_217 = arith.constant 0 : i32
    %dma_wait3A_218 = arith.constant 0 : i32
    %dma_wait3A_219 = tpu.memref_slice %arg11[%dma_wait3A_217, %dma_wait3A_218] : memref<16x2048xf32, #tpu.memory_space<vmem>> -> memref<8x2048xf32, #tpu.memory_space<vmem>>
    %dma_wait3A_220 = arith.constant 0 : i32
    %dma_wait3A_221 = tpu.memref_slice %arg5[%add3A_168, %dma_wait3A_220] : memref<2048x2048xf32, #tpu.memory_space<hbm>> -> memref<8x2048xf32, #tpu.memory_space<hbm>>
    %dma_wait3A_222 = arith.constant 0 : i32
    %dma_wait3A_223 = tpu.memref_slice %arg5[%add3A_168, %dma_wait3A_222] : memref<2048x2048xf32, #tpu.memory_space<hbm>> -> memref<8x2048xf32, #tpu.memory_space<hbm>>
    %dma_wait3A_224 = arith.constant 0 : i32
    %dma_wait3A_225 = arith.constant 0 : i32
    %dma_wait3A_226 = tpu.memref_slice %arg11[%dma_wait3A_224, %dma_wait3A_225] : memref<16x2048xf32, #tpu.memory_space<vmem>> -> memref<8x2048xf32, #tpu.memory_space<vmem>>
    tpu.wait_dma2 semaphore(%arg19 : memref<!tpu.dma_semaphore, #tpu.memory_space<semaphore_mem>>) src(%dma_wait3A_226 : memref<8x2048xf32, #tpu.memory_space<vmem>>) dst(%dma_wait3A_223 : memref<8x2048xf32, #tpu.memory_space<hbm>>)
    %add3A_227 = arith.constant 7 : i32
    %add3A_228 = arith.addi %mul3A_2, %add3A_227 : i32
    "tpu.region"() ({
      %run_scoped3A = tpu.sem_alloc : memref<!tpu.dma_semaphore, #tpu.memory_space<semaphore_mem>>
      %dma_start3A_296 = arith.constant 0 : i32
      %dma_start3A_297 = tpu.memref_slice %arg3[%add3A_228, %dma_start3A_296] : memref<256x16xi32, #tpu.memory_space<hbm>> -> memref<1x16xi32, #tpu.memory_space<hbm>>
      %dma_start3A_298 = tpu.memref_squeeze %dma_start3A_297 : memref<1x16xi32, #tpu.memory_space<hbm>> -> memref<16xi32, #tpu.memory_space<hbm>>
      %dma_start3A_299 = arith.constant 0 : i32
      %dma_start3A_300 = tpu.memref_slice %arg3[%add3A_228, %dma_start3A_299] : memref<256x16xi32, #tpu.memory_space<hbm>> -> memref<1x16xi32, #tpu.memory_space<hbm>>
      %dma_start3A_301 = tpu.memref_squeeze %dma_start3A_300 : memref<1x16xi32, #tpu.memory_space<hbm>> -> memref<16xi32, #tpu.memory_space<hbm>>
      tpu.enqueue_dma source(%dma_start3A_301 : memref<16xi32, #tpu.memory_space<hbm>>) target(%arg9 : memref<16xi32, #tpu.memory_space<vmem>>) target_semaphore(%run_scoped3A : memref<!tpu.dma_semaphore, #tpu.memory_space<semaphore_mem>>)
      %dma_wait3A_302 = arith.constant 0 : i32
      %dma_wait3A_303 = tpu.memref_slice %arg3[%add3A_228, %dma_wait3A_302] : memref<256x16xi32, #tpu.memory_space<hbm>> -> memref<1x16xi32, #tpu.memory_space<hbm>>
      %dma_wait3A_304 = tpu.memref_squeeze %dma_wait3A_303 : memref<1x16xi32, #tpu.memory_space<hbm>> -> memref<16xi32, #tpu.memory_space<hbm>>
      %dma_wait3A_305 = arith.constant 0 : i32
      %dma_wait3A_306 = tpu.memref_slice %arg3[%add3A_228, %dma_wait3A_305] : memref<256x16xi32, #tpu.memory_space<hbm>> -> memref<1x16xi32, #tpu.memory_space<hbm>>
      %dma_wait3A_307 = tpu.memref_squeeze %dma_wait3A_306 : memref<1x16xi32, #tpu.memory_space<hbm>> -> memref<16xi32, #tpu.memory_space<hbm>>
      tpu.wait_dma2 semaphore(%run_scoped3A : memref<!tpu.dma_semaphore, #tpu.memory_space<semaphore_mem>>) src(%dma_wait3A_307 : memref<16xi32, #tpu.memory_space<hbm>>) dst(%arg9 : memref<16xi32, #tpu.memory_space<vmem>>)
      tpu.yield
    }) : () -> ()
    %add3A_229 = arith.constant 7 : i32
    %add3A_230 = arith.addi %mul3A_2, %add3A_229 : i32
    "tpu.region"() ({
      %run_scoped3A = tpu.sem_alloc : memref<!tpu.dma_semaphore, #tpu.memory_space<semaphore_mem>>
      %dma_start3A_296 = arith.constant 0 : i32
      %dma_start3A_297 = tpu.memref_slice %arg4[%add3A_230, %dma_start3A_296] : memref<256x16xf32, #tpu.memory_space<hbm>> -> memref<1x16xf32, #tpu.memory_space<hbm>>
      %dma_start3A_298 = tpu.memref_squeeze %dma_start3A_297 : memref<1x16xf32, #tpu.memory_space<hbm>> -> memref<16xf32, #tpu.memory_space<hbm>>
      %dma_start3A_299 = arith.constant 0 : i32
      %dma_start3A_300 = tpu.memref_slice %arg4[%add3A_230, %dma_start3A_299] : memref<256x16xf32, #tpu.memory_space<hbm>> -> memref<1x16xf32, #tpu.memory_space<hbm>>
      %dma_start3A_301 = tpu.memref_squeeze %dma_start3A_300 : memref<1x16xf32, #tpu.memory_space<hbm>> -> memref<16xf32, #tpu.memory_space<hbm>>
      tpu.enqueue_dma source(%dma_start3A_301 : memref<16xf32, #tpu.memory_space<hbm>>) target(%arg10 : memref<16xf32, #tpu.memory_space<vmem>>) target_semaphore(%run_scoped3A : memref<!tpu.dma_semaphore, #tpu.memory_space<semaphore_mem>>)
      %dma_wait3A_302 = arith.constant 0 : i32
      %dma_wait3A_303 = tpu.memref_slice %arg4[%add3A_230, %dma_wait3A_302] : memref<256x16xf32, #tpu.memory_space<hbm>> -> memref<1x16xf32, #tpu.memory_space<hbm>>
      %dma_wait3A_304 = tpu.memref_squeeze %dma_wait3A_303 : memref<1x16xf32, #tpu.memory_space<hbm>> -> memref<16xf32, #tpu.memory_space<hbm>>
      %dma_wait3A_305 = arith.constant 0 : i32
      %dma_wait3A_306 = tpu.memref_slice %arg4[%add3A_230, %dma_wait3A_305] : memref<256x16xf32, #tpu.memory_space<hbm>> -> memref<1x16xf32, #tpu.memory_space<hbm>>
      %dma_wait3A_307 = tpu.memref_squeeze %dma_wait3A_306 : memref<1x16xf32, #tpu.memory_space<hbm>> -> memref<16xf32, #tpu.memory_space<hbm>>
      tpu.wait_dma2 semaphore(%run_scoped3A : memref<!tpu.dma_semaphore, #tpu.memory_space<semaphore_mem>>) src(%dma_wait3A_307 : memref<16xf32, #tpu.memory_space<hbm>>) dst(%arg10 : memref<16xf32, #tpu.memory_space<vmem>>)
      tpu.yield
    }) : () -> ()
    %dma_start3A_231 = arith.constant 0 : i32
    %dma_start3A_232 = arith.constant 0 : i32
    %dma_start3A_233 = tpu.memref_slice %arg2[%dma_start3A_231, %dma_start3A_232] : memref<6144x2048xf32, #tpu.memory_space<hbm>> -> memref<6144x2048xf32, #tpu.memory_space<hbm>>
    tpu.enqueue_indirect_dma source(%dma_start3A_233 : memref<6144x2048xf32, #tpu.memory_space<hbm>>) target(%arg11 : memref<16x2048xf32, #tpu.memory_space<vmem>>) offsets(%arg9 : memref<16xi32, #tpu.memory_space<vmem>>) semaphore(%arg16 : memref<!tpu.dma_semaphore, #tpu.memory_space<semaphore_mem>>)
    %dma_wait3A_234 = arith.constant 0 : i32
    %dma_wait3A_235 = arith.constant 0 : i32
    %dma_wait3A_236 = tpu.memref_slice %arg2[%dma_wait3A_234, %dma_wait3A_235] : memref<6144x2048xf32, #tpu.memory_space<hbm>> -> memref<6144x2048xf32, #tpu.memory_space<hbm>>
    tpu.wait_indirect_dma semaphore(%arg15 : memref<!tpu.dma_semaphore, #tpu.memory_space<semaphore_mem>>) src(%dma_wait3A_236 : memref<6144x2048xf32, #tpu.memory_space<hbm>>) dst(%arg8 : memref<16x2048xf32, #tpu.memory_space<vmem>>)
    %scan3A_237 = arith.constant 0 : i32
    %scan3A_238 = arith.constant 0 : i32
    %scan3A_239 = arith.constant 8 : i32
    %scan3A_240 = arith.addi %scan3A_238, %scan3A_239 : i32
    %scan3A_241 = arith.constant 1 : i32
    scf.for %scan3A_296 = %scan3A_238 to %scan3A_240 step %scan3A_241  : i32 {
      %broadcast_in_dim3A = vector.broadcast %scan3A_296 : i32 to vector<16xi32>
      %gather3A = tpu.vector_load_idx %arg7[%broadcast_in_dim3A] : memref<16xf32, #tpu.memory_space<vmem>>[vector<16xi32>], vector<16xf32>,
      %add3A_297 = arith.constant 8 : i32
      %add3A_298 = arith.addi %scan3A_296, %add3A_297 : i32
      %broadcast_in_dim3A_299 = vector.broadcast %add3A_298 : i32 to vector<16xi32>
      %gather3A_300 = tpu.vector_load_idx %arg7[%broadcast_in_dim3A_299] : memref<16xf32, #tpu.memory_space<vmem>>[vector<16xi32>], vector<16xf32>,
      %parallel_loop3A = arith.constant 0 : i32
      %parallel_loop3A_301 = arith.constant 128 : i32
      %parallel_loop3A_302 = arith.constant 1 : i32
      scf.for %parallel_loop3A_303 = %parallel_loop3A to %parallel_loop3A_301 step %parallel_loop3A_302  : i32 {
        %parallel_loop3A_304 = arith.constant 16 : i32
        %parallel_loop3A_305 = arith.muli %parallel_loop3A_303, %parallel_loop3A_304 : i32
        %parallel_loop3A_306 = arith.index_cast %scan3A_296 : i32 to index
        %parallel_loop3A_307 = arith.index_cast %parallel_loop3A_305 : i32 to index
        %parallel_loop3A_308 = tpu.vector_load %arg8[%parallel_loop3A_306, %parallel_loop3A_307] {strides = array<i32>} : memref<16x2048xf32, #tpu.memory_space<vmem>>, vector<16xf32>,
        %parallel_loop3A_309 = arith.mulf %parallel_loop3A_308, %gather3A : vector<16xf32>
        %parallel_loop3A_310 = arith.constant 8 : i32
        %parallel_loop3A_311 = arith.addi %scan3A_296, %parallel_loop3A_310 : i32
        %parallel_loop3A_312 = arith.index_cast %parallel_loop3A_311 : i32 to index
        %parallel_loop3A_313 = arith.index_cast %parallel_loop3A_305 : i32 to index
        %parallel_loop3A_314 = tpu.vector_load %arg8[%parallel_loop3A_312, %parallel_loop3A_313] {strides = array<i32>} : memref<16x2048xf32, #tpu.memory_space<vmem>>, vector<16xf32>,
        %parallel_loop3A_315 = arith.mulf %parallel_loop3A_314, %gather3A_300 : vector<16xf32>
        %parallel_loop3A_316 = arith.addf %parallel_loop3A_309, %parallel_loop3A_315 : vector<16xf32>
        %parallel_loop3A_317 = arith.index_cast %scan3A_296 : i32 to index
        %parallel_loop3A_318 = arith.index_cast %parallel_loop3A_305 : i32 to index
        %parallel_loop3A_319 = tpu.vector_load %arg8[%parallel_loop3A_317, %parallel_loop3A_318] {strides = array<i32>} : memref<16x2048xf32, #tpu.memory_space<vmem>>, vector<16xf32>,
        tpu.vector_store %arg8[%parallel_loop3A_317, %parallel_loop3A_318], %parallel_loop3A_316 {strides = array<i32>} : memref<16x2048xf32, #tpu.memory_space<vmem>>, vector<16xf32>,
      } {sc.loop_unroll_factor = 8 : i64, sc.parallel_access}
    }
    %scan3A_242 = arith.constant 8 : i32
    %add3A_243 = arith.constant 48 : i32
    %add3A_244 = arith.addi %mul3A_4, %add3A_243 : i32
    %dma_start3A_245 = arith.constant 0 : i32
    %dma_start3A_246 = arith.constant 0 : i32
    %dma_start3A_247 = tpu.memref_slice %arg8[%dma_start3A_245, %dma_start3A_246] : memref<16x2048xf32, #tpu.memory_space<vmem>> -> memref<8x2048xf32, #tpu.memory_space<vmem>>
    %dma_start3A_248 = arith.constant 0 : i32
    %dma_start3A_249 = tpu.memref_slice %arg5[%add3A_244, %dma_start3A_248] : memref<2048x2048xf32, #tpu.memory_space<hbm>> -> memref<8x2048xf32, #tpu.memory_space<hbm>>
    %dma_start3A_250 = arith.constant 0 : i32
    %dma_start3A_251 = tpu.memref_slice %arg5[%add3A_244, %dma_start3A_250] : memref<2048x2048xf32, #tpu.memory_space<hbm>> -> memref<8x2048xf32, #tpu.memory_space<hbm>>
    %dma_start3A_252 = arith.constant 0 : i32
    %dma_start3A_253 = arith.constant 0 : i32
    %dma_start3A_254 = tpu.memref_slice %arg8[%dma_start3A_252, %dma_start3A_253] : memref<16x2048xf32, #tpu.memory_space<vmem>> -> memref<8x2048xf32, #tpu.memory_space<vmem>>
    tpu.enqueue_dma source(%dma_start3A_254 : memref<8x2048xf32, #tpu.memory_space<vmem>>) target(%dma_start3A_251 : memref<8x2048xf32, #tpu.memory_space<hbm>>) target_semaphore(%arg18 : memref<!tpu.dma_semaphore, #tpu.memory_space<semaphore_mem>>)
    %dma_wait3A_255 = arith.constant 0 : i32
    %dma_wait3A_256 = arith.constant 0 : i32
    %dma_wait3A_257 = tpu.memref_slice %arg2[%dma_wait3A_255, %dma_wait3A_256] : memref<6144x2048xf32, #tpu.memory_space<hbm>> -> memref<6144x2048xf32, #tpu.memory_space<hbm>>
    tpu.wait_indirect_dma semaphore(%arg16 : memref<!tpu.dma_semaphore, #tpu.memory_space<semaphore_mem>>) src(%dma_wait3A_257 : memref<6144x2048xf32, #tpu.memory_space<hbm>>) dst(%arg11 : memref<16x2048xf32, #tpu.memory_space<vmem>>)
    %scan3A_258 = arith.constant 0 : i32
    %scan3A_259 = arith.constant 0 : i32
    %scan3A_260 = arith.constant 8 : i32
    %scan3A_261 = arith.addi %scan3A_259, %scan3A_260 : i32
    %scan3A_262 = arith.constant 1 : i32
    scf.for %scan3A_296 = %scan3A_259 to %scan3A_261 step %scan3A_262  : i32 {
      %broadcast_in_dim3A = vector.broadcast %scan3A_296 : i32 to vector<16xi32>
      %gather3A = tpu.vector_load_idx %arg10[%broadcast_in_dim3A] : memref<16xf32, #tpu.memory_space<vmem>>[vector<16xi32>], vector<16xf32>,
      %add3A_297 = arith.constant 8 : i32
      %add3A_298 = arith.addi %scan3A_296, %add3A_297 : i32
      %broadcast_in_dim3A_299 = vector.broadcast %add3A_298 : i32 to vector<16xi32>
      %gather3A_300 = tpu.vector_load_idx %arg10[%broadcast_in_dim3A_299] : memref<16xf32, #tpu.memory_space<vmem>>[vector<16xi32>], vector<16xf32>,
      %parallel_loop3A = arith.constant 0 : i32
      %parallel_loop3A_301 = arith.constant 128 : i32
      %parallel_loop3A_302 = arith.constant 1 : i32
      scf.for %parallel_loop3A_303 = %parallel_loop3A to %parallel_loop3A_301 step %parallel_loop3A_302  : i32 {
        %parallel_loop3A_304 = arith.constant 16 : i32
        %parallel_loop3A_305 = arith.muli %parallel_loop3A_303, %parallel_loop3A_304 : i32
        %parallel_loop3A_306 = arith.index_cast %scan3A_296 : i32 to index
        %parallel_loop3A_307 = arith.index_cast %parallel_loop3A_305 : i32 to index
        %parallel_loop3A_308 = tpu.vector_load %arg11[%parallel_loop3A_306, %parallel_loop3A_307] {strides = array<i32>} : memref<16x2048xf32, #tpu.memory_space<vmem>>, vector<16xf32>,
        %parallel_loop3A_309 = arith.mulf %parallel_loop3A_308, %gather3A : vector<16xf32>
        %parallel_loop3A_310 = arith.constant 8 : i32
        %parallel_loop3A_311 = arith.addi %scan3A_296, %parallel_loop3A_310 : i32
        %parallel_loop3A_312 = arith.index_cast %parallel_loop3A_311 : i32 to index
        %parallel_loop3A_313 = arith.index_cast %parallel_loop3A_305 : i32 to index
        %parallel_loop3A_314 = tpu.vector_load %arg11[%parallel_loop3A_312, %parallel_loop3A_313] {strides = array<i32>} : memref<16x2048xf32, #tpu.memory_space<vmem>>, vector<16xf32>,
        %parallel_loop3A_315 = arith.mulf %parallel_loop3A_314, %gather3A_300 : vector<16xf32>
        %parallel_loop3A_316 = arith.addf %parallel_loop3A_309, %parallel_loop3A_315 : vector<16xf32>
        %parallel_loop3A_317 = arith.index_cast %scan3A_296 : i32 to index
        %parallel_loop3A_318 = arith.index_cast %parallel_loop3A_305 : i32 to index
        %parallel_loop3A_319 = tpu.vector_load %arg11[%parallel_loop3A_317, %parallel_loop3A_318] {strides = array<i32>} : memref<16x2048xf32, #tpu.memory_space<vmem>>, vector<16xf32>,
        tpu.vector_store %arg11[%parallel_loop3A_317, %parallel_loop3A_318], %parallel_loop3A_316 {strides = array<i32>} : memref<16x2048xf32, #tpu.memory_space<vmem>>, vector<16xf32>,
      } {sc.loop_unroll_factor = 8 : i64, sc.parallel_access}
    }
    %scan3A_263 = arith.constant 8 : i32
    %add3A_264 = arith.constant 56 : i32
    %add3A_265 = arith.addi %mul3A_4, %add3A_264 : i32
    %dma_start3A_266 = arith.constant 0 : i32
    %dma_start3A_267 = arith.constant 0 : i32
    %dma_start3A_268 = tpu.memref_slice %arg11[%dma_start3A_266, %dma_start3A_267] : memref<16x2048xf32, #tpu.memory_space<vmem>> -> memref<8x2048xf32, #tpu.memory_space<vmem>>
    %dma_start3A_269 = arith.constant 0 : i32
    %dma_start3A_270 = tpu.memref_slice %arg5[%add3A_265, %dma_start3A_269] : memref<2048x2048xf32, #tpu.memory_space<hbm>> -> memref<8x2048xf32, #tpu.memory_space<hbm>>
    %dma_start3A_271 = arith.constant 0 : i32
    %dma_start3A_272 = tpu.memref_slice %arg5[%add3A_265, %dma_start3A_271] : memref<2048x2048xf32, #tpu.memory_space<hbm>> -> memref<8x2048xf32, #tpu.memory_space<hbm>>
    %dma_start3A_273 = arith.constant 0 : i32
    %dma_start3A_274 = arith.constant 0 : i32
    %dma_start3A_275 = tpu.memref_slice %arg11[%dma_start3A_273, %dma_start3A_274] : memref<16x2048xf32, #tpu.memory_space<vmem>> -> memref<8x2048xf32, #tpu.memory_space<vmem>>
    tpu.enqueue_dma source(%dma_start3A_275 : memref<8x2048xf32, #tpu.memory_space<vmem>>) target(%dma_start3A_272 : memref<8x2048xf32, #tpu.memory_space<hbm>>) target_semaphore(%arg19 : memref<!tpu.dma_semaphore, #tpu.memory_space<semaphore_mem>>)
    %dma_wait3A_276 = arith.constant 0 : i32
    %dma_wait3A_277 = arith.constant 0 : i32
    %dma_wait3A_278 = tpu.memref_slice %arg8[%dma_wait3A_276, %dma_wait3A_277] : memref<16x2048xf32, #tpu.memory_space<vmem>> -> memref<8x2048xf32, #tpu.memory_space<vmem>>
    %dma_wait3A_279 = arith.constant 0 : i32
    %dma_wait3A_280 = tpu.memref_slice %arg5[%add3A_244, %dma_wait3A_279] : memref<2048x2048xf32, #tpu.memory_space<hbm>> -> memref<8x2048xf32, #tpu.memory_space<hbm>>
    %dma_wait3A_281 = arith.constant 0 : i32
    %dma_wait3A_282 = tpu.memref_slice %arg5[%add3A_244, %dma_wait3A_281] : memref<2048x2048xf32, #tpu.memory_space<hbm>> -> memref<8x2048xf32, #tpu.memory_space<hbm>>
    %dma_wait3A_283 = arith.constant 0 : i32
    %dma_wait3A_284 = arith.constant 0 : i32
    %dma_wait3A_285 = tpu.memref_slice %arg8[%dma_wait3A_283, %dma_wait3A_284] : memref<16x2048xf32, #tpu.memory_space<vmem>> -> memref<8x2048xf32, #tpu.memory_space<vmem>>
    tpu.wait_dma2 semaphore(%arg18 : memref<!tpu.dma_semaphore, #tpu.memory_space<semaphore_mem>>) src(%dma_wait3A_285 : memref<8x2048xf32, #tpu.memory_space<vmem>>) dst(%dma_wait3A_282 : memref<8x2048xf32, #tpu.memory_space<hbm>>)
    %dma_wait3A_286 = arith.constant 0 : i32
    %dma_wait3A_287 = arith.constant 0 : i32
    %dma_wait3A_288 = tpu.memref_slice %arg11[%dma_wait3A_286, %dma_wait3A_287] : memref<16x2048xf32, #tpu.memory_space<vmem>> -> memref<8x2048xf32, #tpu.memory_space<vmem>>
    %dma_wait3A_289 = arith.constant 0 : i32
    %dma_wait3A_290 = tpu.memref_slice %arg5[%add3A_265, %dma_wait3A_289] : memref<2048x2048xf32, #tpu.memory_space<hbm>> -> memref<8x2048xf32, #tpu.memory_space<hbm>>
    %dma_wait3A_291 = arith.constant 0 : i32
    %dma_wait3A_292 = tpu.memref_slice %arg5[%add3A_265, %dma_wait3A_291] : memref<2048x2048xf32, #tpu.memory_space<hbm>> -> memref<8x2048xf32, #tpu.memory_space<hbm>>
    %dma_wait3A_293 = arith.constant 0 : i32
    %dma_wait3A_294 = arith.constant 0 : i32
    %dma_wait3A_295 = tpu.memref_slice %arg11[%dma_wait3A_293, %dma_wait3A_294] : memref<16x2048xf32, #tpu.memory_space<vmem>> -> memref<8x2048xf32, #tpu.memory_space<vmem>>
    tpu.wait_dma2 semaphore(%arg19 : memref<!tpu.dma_semaphore, #tpu.memory_space<semaphore_mem>>) src(%dma_wait3A_295 : memref<8x2048xf32, #tpu.memory_space<vmem>>) dst(%dma_wait3A_292 : memref<8x2048xf32, #tpu.memory_space<hbm>>)
    return
  }
}

#map = affine_map<(d0, d1) -> (0, 0)>
#map1 = affine_map<(d0, d1) -> (0)>
module attributes {stable_mosaic.version = 14 : i64} {
  func.func @_dispatch_body(%arg0: i32, %arg1: i32, %arg2: memref<2048x2048xf32, #tpu.memory_space<hbm>>, %arg3: memref<2048xi32, #tpu.memory_space<hbm>>, %arg4: memref<2048xi32, #tpu.memory_space<hbm>>, %arg5: memref<6144x2048xf32, #tpu.memory_space<hbm>>, %arg6: memref<16xi32, #tpu.memory_space<vmem>>, %arg7: memref<16xi32, #tpu.memory_space<vmem>>, %arg8: memref<16xi32, #tpu.memory_space<vmem>>, %arg9: memref<16xi32, #tpu.memory_space<vmem>>, %arg10: memref<16x2048xf32, #tpu.memory_space<vmem>>, %arg11: memref<16x2048xf32, #tpu.memory_space<vmem>>, %arg12: memref<!tpu.dma_semaphore, #tpu.memory_space<semaphore_mem>>, %arg13: memref<!tpu.dma_semaphore, #tpu.memory_space<semaphore_mem>>, %arg14: memref<!tpu.dma_semaphore, #tpu.memory_space<semaphore_mem>>, %arg15: memref<!tpu.dma_semaphore, #tpu.memory_space<semaphore_mem>>) attributes {dimension_semantics = [#tpu.dimension_semantics<core_parallel>, #tpu.dimension_semantics<subcore_parallel>], iteration_bounds = array<i64: 2, 16>, scalar_prefetch = 0 : i64, scratch_operands = 10 : i64, tpu.core_type = #tpu.core_type<sc_vector_subcore>, window_params = [{transform_indices = #map}, {transform_indices = #map1}, {transform_indices = #map1}, {transform_indices = #map}]} {
    %mul3A = arith.constant 2 : i32
    %mul3A_0 = arith.muli %arg1, %mul3A : i32
    %add3A = arith.addi %mul3A_0, %arg0 : i32
    %mul3A_1 = arith.constant 64 : i32
    %mul3A_2 = arith.muli %add3A, %mul3A_1 : i32
    %add3A_3 = arith.constant 0 : i32
    %add3A_4 = arith.addi %mul3A_2, %add3A_3 : i32
    %dma_start3A = arith.constant 0 : i32
    %dma_start3A_5 = tpu.memref_slice %arg2[%add3A_4, %dma_start3A] : memref<2048x2048xf32, #tpu.memory_space<hbm>> -> memref<16x2048xf32, #tpu.memory_space<hbm>>
    %dma_start3A_6 = arith.constant 0 : i32
    %dma_start3A_7 = tpu.memref_slice %arg2[%add3A_4, %dma_start3A_6] : memref<2048x2048xf32, #tpu.memory_space<hbm>> -> memref<16x2048xf32, #tpu.memory_space<hbm>>
    tpu.enqueue_dma source(%dma_start3A_7 : memref<16x2048xf32, #tpu.memory_space<hbm>>) target(%arg10 : memref<16x2048xf32, #tpu.memory_space<vmem>>) target_semaphore(%arg12 : memref<!tpu.dma_semaphore, #tpu.memory_space<semaphore_mem>>)
    %add3A_8 = arith.constant 16 : i32
    %add3A_9 = arith.addi %mul3A_2, %add3A_8 : i32
    %dma_start3A_10 = arith.constant 0 : i32
    %dma_start3A_11 = tpu.memref_slice %arg2[%add3A_9, %dma_start3A_10] : memref<2048x2048xf32, #tpu.memory_space<hbm>> -> memref<16x2048xf32, #tpu.memory_space<hbm>>
    %dma_start3A_12 = arith.constant 0 : i32
    %dma_start3A_13 = tpu.memref_slice %arg2[%add3A_9, %dma_start3A_12] : memref<2048x2048xf32, #tpu.memory_space<hbm>> -> memref<16x2048xf32, #tpu.memory_space<hbm>>
    tpu.enqueue_dma source(%dma_start3A_13 : memref<16x2048xf32, #tpu.memory_space<hbm>>) target(%arg11 : memref<16x2048xf32, #tpu.memory_space<vmem>>) target_semaphore(%arg13 : memref<!tpu.dma_semaphore, #tpu.memory_space<semaphore_mem>>)
    %add3A_14 = arith.constant 0 : i32
    %add3A_15 = arith.addi %mul3A_2, %add3A_14 : i32
    "tpu.region"() ({
      %run_scoped3A = tpu.sem_alloc : memref<!tpu.dma_semaphore, #tpu.memory_space<semaphore_mem>>
      %dma_start3A_105 = tpu.memref_slice %arg3[%add3A_15] : memref<2048xi32, #tpu.memory_space<hbm>> -> memref<16xi32, #tpu.memory_space<hbm>>
      %dma_start3A_106 = tpu.memref_slice %arg3[%add3A_15] : memref<2048xi32, #tpu.memory_space<hbm>> -> memref<16xi32, #tpu.memory_space<hbm>>
      tpu.enqueue_dma source(%dma_start3A_106 : memref<16xi32, #tpu.memory_space<hbm>>) target(%arg6 : memref<16xi32, #tpu.memory_space<vmem>>) target_semaphore(%run_scoped3A : memref<!tpu.dma_semaphore, #tpu.memory_space<semaphore_mem>>)
      %dma_wait3A_107 = tpu.memref_slice %arg3[%add3A_15] : memref<2048xi32, #tpu.memory_space<hbm>> -> memref<16xi32, #tpu.memory_space<hbm>>
      %dma_wait3A_108 = tpu.memref_slice %arg3[%add3A_15] : memref<2048xi32, #tpu.memory_space<hbm>> -> memref<16xi32, #tpu.memory_space<hbm>>
      tpu.wait_dma2 semaphore(%run_scoped3A : memref<!tpu.dma_semaphore, #tpu.memory_space<semaphore_mem>>) src(%dma_wait3A_108 : memref<16xi32, #tpu.memory_space<hbm>>) dst(%arg6 : memref<16xi32, #tpu.memory_space<vmem>>)
      tpu.yield
    }) : () -> ()
    %add3A_16 = arith.constant 0 : i32
    %add3A_17 = arith.addi %mul3A_2, %add3A_16 : i32
    "tpu.region"() ({
      %run_scoped3A = tpu.sem_alloc : memref<!tpu.dma_semaphore, #tpu.memory_space<semaphore_mem>>
      %dma_start3A_105 = tpu.memref_slice %arg4[%add3A_17] : memref<2048xi32, #tpu.memory_space<hbm>> -> memref<16xi32, #tpu.memory_space<hbm>>
      %dma_start3A_106 = tpu.memref_slice %arg4[%add3A_17] : memref<2048xi32, #tpu.memory_space<hbm>> -> memref<16xi32, #tpu.memory_space<hbm>>
      tpu.enqueue_dma source(%dma_start3A_106 : memref<16xi32, #tpu.memory_space<hbm>>) target(%arg7 : memref<16xi32, #tpu.memory_space<vmem>>) target_semaphore(%run_scoped3A : memref<!tpu.dma_semaphore, #tpu.memory_space<semaphore_mem>>)
      %dma_wait3A_107 = tpu.memref_slice %arg4[%add3A_17] : memref<2048xi32, #tpu.memory_space<hbm>> -> memref<16xi32, #tpu.memory_space<hbm>>
      %dma_wait3A_108 = tpu.memref_slice %arg4[%add3A_17] : memref<2048xi32, #tpu.memory_space<hbm>> -> memref<16xi32, #tpu.memory_space<hbm>>
      tpu.wait_dma2 semaphore(%run_scoped3A : memref<!tpu.dma_semaphore, #tpu.memory_space<semaphore_mem>>) src(%dma_wait3A_108 : memref<16xi32, #tpu.memory_space<hbm>>) dst(%arg7 : memref<16xi32, #tpu.memory_space<vmem>>)
      tpu.yield
    }) : () -> ()
    %dma_wait3A = arith.constant 0 : i32
    %dma_wait3A_18 = tpu.memref_slice %arg2[%add3A_4, %dma_wait3A] : memref<2048x2048xf32, #tpu.memory_space<hbm>> -> memref<16x2048xf32, #tpu.memory_space<hbm>>
    %dma_wait3A_19 = arith.constant 0 : i32
    %dma_wait3A_20 = tpu.memref_slice %arg2[%add3A_4, %dma_wait3A_19] : memref<2048x2048xf32, #tpu.memory_space<hbm>> -> memref<16x2048xf32, #tpu.memory_space<hbm>>
    tpu.wait_dma2 semaphore(%arg12 : memref<!tpu.dma_semaphore, #tpu.memory_space<semaphore_mem>>) src(%dma_wait3A_20 : memref<16x2048xf32, #tpu.memory_space<hbm>>) dst(%arg10 : memref<16x2048xf32, #tpu.memory_space<vmem>>)
    %dma_start3A_21 = arith.constant 0 : i32
    %dma_start3A_22 = arith.constant 0 : i32
    %dma_start3A_23 = tpu.memref_slice %arg5[%dma_start3A_21, %dma_start3A_22] : memref<6144x2048xf32, #tpu.memory_space<hbm>> -> memref<6144x2048xf32, #tpu.memory_space<hbm>>
    tpu.enqueue_indirect_dma source(%arg10 : memref<16x2048xf32, #tpu.memory_space<vmem>>) target(%dma_start3A_23 : memref<6144x2048xf32, #tpu.memory_space<hbm>>) offsets(%arg6 : memref<16xi32, #tpu.memory_space<vmem>>) semaphore(%arg14 : memref<!tpu.dma_semaphore, #tpu.memory_space<semaphore_mem>>)
    %dma_start3A_24 = arith.constant 0 : i32
    %dma_start3A_25 = arith.constant 0 : i32
    %dma_start3A_26 = tpu.memref_slice %arg5[%dma_start3A_24, %dma_start3A_25] : memref<6144x2048xf32, #tpu.memory_space<hbm>> -> memref<6144x2048xf32, #tpu.memory_space<hbm>>
    tpu.enqueue_indirect_dma source(%arg10 : memref<16x2048xf32, #tpu.memory_space<vmem>>) target(%dma_start3A_26 : memref<6144x2048xf32, #tpu.memory_space<hbm>>) offsets(%arg7 : memref<16xi32, #tpu.memory_space<vmem>>) semaphore(%arg14 : memref<!tpu.dma_semaphore, #tpu.memory_space<semaphore_mem>>)
    %add3A_27 = arith.constant 16 : i32
    %add3A_28 = arith.addi %mul3A_2, %add3A_27 : i32
    "tpu.region"() ({
      %run_scoped3A = tpu.sem_alloc : memref<!tpu.dma_semaphore, #tpu.memory_space<semaphore_mem>>
      %dma_start3A_105 = tpu.memref_slice %arg3[%add3A_28] : memref<2048xi32, #tpu.memory_space<hbm>> -> memref<16xi32, #tpu.memory_space<hbm>>
      %dma_start3A_106 = tpu.memref_slice %arg3[%add3A_28] : memref<2048xi32, #tpu.memory_space<hbm>> -> memref<16xi32, #tpu.memory_space<hbm>>
      tpu.enqueue_dma source(%dma_start3A_106 : memref<16xi32, #tpu.memory_space<hbm>>) target(%arg8 : memref<16xi32, #tpu.memory_space<vmem>>) target_semaphore(%run_scoped3A : memref<!tpu.dma_semaphore, #tpu.memory_space<semaphore_mem>>)
      %dma_wait3A_107 = tpu.memref_slice %arg3[%add3A_28] : memref<2048xi32, #tpu.memory_space<hbm>> -> memref<16xi32, #tpu.memory_space<hbm>>
      %dma_wait3A_108 = tpu.memref_slice %arg3[%add3A_28] : memref<2048xi32, #tpu.memory_space<hbm>> -> memref<16xi32, #tpu.memory_space<hbm>>
      tpu.wait_dma2 semaphore(%run_scoped3A : memref<!tpu.dma_semaphore, #tpu.memory_space<semaphore_mem>>) src(%dma_wait3A_108 : memref<16xi32, #tpu.memory_space<hbm>>) dst(%arg8 : memref<16xi32, #tpu.memory_space<vmem>>)
      tpu.yield
    }) : () -> ()
    %add3A_29 = arith.constant 16 : i32
    %add3A_30 = arith.addi %mul3A_2, %add3A_29 : i32
    "tpu.region"() ({
      %run_scoped3A = tpu.sem_alloc : memref<!tpu.dma_semaphore, #tpu.memory_space<semaphore_mem>>
      %dma_start3A_105 = tpu.memref_slice %arg4[%add3A_30] : memref<2048xi32, #tpu.memory_space<hbm>> -> memref<16xi32, #tpu.memory_space<hbm>>
      %dma_start3A_106 = tpu.memref_slice %arg4[%add3A_30] : memref<2048xi32, #tpu.memory_space<hbm>> -> memref<16xi32, #tpu.memory_space<hbm>>
      tpu.enqueue_dma source(%dma_start3A_106 : memref<16xi32, #tpu.memory_space<hbm>>) target(%arg9 : memref<16xi32, #tpu.memory_space<vmem>>) target_semaphore(%run_scoped3A : memref<!tpu.dma_semaphore, #tpu.memory_space<semaphore_mem>>)
      %dma_wait3A_107 = tpu.memref_slice %arg4[%add3A_30] : memref<2048xi32, #tpu.memory_space<hbm>> -> memref<16xi32, #tpu.memory_space<hbm>>
      %dma_wait3A_108 = tpu.memref_slice %arg4[%add3A_30] : memref<2048xi32, #tpu.memory_space<hbm>> -> memref<16xi32, #tpu.memory_space<hbm>>
      tpu.wait_dma2 semaphore(%run_scoped3A : memref<!tpu.dma_semaphore, #tpu.memory_space<semaphore_mem>>) src(%dma_wait3A_108 : memref<16xi32, #tpu.memory_space<hbm>>) dst(%arg9 : memref<16xi32, #tpu.memory_space<vmem>>)
      tpu.yield
    }) : () -> ()
    %dma_wait3A_31 = arith.constant 0 : i32
    %dma_wait3A_32 = tpu.memref_slice %arg2[%add3A_9, %dma_wait3A_31] : memref<2048x2048xf32, #tpu.memory_space<hbm>> -> memref<16x2048xf32, #tpu.memory_space<hbm>>
    %dma_wait3A_33 = arith.constant 0 : i32
    %dma_wait3A_34 = tpu.memref_slice %arg2[%add3A_9, %dma_wait3A_33] : memref<2048x2048xf32, #tpu.memory_space<hbm>> -> memref<16x2048xf32, #tpu.memory_space<hbm>>
    tpu.wait_dma2 semaphore(%arg13 : memref<!tpu.dma_semaphore, #tpu.memory_space<semaphore_mem>>) src(%dma_wait3A_34 : memref<16x2048xf32, #tpu.memory_space<hbm>>) dst(%arg11 : memref<16x2048xf32, #tpu.memory_space<vmem>>)
    %dma_start3A_35 = arith.constant 0 : i32
    %dma_start3A_36 = arith.constant 0 : i32
    %dma_start3A_37 = tpu.memref_slice %arg5[%dma_start3A_35, %dma_start3A_36] : memref<6144x2048xf32, #tpu.memory_space<hbm>> -> memref<6144x2048xf32, #tpu.memory_space<hbm>>
    tpu.enqueue_indirect_dma source(%arg11 : memref<16x2048xf32, #tpu.memory_space<vmem>>) target(%dma_start3A_37 : memref<6144x2048xf32, #tpu.memory_space<hbm>>) offsets(%arg8 : memref<16xi32, #tpu.memory_space<vmem>>) semaphore(%arg15 : memref<!tpu.dma_semaphore, #tpu.memory_space<semaphore_mem>>)
    %dma_start3A_38 = arith.constant 0 : i32
    %dma_start3A_39 = arith.constant 0 : i32
    %dma_start3A_40 = tpu.memref_slice %arg5[%dma_start3A_38, %dma_start3A_39] : memref<6144x2048xf32, #tpu.memory_space<hbm>> -> memref<6144x2048xf32, #tpu.memory_space<hbm>>
    tpu.enqueue_indirect_dma source(%arg11 : memref<16x2048xf32, #tpu.memory_space<vmem>>) target(%dma_start3A_40 : memref<6144x2048xf32, #tpu.memory_space<hbm>>) offsets(%arg9 : memref<16xi32, #tpu.memory_space<vmem>>) semaphore(%arg15 : memref<!tpu.dma_semaphore, #tpu.memory_space<semaphore_mem>>)
    %dma_wait3A_41 = arith.constant 0 : i32
    %dma_wait3A_42 = arith.constant 0 : i32
    %dma_wait3A_43 = tpu.memref_slice %arg5[%dma_wait3A_41, %dma_wait3A_42] : memref<6144x2048xf32, #tpu.memory_space<hbm>> -> memref<6144x2048xf32, #tpu.memory_space<hbm>>
    tpu.wait_indirect_dma semaphore(%arg14 : memref<!tpu.dma_semaphore, #tpu.memory_space<semaphore_mem>>) src(%arg10 : memref<16x2048xf32, #tpu.memory_space<vmem>>) dst(%dma_wait3A_43 : memref<6144x2048xf32, #tpu.memory_space<hbm>>)
    %dma_wait3A_44 = arith.constant 0 : i32
    %dma_wait3A_45 = arith.constant 0 : i32
    %dma_wait3A_46 = tpu.memref_slice %arg5[%dma_wait3A_44, %dma_wait3A_45] : memref<6144x2048xf32, #tpu.memory_space<hbm>> -> memref<6144x2048xf32, #tpu.memory_space<hbm>>
    tpu.wait_indirect_dma semaphore(%arg14 : memref<!tpu.dma_semaphore, #tpu.memory_space<semaphore_mem>>) src(%arg10 : memref<16x2048xf32, #tpu.memory_space<vmem>>) dst(%dma_wait3A_46 : memref<6144x2048xf32, #tpu.memory_space<hbm>>)
    %add3A_47 = arith.constant 32 : i32
    %add3A_48 = arith.addi %mul3A_2, %add3A_47 : i32
    %dma_start3A_49 = arith.constant 0 : i32
    %dma_start3A_50 = tpu.memref_slice %arg2[%add3A_48, %dma_start3A_49] : memref<2048x2048xf32, #tpu.memory_space<hbm>> -> memref<16x2048xf32, #tpu.memory_space<hbm>>
    %dma_start3A_51 = arith.constant 0 : i32
    %dma_start3A_52 = tpu.memref_slice %arg2[%add3A_48, %dma_start3A_51] : memref<2048x2048xf32, #tpu.memory_space<hbm>> -> memref<16x2048xf32, #tpu.memory_space<hbm>>
    tpu.enqueue_dma source(%dma_start3A_52 : memref<16x2048xf32, #tpu.memory_space<hbm>>) target(%arg10 : memref<16x2048xf32, #tpu.memory_space<vmem>>) target_semaphore(%arg12 : memref<!tpu.dma_semaphore, #tpu.memory_space<semaphore_mem>>)
    %add3A_53 = arith.constant 32 : i32
    %add3A_54 = arith.addi %mul3A_2, %add3A_53 : i32
    "tpu.region"() ({
      %run_scoped3A = tpu.sem_alloc : memref<!tpu.dma_semaphore, #tpu.memory_space<semaphore_mem>>
      %dma_start3A_105 = tpu.memref_slice %arg3[%add3A_54] : memref<2048xi32, #tpu.memory_space<hbm>> -> memref<16xi32, #tpu.memory_space<hbm>>
      %dma_start3A_106 = tpu.memref_slice %arg3[%add3A_54] : memref<2048xi32, #tpu.memory_space<hbm>> -> memref<16xi32, #tpu.memory_space<hbm>>
      tpu.enqueue_dma source(%dma_start3A_106 : memref<16xi32, #tpu.memory_space<hbm>>) target(%arg6 : memref<16xi32, #tpu.memory_space<vmem>>) target_semaphore(%run_scoped3A : memref<!tpu.dma_semaphore, #tpu.memory_space<semaphore_mem>>)
      %dma_wait3A_107 = tpu.memref_slice %arg3[%add3A_54] : memref<2048xi32, #tpu.memory_space<hbm>> -> memref<16xi32, #tpu.memory_space<hbm>>
      %dma_wait3A_108 = tpu.memref_slice %arg3[%add3A_54] : memref<2048xi32, #tpu.memory_space<hbm>> -> memref<16xi32, #tpu.memory_space<hbm>>
      tpu.wait_dma2 semaphore(%run_scoped3A : memref<!tpu.dma_semaphore, #tpu.memory_space<semaphore_mem>>) src(%dma_wait3A_108 : memref<16xi32, #tpu.memory_space<hbm>>) dst(%arg6 : memref<16xi32, #tpu.memory_space<vmem>>)
      tpu.yield
    }) : () -> ()
    %add3A_55 = arith.constant 32 : i32
    %add3A_56 = arith.addi %mul3A_2, %add3A_55 : i32
    "tpu.region"() ({
      %run_scoped3A = tpu.sem_alloc : memref<!tpu.dma_semaphore, #tpu.memory_space<semaphore_mem>>
      %dma_start3A_105 = tpu.memref_slice %arg4[%add3A_56] : memref<2048xi32, #tpu.memory_space<hbm>> -> memref<16xi32, #tpu.memory_space<hbm>>
      %dma_start3A_106 = tpu.memref_slice %arg4[%add3A_56] : memref<2048xi32, #tpu.memory_space<hbm>> -> memref<16xi32, #tpu.memory_space<hbm>>
      tpu.enqueue_dma source(%dma_start3A_106 : memref<16xi32, #tpu.memory_space<hbm>>) target(%arg7 : memref<16xi32, #tpu.memory_space<vmem>>) target_semaphore(%run_scoped3A : memref<!tpu.dma_semaphore, #tpu.memory_space<semaphore_mem>>)
      %dma_wait3A_107 = tpu.memref_slice %arg4[%add3A_56] : memref<2048xi32, #tpu.memory_space<hbm>> -> memref<16xi32, #tpu.memory_space<hbm>>
      %dma_wait3A_108 = tpu.memref_slice %arg4[%add3A_56] : memref<2048xi32, #tpu.memory_space<hbm>> -> memref<16xi32, #tpu.memory_space<hbm>>
      tpu.wait_dma2 semaphore(%run_scoped3A : memref<!tpu.dma_semaphore, #tpu.memory_space<semaphore_mem>>) src(%dma_wait3A_108 : memref<16xi32, #tpu.memory_space<hbm>>) dst(%arg7 : memref<16xi32, #tpu.memory_space<vmem>>)
      tpu.yield
    }) : () -> ()
    %dma_wait3A_57 = arith.constant 0 : i32
    %dma_wait3A_58 = tpu.memref_slice %arg2[%add3A_48, %dma_wait3A_57] : memref<2048x2048xf32, #tpu.memory_space<hbm>> -> memref<16x2048xf32, #tpu.memory_space<hbm>>
    %dma_wait3A_59 = arith.constant 0 : i32
    %dma_wait3A_60 = tpu.memref_slice %arg2[%add3A_48, %dma_wait3A_59] : memref<2048x2048xf32, #tpu.memory_space<hbm>> -> memref<16x2048xf32, #tpu.memory_space<hbm>>
    tpu.wait_dma2 semaphore(%arg12 : memref<!tpu.dma_semaphore, #tpu.memory_space<semaphore_mem>>) src(%dma_wait3A_60 : memref<16x2048xf32, #tpu.memory_space<hbm>>) dst(%arg10 : memref<16x2048xf32, #tpu.memory_space<vmem>>)
    %dma_start3A_61 = arith.constant 0 : i32
    %dma_start3A_62 = arith.constant 0 : i32
    %dma_start3A_63 = tpu.memref_slice %arg5[%dma_start3A_61, %dma_start3A_62] : memref<6144x2048xf32, #tpu.memory_space<hbm>> -> memref<6144x2048xf32, #tpu.memory_space<hbm>>
    tpu.enqueue_indirect_dma source(%arg10 : memref<16x2048xf32, #tpu.memory_space<vmem>>) target(%dma_start3A_63 : memref<6144x2048xf32, #tpu.memory_space<hbm>>) offsets(%arg6 : memref<16xi32, #tpu.memory_space<vmem>>) semaphore(%arg14 : memref<!tpu.dma_semaphore, #tpu.memory_space<semaphore_mem>>)
    %dma_start3A_64 = arith.constant 0 : i32
    %dma_start3A_65 = arith.constant 0 : i32
    %dma_start3A_66 = tpu.memref_slice %arg5[%dma_start3A_64, %dma_start3A_65] : memref<6144x2048xf32, #tpu.memory_space<hbm>> -> memref<6144x2048xf32, #tpu.memory_space<hbm>>
    tpu.enqueue_indirect_dma source(%arg10 : memref<16x2048xf32, #tpu.memory_space<vmem>>) target(%dma_start3A_66 : memref<6144x2048xf32, #tpu.memory_space<hbm>>) offsets(%arg7 : memref<16xi32, #tpu.memory_space<vmem>>) semaphore(%arg14 : memref<!tpu.dma_semaphore, #tpu.memory_space<semaphore_mem>>)
    %dma_wait3A_67 = arith.constant 0 : i32
    %dma_wait3A_68 = arith.constant 0 : i32
    %dma_wait3A_69 = tpu.memref_slice %arg5[%dma_wait3A_67, %dma_wait3A_68] : memref<6144x2048xf32, #tpu.memory_space<hbm>> -> memref<6144x2048xf32, #tpu.memory_space<hbm>>
    tpu.wait_indirect_dma semaphore(%arg15 : memref<!tpu.dma_semaphore, #tpu.memory_space<semaphore_mem>>) src(%arg11 : memref<16x2048xf32, #tpu.memory_space<vmem>>) dst(%dma_wait3A_69 : memref<6144x2048xf32, #tpu.memory_space<hbm>>)
    %dma_wait3A_70 = arith.constant 0 : i32
    %dma_wait3A_71 = arith.constant 0 : i32
    %dma_wait3A_72 = tpu.memref_slice %arg5[%dma_wait3A_70, %dma_wait3A_71] : memref<6144x2048xf32, #tpu.memory_space<hbm>> -> memref<6144x2048xf32, #tpu.memory_space<hbm>>
    tpu.wait_indirect_dma semaphore(%arg15 : memref<!tpu.dma_semaphore, #tpu.memory_space<semaphore_mem>>) src(%arg11 : memref<16x2048xf32, #tpu.memory_space<vmem>>) dst(%dma_wait3A_72 : memref<6144x2048xf32, #tpu.memory_space<hbm>>)
    %add3A_73 = arith.constant 48 : i32
    %add3A_74 = arith.addi %mul3A_2, %add3A_73 : i32
    %dma_start3A_75 = arith.constant 0 : i32
    %dma_start3A_76 = tpu.memref_slice %arg2[%add3A_74, %dma_start3A_75] : memref<2048x2048xf32, #tpu.memory_space<hbm>> -> memref<16x2048xf32, #tpu.memory_space<hbm>>
    %dma_start3A_77 = arith.constant 0 : i32
    %dma_start3A_78 = tpu.memref_slice %arg2[%add3A_74, %dma_start3A_77] : memref<2048x2048xf32, #tpu.memory_space<hbm>> -> memref<16x2048xf32, #tpu.memory_space<hbm>>
    tpu.enqueue_dma source(%dma_start3A_78 : memref<16x2048xf32, #tpu.memory_space<hbm>>) target(%arg11 : memref<16x2048xf32, #tpu.memory_space<vmem>>) target_semaphore(%arg13 : memref<!tpu.dma_semaphore, #tpu.memory_space<semaphore_mem>>)
    %add3A_79 = arith.constant 48 : i32
    %add3A_80 = arith.addi %mul3A_2, %add3A_79 : i32
    "tpu.region"() ({
      %run_scoped3A = tpu.sem_alloc : memref<!tpu.dma_semaphore, #tpu.memory_space<semaphore_mem>>
      %dma_start3A_105 = tpu.memref_slice %arg3[%add3A_80] : memref<2048xi32, #tpu.memory_space<hbm>> -> memref<16xi32, #tpu.memory_space<hbm>>
      %dma_start3A_106 = tpu.memref_slice %arg3[%add3A_80] : memref<2048xi32, #tpu.memory_space<hbm>> -> memref<16xi32, #tpu.memory_space<hbm>>
      tpu.enqueue_dma source(%dma_start3A_106 : memref<16xi32, #tpu.memory_space<hbm>>) target(%arg8 : memref<16xi32, #tpu.memory_space<vmem>>) target_semaphore(%run_scoped3A : memref<!tpu.dma_semaphore, #tpu.memory_space<semaphore_mem>>)
      %dma_wait3A_107 = tpu.memref_slice %arg3[%add3A_80] : memref<2048xi32, #tpu.memory_space<hbm>> -> memref<16xi32, #tpu.memory_space<hbm>>
      %dma_wait3A_108 = tpu.memref_slice %arg3[%add3A_80] : memref<2048xi32, #tpu.memory_space<hbm>> -> memref<16xi32, #tpu.memory_space<hbm>>
      tpu.wait_dma2 semaphore(%run_scoped3A : memref<!tpu.dma_semaphore, #tpu.memory_space<semaphore_mem>>) src(%dma_wait3A_108 : memref<16xi32, #tpu.memory_space<hbm>>) dst(%arg8 : memref<16xi32, #tpu.memory_space<vmem>>)
      tpu.yield
    }) : () -> ()
    %add3A_81 = arith.constant 48 : i32
    %add3A_82 = arith.addi %mul3A_2, %add3A_81 : i32
    "tpu.region"() ({
      %run_scoped3A = tpu.sem_alloc : memref<!tpu.dma_semaphore, #tpu.memory_space<semaphore_mem>>
      %dma_start3A_105 = tpu.memref_slice %arg4[%add3A_82] : memref<2048xi32, #tpu.memory_space<hbm>> -> memref<16xi32, #tpu.memory_space<hbm>>
      %dma_start3A_106 = tpu.memref_slice %arg4[%add3A_82] : memref<2048xi32, #tpu.memory_space<hbm>> -> memref<16xi32, #tpu.memory_space<hbm>>
      tpu.enqueue_dma source(%dma_start3A_106 : memref<16xi32, #tpu.memory_space<hbm>>) target(%arg9 : memref<16xi32, #tpu.memory_space<vmem>>) target_semaphore(%run_scoped3A : memref<!tpu.dma_semaphore, #tpu.memory_space<semaphore_mem>>)
      %dma_wait3A_107 = tpu.memref_slice %arg4[%add3A_82] : memref<2048xi32, #tpu.memory_space<hbm>> -> memref<16xi32, #tpu.memory_space<hbm>>
      %dma_wait3A_108 = tpu.memref_slice %arg4[%add3A_82] : memref<2048xi32, #tpu.memory_space<hbm>> -> memref<16xi32, #tpu.memory_space<hbm>>
      tpu.wait_dma2 semaphore(%run_scoped3A : memref<!tpu.dma_semaphore, #tpu.memory_space<semaphore_mem>>) src(%dma_wait3A_108 : memref<16xi32, #tpu.memory_space<hbm>>) dst(%arg9 : memref<16xi32, #tpu.memory_space<vmem>>)
      tpu.yield
    }) : () -> ()
    %dma_wait3A_83 = arith.constant 0 : i32
    %dma_wait3A_84 = tpu.memref_slice %arg2[%add3A_74, %dma_wait3A_83] : memref<2048x2048xf32, #tpu.memory_space<hbm>> -> memref<16x2048xf32, #tpu.memory_space<hbm>>
    %dma_wait3A_85 = arith.constant 0 : i32
    %dma_wait3A_86 = tpu.memref_slice %arg2[%add3A_74, %dma_wait3A_85] : memref<2048x2048xf32, #tpu.memory_space<hbm>> -> memref<16x2048xf32, #tpu.memory_space<hbm>>
    tpu.wait_dma2 semaphore(%arg13 : memref<!tpu.dma_semaphore, #tpu.memory_space<semaphore_mem>>) src(%dma_wait3A_86 : memref<16x2048xf32, #tpu.memory_space<hbm>>) dst(%arg11 : memref<16x2048xf32, #tpu.memory_space<vmem>>)
    %dma_start3A_87 = arith.constant 0 : i32
    %dma_start3A_88 = arith.constant 0 : i32
    %dma_start3A_89 = tpu.memref_slice %arg5[%dma_start3A_87, %dma_start3A_88] : memref<6144x2048xf32, #tpu.memory_space<hbm>> -> memref<6144x2048xf32, #tpu.memory_space<hbm>>
    tpu.enqueue_indirect_dma source(%arg11 : memref<16x2048xf32, #tpu.memory_space<vmem>>) target(%dma_start3A_89 : memref<6144x2048xf32, #tpu.memory_space<hbm>>) offsets(%arg8 : memref<16xi32, #tpu.memory_space<vmem>>) semaphore(%arg15 : memref<!tpu.dma_semaphore, #tpu.memory_space<semaphore_mem>>)
    %dma_start3A_90 = arith.constant 0 : i32
    %dma_start3A_91 = arith.constant 0 : i32
    %dma_start3A_92 = tpu.memref_slice %arg5[%dma_start3A_90, %dma_start3A_91] : memref<6144x2048xf32, #tpu.memory_space<hbm>> -> memref<6144x2048xf32, #tpu.memory_space<hbm>>
    tpu.enqueue_indirect_dma source(%arg11 : memref<16x2048xf32, #tpu.memory_space<vmem>>) target(%dma_start3A_92 : memref<6144x2048xf32, #tpu.memory_space<hbm>>) offsets(%arg9 : memref<16xi32, #tpu.memory_space<vmem>>) semaphore(%arg15 : memref<!tpu.dma_semaphore, #tpu.memory_space<semaphore_mem>>)
    %dma_wait3A_93 = arith.constant 0 : i32
    %dma_wait3A_94 = arith.constant 0 : i32
    %dma_wait3A_95 = tpu.memref_slice %arg5[%dma_wait3A_93, %dma_wait3A_94] : memref<6144x2048xf32, #tpu.memory_space<hbm>> -> memref<6144x2048xf32, #tpu.memory_space<hbm>>
    tpu.wait_indirect_dma semaphore(%arg14 : memref<!tpu.dma_semaphore, #tpu.memory_space<semaphore_mem>>) src(%arg10 : memref<16x2048xf32, #tpu.memory_space<vmem>>) dst(%dma_wait3A_95 : memref<6144x2048xf32, #tpu.memory_space<hbm>>)
    %dma_wait3A_96 = arith.constant 0 : i32
    %dma_wait3A_97 = arith.constant 0 : i32
    %dma_wait3A_98 = tpu.memref_slice %arg5[%dma_wait3A_96, %dma_wait3A_97] : memref<6144x2048xf32, #tpu.memory_space<hbm>> -> memref<6144x2048xf32, #tpu.memory_space<hbm>>
    tpu.wait_indirect_dma semaphore(%arg14 : memref<!tpu.dma_semaphore, #tpu.memory_space<semaphore_mem>>) src(%arg10 : memref<16x2048xf32, #tpu.memory_space<vmem>>) dst(%dma_wait3A_98 : memref<6144x2048xf32, #tpu.memory_space<hbm>>)
    %dma_wait3A_99 = arith.constant 0 : i32
    %dma_wait3A_100 = arith.constant 0 : i32
    %dma_wait3A_101 = tpu.memref_slice %arg5[%dma_wait3A_99, %dma_wait3A_100] : memref<6144x2048xf32, #tpu.memory_space<hbm>> -> memref<6144x2048xf32, #tpu.memory_space<hbm>>
    tpu.wait_indirect_dma semaphore(%arg15 : memref<!tpu.dma_semaphore, #tpu.memory_space<semaphore_mem>>) src(%arg11 : memref<16x2048xf32, #tpu.memory_space<vmem>>) dst(%dma_wait3A_101 : memref<6144x2048xf32, #tpu.memory_space<hbm>>)
    %dma_wait3A_102 = arith.constant 0 : i32
    %dma_wait3A_103 = arith.constant 0 : i32
    %dma_wait3A_104 = tpu.memref_slice %arg5[%dma_wait3A_102, %dma_wait3A_103] : memref<6144x2048xf32, #tpu.memory_space<hbm>> -> memref<6144x2048xf32, #tpu.memory_space<hbm>>
    tpu.wait_indirect_dma semaphore(%arg15 : memref<!tpu.dma_semaphore, #tpu.memory_space<semaphore_mem>>) src(%arg11 : memref<16x2048xf32, #tpu.memory_space<vmem>>) dst(%dma_wait3A_104 : memref<6144x2048xf32, #tpu.memory_space<hbm>>)
    return
  }
}

module attributes {stable_mosaic.version = 14 : i64} {
  func.func @_router_body(%arg0: i32, %arg1: memref<512x2048xf32, #tpu.memory_space<vmem>>, %arg2: memref<2048x128xf32, #tpu.memory_space<vmem>>, %arg3: memref<512x128xi32, #tpu.memory_space<vmem>>, %arg4: memref<512x128xf32, #tpu.memory_space<vmem>>) attributes {dimension_semantics = [#tpu.dimension_semantics<arbitrary>], iteration_bounds = array<i64: 4>, scalar_prefetch = 0 : i64, scratch_operands = 0 : i64, tpu.core_type = #tpu.core_type<tc>, window_params = [{transform_indices = @transform_0, window_bounds = array<i64: 512, 2048>}, {pipeline_mode = #tpu.pipeline_mode<synchronous>, transform_indices = @transform_1, window_bounds = array<i64: 2048, 128>}, {transform_indices = @transform_2, window_bounds = array<i64: 512, 128>}, {transform_indices = @transform_3, window_bounds = array<i64: 512, 128>}]} {
    %get3A = arith.constant 0 : index
    %get3A_0 = arith.constant 0 : index
    %get3A_1 = vector.load %arg1[%get3A, %get3A_0] : memref<512x2048xf32, #tpu.memory_space<vmem>>, vector<512x2048xf32>
    %get3A_2 = arith.constant 0 : index
    %get3A_3 = arith.constant 0 : index
    %get3A_4 = vector.load %arg2[%get3A_2, %get3A_3] : memref<2048x128xf32, #tpu.memory_space<vmem>>, vector<2048x128xf32>
    %dot_general3A = arith.constant dense<0.000000e+00> : vector<512x128xf32>
    %dot_general3A_5 = tpu.matmul %get3A_1, %get3A_4, %dot_general3A {dimension_numbers = #tpu.dot_dimension_numbers<[1], [0], [0], [1], [0, 0, 1, 1], [], []>, transpose_lhs_hint = false} : vector<512x2048xf32>, vector<2048x128xf32>, vector<512x128xf32> -> vector<512x128xf32>
    %iota3A = tpu.iota {dimensions = array<i32: 1>} : vector<512x128xi32>
    %lt3A = arith.constant 8 : i32
    %lt3A_6 = vector.broadcast %lt3A : i32 to vector<512x128xi32>
    %lt3A_7 = arith.cmpi slt, %iota3A, %lt3A_6 : vector<512x128xi32>
    %jit3A = arith.constant -1.000000e+30 : f32
    %broadcast_in_dim3A = vector.broadcast %jit3A : f32 to vector<512x128xf32>
    %select_n3A = arith.select %lt3A_7, %dot_general3A_5, %broadcast_in_dim3A : vector<512x128xi1>, vector<512x128xf32>
    %reduce_max3A = arith.constant dense<0xFF800000> : vector<512xf32>
    %reduce_max3A_8 = vector.multi_reduction <maximumf>, %select_n3A, %reduce_max3A [1] : vector<512x128xf32> to vector<512xf32>
    %broadcast_in_dim3A_9 = vector.shape_cast %reduce_max3A_8 : vector<512xf32> to vector<512x1xf32>
    %eq3A = vector.broadcast %broadcast_in_dim3A_9 : vector<512x1xf32> to vector<512x128xf32>
    %eq3A_10 = arith.cmpf oeq, %select_n3A, %eq3A : vector<512x128xf32>
    %jit3A_11 = arith.constant 127 : i32
    %broadcast_in_dim3A_12 = vector.broadcast %jit3A_11 : i32 to vector<512x128xi32>
    %select_n3A_13 = arith.select %eq3A_10, %iota3A, %broadcast_in_dim3A_12 : vector<512x128xi1>, vector<512x128xi32>
    %reduce_min3A = arith.constant dense<2147483647> : vector<512xi32>
    %reduce_min3A_14 = vector.multi_reduction <minsi>, %select_n3A_13, %reduce_min3A [1] : vector<512x128xi32> to vector<512xi32>
    %broadcast_in_dim3A_15 = vector.shape_cast %reduce_min3A_14 : vector<512xi32> to vector<512x1xi32>
    %eq3A_16 = vector.broadcast %broadcast_in_dim3A_15 : vector<512x1xi32> to vector<512x128xi32>
    %eq3A_17 = arith.cmpi eq, %iota3A, %eq3A_16 : vector<512x128xi32>
    %jit3A_18 = arith.constant -1.000000e+30 : f32
    %broadcast_in_dim3A_19 = vector.broadcast %jit3A_18 : f32 to vector<512x128xf32>
    %select_n3A_20 = arith.select %eq3A_17, %broadcast_in_dim3A_19, %select_n3A : vector<512x128xi1>, vector<512x128xf32>
    %reduce_max3A_21 = arith.constant dense<0xFF800000> : vector<512xf32>
    %reduce_max3A_22 = vector.multi_reduction <maximumf>, %select_n3A_20, %reduce_max3A_21 [1] : vector<512x128xf32> to vector<512xf32>
    %broadcast_in_dim3A_23 = vector.shape_cast %reduce_max3A_22 : vector<512xf32> to vector<512x1xf32>
    %eq3A_24 = vector.broadcast %broadcast_in_dim3A_23 : vector<512x1xf32> to vector<512x128xf32>
    %eq3A_25 = arith.cmpf oeq, %select_n3A_20, %eq3A_24 : vector<512x128xf32>
    %jit3A_26 = arith.constant 127 : i32
    %broadcast_in_dim3A_27 = vector.broadcast %jit3A_26 : i32 to vector<512x128xi32>
    %select_n3A_28 = arith.select %eq3A_25, %iota3A, %broadcast_in_dim3A_27 : vector<512x128xi1>, vector<512x128xi32>
    %reduce_min3A_29 = arith.constant dense<2147483647> : vector<512xi32>
    %reduce_min3A_30 = vector.multi_reduction <minsi>, %select_n3A_28, %reduce_min3A_29 [1] : vector<512x128xi32> to vector<512xi32>
    %broadcast_in_dim3A_31 = vector.shape_cast %reduce_min3A_30 : vector<512xi32> to vector<512x1xi32>
    %sub3A = arith.subf %broadcast_in_dim3A_23, %broadcast_in_dim3A_9 : vector<512x1xf32>
    %exp3A = math.exp %sub3A : vector<512x1xf32>
    %add3A = arith.constant 1.000000e+00 : f32
    %add3A_32 = vector.broadcast %add3A : f32 to vector<512x1xf32>
    %add3A_33 = arith.addf %add3A_32, %exp3A : vector<512x1xf32>
    %div3A = arith.constant 1.000000e+00 : f32
    %div3A_34 = vector.broadcast %div3A : f32 to vector<512x1xf32>
    %div3A_35 = arith.divf %div3A_34, %add3A_33 : vector<512x1xf32>
    %sub3A_36 = arith.constant 1.000000e+00 : f32
    %sub3A_37 = vector.broadcast %sub3A_36 : f32 to vector<512x1xf32>
    %sub3A_38 = arith.subf %sub3A_37, %div3A_35 : vector<512x1xf32>
    %eq3A_39 = arith.constant 0 : i32
    %eq3A_40 = vector.broadcast %eq3A_39 : i32 to vector<512x128xi32>
    %eq3A_41 = arith.cmpi eq, %iota3A, %eq3A_40 : vector<512x128xi32>
    %eq3A_42 = arith.constant 1 : i32
    %eq3A_43 = vector.broadcast %eq3A_42 : i32 to vector<512x128xi32>
    %eq3A_44 = arith.cmpi eq, %iota3A, %eq3A_43 : vector<512x128xi32>
    %jit3A_45 = arith.constant 0 : i32
    %broadcast_in_dim3A_46 = vector.shape_cast %broadcast_in_dim3A_31 : vector<512x1xi32> to vector<512x1xi32>
    %broadcast_in_dim3A_47 = vector.broadcast %broadcast_in_dim3A_46 : vector<512x1xi32> to vector<512x128xi32>
    %broadcast_in_dim3A_48 = vector.broadcast %jit3A_45 : i32 to vector<512x128xi32>
    %select_n3A_49 = arith.select %eq3A_44, %broadcast_in_dim3A_47, %broadcast_in_dim3A_48 : vector<512x128xi1>, vector<512x128xi32>
    %broadcast_in_dim3A_50 = vector.shape_cast %broadcast_in_dim3A_15 : vector<512x1xi32> to vector<512x1xi32>
    %broadcast_in_dim3A_51 = vector.broadcast %broadcast_in_dim3A_50 : vector<512x1xi32> to vector<512x128xi32>
    %select_n3A_52 = arith.select %eq3A_41, %broadcast_in_dim3A_51, %select_n3A_49 : vector<512x128xi1>, vector<512x128xi32>
    %swap3A = arith.constant 0 : index
    %swap3A_53 = arith.constant 0 : index
    %swap3A_54 = vector.load %arg3[%swap3A, %swap3A_53] : memref<512x128xi32, #tpu.memory_space<vmem>>, vector<512x128xi32>
    tpu.vector_store %arg3[%swap3A, %swap3A_53], %select_n3A_52 {strides = array<i32>} : memref<512x128xi32, #tpu.memory_space<vmem>>, vector<512x128xi32>,
    %eq3A_55 = arith.constant 0 : i32
    %eq3A_56 = vector.broadcast %eq3A_55 : i32 to vector<512x128xi32>
    %eq3A_57 = arith.cmpi eq, %iota3A, %eq3A_56 : vector<512x128xi32>
    %eq3A_58 = arith.constant 1 : i32
    %eq3A_59 = vector.broadcast %eq3A_58 : i32 to vector<512x128xi32>
    %eq3A_60 = arith.cmpi eq, %iota3A, %eq3A_59 : vector<512x128xi32>
    %jit3A_61 = arith.constant 0.000000e+00 : f32
    %broadcast_in_dim3A_62 = vector.shape_cast %sub3A_38 : vector<512x1xf32> to vector<512x1xf32>
    %broadcast_in_dim3A_63 = vector.broadcast %broadcast_in_dim3A_62 : vector<512x1xf32> to vector<512x128xf32>
    %broadcast_in_dim3A_64 = vector.broadcast %jit3A_61 : f32 to vector<512x128xf32>
    %select_n3A_65 = arith.select %eq3A_60, %broadcast_in_dim3A_63, %broadcast_in_dim3A_64 : vector<512x128xi1>, vector<512x128xf32>
    %broadcast_in_dim3A_66 = vector.shape_cast %div3A_35 : vector<512x1xf32> to vector<512x1xf32>
    %broadcast_in_dim3A_67 = vector.broadcast %broadcast_in_dim3A_66 : vector<512x1xf32> to vector<512x128xf32>
    %select_n3A_68 = arith.select %eq3A_57, %broadcast_in_dim3A_67, %select_n3A_65 : vector<512x128xi1>, vector<512x128xf32>
    %swap3A_69 = arith.constant 0 : index
    %swap3A_70 = arith.constant 0 : index
    %swap3A_71 = vector.load %arg4[%swap3A_69, %swap3A_70] : memref<512x128xf32, #tpu.memory_space<vmem>>, vector<512x128xf32>
    tpu.vector_store %arg4[%swap3A_69, %swap3A_70], %select_n3A_68 {strides = array<i32>} : memref<512x128xf32, #tpu.memory_space<vmem>>, vector<512x128xf32>,
    return
  }
  func.func @transform_0(%arg0: i32) -> (i32, i32) {
    %c0_i32 = arith.constant 0 : i32
    %c0_i32_0 = arith.constant 0 : i32
    return %arg0, %c0_i32 : i32, i32
  }
  func.func @transform_1(%arg0: i32) -> (i32, i32) {
    %c0_i32 = arith.constant 0 : i32
    %c0_i32_0 = arith.constant 0 : i32
    %c0_i32_1 = arith.constant 0 : i32
    return %c0_i32, %c0_i32_0 : i32, i32
  }
  func.func @transform_2(%arg0: i32) -> (i32, i32) {
    %c0_i32 = arith.constant 0 : i32
    %c0_i32_0 = arith.constant 0 : i32
    return %arg0, %c0_i32 : i32, i32
  }
  func.func @transform_3(%arg0: i32) -> (i32, i32) {
    %c0_i32 = arith.constant 0 : i32
    %c0_i32_0 = arith.constant 0 : i32
    return %arg0, %c0_i32 : i32, i32
  }
}

module attributes {stable_mosaic.version = 14 : i64} {
  func.func @_mm_body(%arg0: i32, %arg1: memref<24xi32, #tpu.memory_space<smem>>, %arg2: memref<24xi32, #tpu.memory_space<smem>>, %arg3: memref<256x2048xf32, #tpu.memory_space<vmem>>, %arg4: memref<1x768x2048xf32, #tpu.memory_space<vmem>>, %arg5: memref<1x768x2048xf32, #tpu.memory_space<vmem>>, %arg6: memref<1x2048x768xf32, #tpu.memory_space<vmem>>, %arg7: memref<256x2048xf32, #tpu.memory_space<vmem>>) attributes {dimension_semantics = [#tpu.dimension_semantics<arbitrary>], iteration_bounds = array<i64: 24>, scalar_prefetch = 2 : i64, scratch_operands = 0 : i64, tpu.core_type = #tpu.core_type<tc>, window_params = [{transform_indices = @transform_0, window_bounds = array<i64: 256, 2048>}, {transform_indices = @transform_1, window_bounds = array<i64: 1, 768, 2048>}, {transform_indices = @transform_2, window_bounds = array<i64: 1, 768, 2048>}, {transform_indices = @transform_3, window_bounds = array<i64: 1, 2048, 768>}, {transform_indices = @transform_4, window_bounds = array<i64: 256, 2048>}]} {
    %get3A = arith.index_cast %arg0 : i32 to index
    %get3A_0 = memref.load %arg2[%get3A] : memref<24xi32, #tpu.memory_space<smem>>
    %gt3A = arith.constant 0 : i32
    %gt3A_1 = arith.cmpi sgt, %get3A_0, %gt3A : i32
    %convert_element_type3A = arith.extui %gt3A_1 : i1 to i32
    %cond3A = arith.constant 0 : i32
    %cond3A_2 = arith.cmpi ne, %convert_element_type3A, %cond3A : i32
    scf.if %cond3A_2 {
      %get3A_3 = arith.constant 0 : index
      %get3A_4 = arith.constant 0 : index
      %get3A_5 = vector.load %arg3[%get3A_3, %get3A_4] : memref<256x2048xf32, #tpu.memory_space<vmem>>, vector<256x2048xf32>
      %get3A_6 = arith.constant 0 : index
      %get3A_7 = arith.constant 0 : index
      %get3A_8 = arith.constant 0 : index
      %get3A_9 = vector.load %arg4[%get3A_6, %get3A_7, %get3A_8] : memref<1x768x2048xf32, #tpu.memory_space<vmem>>, vector<1x768x2048xf32>
      %get3A_10 = vector.shape_cast %get3A_9 : vector<1x768x2048xf32> to vector<768x2048xf32>
      %dot_general3A = arith.constant dense<0.000000e+00> : vector<256x768xf32>
      %dot_general3A_11 = tpu.matmul %get3A_5, %get3A_10, %dot_general3A {dimension_numbers = #tpu.dot_dimension_numbers<[1], [1], [0], [0], [0, 0, 1, 0], [], []>, transpose_lhs_hint = false} : vector<256x2048xf32>, vector<768x2048xf32>, vector<256x768xf32> -> vector<256x768xf32>
      %get3A_12 = arith.constant 0 : index
      %get3A_13 = arith.constant 0 : index
      %get3A_14 = arith.constant 0 : index
      %get3A_15 = vector.load %arg5[%get3A_12, %get3A_13, %get3A_14] : memref<1x768x2048xf32, #tpu.memory_space<vmem>>, vector<1x768x2048xf32>
      %get3A_16 = vector.shape_cast %get3A_15 : vector<1x768x2048xf32> to vector<768x2048xf32>
      %dot_general3A_17 = arith.constant dense<0.000000e+00> : vector<256x768xf32>
      %dot_general3A_18 = tpu.matmul %get3A_5, %get3A_16, %dot_general3A_17 {dimension_numbers = #tpu.dot_dimension_numbers<[1], [1], [0], [0], [0, 0, 1, 0], [], []>, transpose_lhs_hint = false} : vector<256x2048xf32>, vector<768x2048xf32>, vector<256x768xf32> -> vector<256x768xf32>
      %logistic3A = arith.negf %dot_general3A_11 : vector<256x768xf32>
      %logistic3A_19 = math.exp %logistic3A : vector<256x768xf32>
      %logistic3A_20 = arith.constant 1.000000e+00 : f32
      %logistic3A_21 = vector.broadcast %logistic3A_20 : f32 to vector<256x768xf32>
      %logistic3A_22 = arith.addf %logistic3A_21, %logistic3A_19 : vector<256x768xf32>
      %logistic3A_23 = arith.divf %logistic3A_21, %logistic3A_22 : vector<256x768xf32>
      %mul3A = arith.mulf %dot_general3A_11, %logistic3A_23 : vector<256x768xf32>
      %mul3A_24 = arith.mulf %mul3A, %dot_general3A_18 : vector<256x768xf32>
      %get3A_25 = arith.constant 0 : index
      %get3A_26 = arith.constant 0 : index
      %get3A_27 = arith.constant 0 : index
      %get3A_28 = vector.load %arg6[%get3A_25, %get3A_26, %get3A_27] : memref<1x2048x768xf32, #tpu.memory_space<vmem>>, vector<1x2048x768xf32>
      %get3A_29 = vector.shape_cast %get3A_28 : vector<1x2048x768xf32> to vector<2048x768xf32>
      %dot_general3A_30 = arith.constant dense<0.000000e+00> : vector<256x2048xf32>
      %dot_general3A_31 = tpu.matmul %mul3A_24, %get3A_29, %dot_general3A_30 {dimension_numbers = #tpu.dot_dimension_numbers<[1], [1], [0], [0], [0, 0, 1, 0], [], []>, transpose_lhs_hint = false} : vector<256x768xf32>, vector<2048x768xf32>, vector<256x2048xf32> -> vector<256x2048xf32>
      %swap3A = arith.constant 0 : index
      %swap3A_32 = arith.constant 0 : index
      %swap3A_33 = vector.load %arg7[%swap3A, %swap3A_32] : memref<256x2048xf32, #tpu.memory_space<vmem>>, vector<256x2048xf32>
      tpu.vector_store %arg7[%swap3A, %swap3A_32], %dot_general3A_31 {strides = array<i32>} : memref<256x2048xf32, #tpu.memory_space<vmem>>, vector<256x2048xf32>,
    } else {
    }
    return
  }
  func.func @transform_0(%arg0: i32, %arg1: memref<24xi32, #tpu.memory_space<smem>>, %arg2: memref<24xi32, #tpu.memory_space<smem>>) -> (i32, i32) {
    %c0_i32 = arith.constant 0 : i32
    %c0_i32_0 = arith.constant 0 : i32
    return %arg0, %c0_i32 : i32, i32
  }
  func.func @transform_1(%arg0: i32, %arg1: memref<24xi32, #tpu.memory_space<smem>>, %arg2: memref<24xi32, #tpu.memory_space<smem>>) -> (i32, i32, i32) {
    %get3A = arith.index_cast %arg0 : i32 to index
    %get3A_0 = memref.load %arg1[%get3A] : memref<24xi32, #tpu.memory_space<smem>>
    %c0_i32 = arith.constant 0 : i32
    %c0_i32_1 = arith.constant 0 : i32
    %c0_i32_2 = arith.constant 0 : i32
    return %get3A_0, %c0_i32, %c0_i32_1 : i32, i32, i32
  }
  func.func @transform_2(%arg0: i32, %arg1: memref<24xi32, #tpu.memory_space<smem>>, %arg2: memref<24xi32, #tpu.memory_space<smem>>) -> (i32, i32, i32) {
    %get3A = arith.index_cast %arg0 : i32 to index
    %get3A_0 = memref.load %arg1[%get3A] : memref<24xi32, #tpu.memory_space<smem>>
    %c0_i32 = arith.constant 0 : i32
    %c0_i32_1 = arith.constant 0 : i32
    %c0_i32_2 = arith.constant 0 : i32
    return %get3A_0, %c0_i32, %c0_i32_1 : i32, i32, i32
  }
  func.func @transform_3(%arg0: i32, %arg1: memref<24xi32, #tpu.memory_space<smem>>, %arg2: memref<24xi32, #tpu.memory_space<smem>>) -> (i32, i32, i32) {
    %get3A = arith.index_cast %arg0 : i32 to index
    %get3A_0 = memref.load %arg1[%get3A] : memref<24xi32, #tpu.memory_space<smem>>
    %c0_i32 = arith.constant 0 : i32
    %c0_i32_1 = arith.constant 0 : i32
    %c0_i32_2 = arith.constant 0 : i32
    return %get3A_0, %c0_i32, %c0_i32_1 : i32, i32, i32
  }
  func.func @transform_4(%arg0: i32, %arg1: memref<24xi32, #tpu.memory_space<smem>>, %arg2: memref<24xi32, #tpu.memory_space<smem>>) -> (i32, i32) {
    %c0_i32 = arith.constant 0 : i32
    %c0_i32_0 = arith.constant 0 : i32
    return %arg0, %c0_i32 : i32, i32
  }
}

</mosaic_0001>

<sc_bundles>
// kernel: kernel.6.cloned.1.call-start
scs
__scs_entry_jumppad:
0x0: {  	(pc) =	sbr.rel $0x88, $3  }
0x1: {  	(tag) =	ssettag $0x0;
	lr =	simm.s32 $0x1  }
0x2: {  	[smem:$0x3F9C] =	sst lr;
	_ =	strace $0xD0000000  }
0x3: {  	_ = 	snop  }
0x4: {  	_ = 	snop  }
0x5: {  	_ = 	snop  }
0x6: {  	_ = 	snop  }
0x7: {  	_ = 	snop  }
__scs_overlays_trampoline_lowered:
0x8: {  	[smem:$0x3FAB] =	sst s0  }
0x9: {  	[smem:$0x3FAC] =	sst s1  }
0xa: {  	[smem:$0x3FAD] =	sst s2  }
0xb: {  	[smem:$0x3FAE] =	sst s3  }
0xc: {  	[smem:$0x3FAF] =	sst s4  }
0xd: {  	[smem:$0x3FB0] =	sst s5  }
0xe: {  	[smem:$0x3FB1] =	sst s6  }
0xf: {  	[smem:$0x3FB2] =	sst s7  }
0x10: {  	[smem:$0x3FB3] =	sst s8  }
0x11: {  	[smem:$0x3FB4] =	sst s9;
	s0 =	simm.s32 @!p0 $0x0  }
0x12: {  	s1 =	sld [smem:$0x3F9A];
	s0 =	simm.s32 @p0 $0x1  }
0x13: {  	[smem:$0x3FB5] =	sst s0;
	s0 =	simm.s32 @!p1 $0x0  }
0x14: {  	s2 =	sld [smem:$0x3F99];
	s0 =	simm.s32 @p1 $0x1  }
0x15: {  	[smem:$0x3FB6] =	sst s0;
	s0 =	simm.s32 @!p2 $0x0  }
0x16: {  	s3 =	sld [smem:$0x3FDB];
	s0 =	simm.s32 @p2 $0x1  }
0x17: {  	s4 =	simm.s32 $0x1BF5;
	[smem:$0x3FB8] =	sst s0  }
0x18: {  	s0 =	sld [smem:$0x3F9B];
	_ =	swait.ge [sflag:s4], $0x0  }
0x19: {  	s7 =	sld [smem:$0x3F9C]  }
0x1a: {  	s8 =	sadd.s32 $0xFFFFE003, lr  }
0x1b: {  	s9 =	sadd.s32 $0xFFFFFEF7, lr;
	s5 =	simm.s32 $0xFFFFFFFF;
	p2 =	slt.u32 s8, $0xFFFFF086  }
0x1c: {  	p1 =	slt.u32 s9, $0xF7A;
	s5 =	simm.s32 @!p2 $0x0  }
0x1d: {  	s5 =	simm.s32 @p1 $0x1;
	p0 =	seq.s32 s7, s2  }
0x1e: {  	s7 =	smul.u32 @!p0 $0xF7A, s2;
	p2 =	seq.s32 @!p0 s5, $0x0  }
0x1f: {  	s9 =	smul.u32 $0xF7A, s1;
	s8 =	simm.s32 @!p0 $0x1BF5;
	p2 =	por !p2, p0  }
0x20: {  	[sflag:s8] =	ssyncset.s32 @!p0 $0xFFFFF086;
	s6 =	sadd.s32 @!p0 s3, s7;
	s7 =	simm.s32 @!p0 $0x108  }
0x21: {  	s3 =	sadd.s32 s3, s9;
	s6 =	sadd.s32 @!p0 $0x88, s6;
	s7 =	simm.s32 @p2 $0x1082  }
0x22: {  	[simem:s7], [sflag:s8] =	dma.local @!p0 [hbm:s6], $0xF7A  }
0x23: {  	s9 =	sor.u32 $0xD0000000, s2;
	s6 =	simm.s32 $0x108;
	_ =	swait.ge @!p0 [sflag:s8], $0x0  }
0x24: {  	s3 =	sadd.s32 $0x88, s3;
	s6 =	simm.s32 @!p1 $0x1082;
	[sflag:s4] =	ssyncset.s32 $0xFFFFF086  }
0x25: {  	[simem:s6], [sflag:s4] =	dma.local [hbm:s3], $0xF7A  }
0x26: {  	[smem:$0x3F9C] =	sst s1;
	(tag) =	ssettag s2;
	_ =	strace s9  }
0x27: {  	s1 =	sld [smem:$0x3FAC]  }
0x28: {  	s2 =	sld [smem:$0x3FAD]  }
0x29: {  	s4 =	sld [smem:$0x3FAF]  }
0x2a: {  	p0 =	seq.s32 s5, $0x0;
	s5 =	sld [smem:$0x3FB0]  }
0x2b: {  	s6 =	sld [smem:$0x3FB1]  }
0x2c: {  	s7 =	sld [smem:$0x3FB2]  }
0x2d: {  	s3 =	simm.s32 $0x108;
	s8 =	sld [smem:$0x3FB3]  }
0x2e: {  	s3 =	simm.s32 @!p0 $0x1082;
	s9 =	sld [smem:$0x3FB4]  }
0x2f: {  	lr =	sadd.s32 s0, s3;
	s0 =	sld [smem:$0x3FAB]  }
0x30: {  	s3 =	sld [smem:$0x3FAE]  }
0x31: {  	[smem:$0x3FB7] =	sst s10  }
0x32: {  	s10 =	sld [smem:$0x3FB5];
	_ =	sdelay $0x3  }
0x33: {  	p0 =	seq.s32 s10, $0x1;
	s10 =	sld [smem:$0x3FB7];
	_ =	sdelay $0x3  }
0x34: {  	[smem:$0x3FB7] =	sst s10  }
0x35: {  	s10 =	sld [smem:$0x3FB6];
	_ =	sdelay $0x3  }
0x36: {  	p1 =	seq.s32 s10, $0x1;
	s10 =	sld [smem:$0x3FB7];
	_ =	sdelay $0x3  }
0x37: {  	[smem:$0x3FB7] =	sst s10  }
0x38: {  	s10 =	sld [smem:$0x3FB8]  }
0x39: {  	_ = 	snop;
	(pc) =	sbr.ind lr, $3  }
0x3a: {  	_ = 	snop  }
0x3b: {  	_ = 	snop  }
0x3c: {  	p2 =	seq.s32 s10, $0x1;
	s10 =	sld [smem:$0x3FB7]  }
0x3d: {  	_ =	shalt  }
0x3e: {  	_ =	shalt  }
0x3f: {  	_ =	shalt  }
0x40: {  	_ =	shalt  }
0x41: {  	_ =	shalt  }
0x42: {  	_ =	shalt  }
0x43: {  	_ =	shalt  }
0x44: {  	_ =	shalt  }
0x45: {  	_ =	shalt  }
0x46: {  	_ =	shalt  }
0x47: {  	_ =	shalt  }
0x48: {  	_ =	shalt  }
0x49: {  	_ =	shalt  }
0x4a: {  	_ =	shalt  }
0x4b: {  	_ =	shalt  }
0x4c: {  	_ =	shalt  }
0x4d: {  	_ =	shalt  }
0x4e: {  	_ =	shalt  }
0x4f: {  	_ =	shalt  }
0x50: {  	_ =	shalt  }
0x51: {  	_ =	shalt  }
0x52: {  	_ =	shalt  }
0x53: {  	_ =	shalt  }
0x54: {  	_ =	shalt  }
0x55: {  	_ =	shalt  }
0x56: {  	_ =	shalt  }
0x57: {  	_ =	shalt  }
0x58: {  	_ =	shalt  }
0x59: {  	_ =	shalt  }
0x5a: {  	_ =	shalt  }
0x5b: {  	_ =	shalt  }
0x5c: {  	_ =	shalt  }
0x5d: {  	_ =	shalt  }
0x5e: {  	_ =	shalt  }
0x5f: {  	_ =	shalt  }
0x60: {  	_ =	shalt  }
0x61: {  	_ =	shalt  }
0x62: {  	_ =	shalt  }
0x63: {  	_ =	shalt  }
0x64: {  	_ =	shalt  }
0x65: {  	_ =	shalt  }
0x66: {  	_ =	shalt  }
0x67: {  	_ =	shalt  }
0x68: {  	_ =	shalt  }
0x69: {  	_ =	shalt  }
0x6a: {  	_ =	shalt  }
0x6b: {  	_ =	shalt  }
0x6c: {  	_ =	shalt  }
0x6d: {  	_ =	shalt  }
0x6e: {  	_ =	shalt  }
0x6f: {  	_ =	shalt  }
0x70: {  	_ =	shalt  }
0x71: {  	_ =	shalt  }
0x72: {  	_ =	shalt  }
0x73: {  	_ =	shalt  }
0x74: {  	_ =	shalt  }
0x75: {  	_ =	shalt  }
0x76: {  	_ =	shalt  }
0x77: {  	_ =	shalt  }
0x78: {  	_ =	shalt  }
0x79: {  	_ =	shalt  }
0x7a: {  	_ =	shalt  }
0x7b: {  	_ =	shalt  }
0x7c: {  	_ =	shalt  }
0x7d: {  	_ =	shalt  }
0x7e: {  	_ =	shalt  }
0x7f: {  	_ =	shalt  }
0x80: {  	_ =	shalt  }
0x81: {  	_ =	shalt  }
0x82: {  	_ =	shalt  }
0x83: {  	_ =	shalt  }
0x84: {  	_ =	shalt  }
0x85: {  	_ =	shalt  }
0x86: {  	_ =	shalt  }
0x87: {  	_ =	shalt  }
.Lfunc_end0:
.L_simem_size_0:
called_computation_lowered:
.L_overlay_start_0:
0x88: {  	s2 =	sld [smem:$0x3FD9]  }
0x89: {  	s3 =	sld [smem:$0x3FFE];
	_ =	sdelay $0x1  }
0x8a: {  	s1 =	srdreg.scid  }
0x8b: {  	s0 =	sand.u32 $0x1, s1  }
0x8c: {  	s17 =	sshll.u32 s0, $0xA;
	s2 =	sadd.s32 s3, s2  }
0x8d: {  	s2 =	sadd.s32 s2, s17  }
0x8e: {  	[smem:$0x3FC3] =	sst s2  }
0x8f: {  	_ = 	snop  }
0x90: {  	s2 =	sld [smem:$0x3FC9]  }
0x91: {  	s18 =	sld [smem:$0x3FD0];
	(tm) =	ssettm $0x1  }
0x92: {  	s4 =	sld [smem:$0x3FFB];
	_ =	sdelay $0x3  }
0x93: {  	_ =	strace s4  }
0x94: {  	s4 =	sld [smem:$0x3FFC];
	_ =	sdelay $0x3  }
0x95: {  	_ =	strace s4  }
0x96: {  	s4 =	sld [smem:$0x3FFD];
	_ =	sdelay $0x3  }
0x97: {  	_ =	strace s4  }
0x98: {  	_ =	strace $0x8FFFFFFF  }
0x99: {  	s19 =	sld [smem:$0x3FDB];
	_ =	sdelay $0x1  }
0x9a: {  	s5 =	simm.s32 $_scs_section_size  }
0x9b: {  	s6 =	simm.s32 $_size__tile_overlayer_lowered;
	s7 =	simm.s32 $_tile_overlayer_lowered  }
0x9c: {  	s22 =	simm.s32 $0x1BFF;
	s21 =	sshll.u32 s7, $0x1;
	s4 =	sadd.s32 s5, s19  }
0x9d: {  	s8 =	simm.s32 $0x0;
	s20 =	sshll.u32 s6, $0x1;
	s6 =	sadd.s32 s21, s4  }
0x9e: {  	[timem:s8], [sflag:s22] =	dma.local [hbm:s6], s20  }
0x9f: {  	_ =	swait.ge [sflag:s22], s20  }
0xa0: {  	s5 =	ssub.s32 $0x0, s20;
	[sflag:s22] =	ssyncset.done $0x0  }
0xa1: {  	[sflag:s22] =	ssyncadd.s32 s5;
	_ =	sdelay $0x1  }
0xa2: {  	s23 =	simm.s32 $0x1B8B  }
0xa3: {  	_ =	swait.ge [sflag:s23], $0x1  }
0xa4: {  	[sflag:s23] =	ssyncset.done $0x0  }
0xa5: {  	s25 =	simm.s32 $0x1B8E;
	s24 =	sld [smem:$0x3FFE];
	[sflag:s23] =	ssyncadd.s32 $0xFFFFFFFF  }
0xa6: {  	s26 =	simm.s32 $execute0_lowered;
	[smem:$0x3FD2] =	sst s25  }
0xa7: {  	s6 =	sshll.u32 s26, $0x1;
	_ =	strace $0x80000046;
	[dreg:$0x1] =	wrdreg $0xFFFFFFFF  }
0xa8: {  	s28 =	simm.s32 $_size_execute0_lowered;
	s4 =	sadd.s32 s4, s6;
	[dreg:$0x0] =	wrdreg $0x0  }
0xa9: {  	s6 =	sshll.u32 s28, $0x1;
	[dreg:$0x2] =	wrdreg s4  }
0xaa: {  	[dreg:$0x3] =	wrdreg s6  }
0xab: {  	[dreg:$0x4] =	wrdreg $0xC0  }
0xac: {  	_ =	task [dreg:s8], $0x5FFFF  }
0xad: {  	[dreg:$0x1] =	wrdreg $0xFFFFFFFF  }
0xae: {  	[dreg:$0x0] =	wrdreg $0x60  }
0xaf: {  	[dreg:$0x2] =	wrdreg s2  }
0xb0: {  	[dreg:$0x3] =	wrdreg s24  }
0xb1: {  	[dreg:$0x4] =	wrdreg s18  }
0xb2: {  	[dreg:$0x5] =	wrdreg $0x9  }
0xb3: {  	_ =	task.clear_ibuf [dreg:s8], $0x6FFFF;
	_ =	strace $0x90000046  }
0xb4: {  	s29 =	simm.s32 $0x9;
	_ =	strace $0x80000048  }
0xb5: {  	_ =	swait.ge [sflag:s29], $0x1  }
0xb6: {  	[sflag:s29] =	ssyncadd.s32 $0xFFFFFFFF  }
0xb7: {  	_ =	strace $0x90000048  }
0xb8: {  	_ =	sfence  }
0xb9: {  	s30 =	sld [smem:$0x0];
	_ =	sdelay $0x2  }
0xba: {  	s31 =	sshll.u32 s1, $0xD;
	s1 =	sshrl.u32 s1, $0x2  }
0xbb: {  	s3 =	sand.u32 $0x4000, s31;
	s1 =	sadd.s32 s1, s30  }
0xbc: {  	s0 =	sor.u32 s3, s0;
	s1 =	sshll.u32 s1, $0x11  }
0xbd: {  	s0 =	sor.u32 s1, s0  }
0xbe: {  	s0 =	sadd.s32 $0x8F2B, s0  }
0xbf: {  	[sflag:s0] =	ssyncadd.remote.s32 $0x1  }
0xc0: {  	_ =	sfence.sel $0xFFFF  }
0xc1: {  	[dreg:$0x0] =	wrdreg $0xFFFFFFFF;
	(pc) =	sbr.abs _section_cstart, $3  }
0xc2: {  	[dreg:$0x1] =	wrdreg $0xFFFFFFFF  }
0xc3: {  	_ =	task.clear_ibuf [dreg:s8], $0x2FFFF;
	_ =	strace $0x9FFFFFFF  }
0xc4: {  	(tm) =	ssettm $0x7FFFFFFF  }
0xc5: {  	_ =	shalt  }
tec
execute0_lowered:
.L_overlay_start_1:
0x0: {  	(tag) =	ssettag $0x1  }
0x1: {  	s0 =	rddreg [dreg:$0x0]  }
0x2: {  	s1 =	rddreg [dreg:$0x1]  }
0x3: {  	s11 =	rddreg [dreg:$0x2]  }
0x4: {  	s3 =	srdreg.scid;
	s2 =	simm.s32 $0x0;
	s5 =	stileid.u32  }
0x5: {  	s4 =	sand.u32 $0x1, s3;
	[smem:$0x7FF] =	sst s2;
	s16 =	sshll.u32 s5, $0x7  }
0x6: {  	s3 =	sadd.s32 $0x200, s1;
	s17 =	sshll.u32 s4, $0x6;
	s4 =	ssub.s32 $0x2, s4  }
0x7: {  	_ =	strace $0x80000047;
	s9 =	sor.u32 s17, s16;
	s7 =	sshrl.u32 s4, $0x1  }
0x8: {  	s5 =	sshll.u32 s9, $0x8;
	s8 =	sor.u32 $0x10, s9;
	s19 =	sshrl.u32 s9, $0x3  }
0x9: {  	s12 =	ssub.s32 s4, s7;
	s4 =	sadd.s32 $0x300, s1;
	s7 =	sadd.s32 $0x600, s1  }
0xa: {  	s14 =	sor.u32 $0x20, s9;
	s9 =	sor.u32 $0x30, s9;
	s5 =	sadd.s32 s0, s5  }
0xb: {  	s6 =	sshll.u32 s8, $0x8;
	s20 =	sadd.s32 s1, s19;
	[dreg:$0x4] =	wrdreg s5  }
0xc: {  	s21 =	sadd.s32 s11, s19;
	s10 =	sshrl.u32 s8, $0x3;
	[dreg:$0x6] =	wrdreg s20  }
0xd: {  	s8 =	sadd.s32 $0x700, s1;
	s18 =	sadd.s32 s0, s6;
	[dreg:$0x7] =	wrdreg s21  }
0xe: {  	s22 =	sshll.u32 s14, $0x8;
	s13 =	sadd.s32 s1, s10;
	[dreg:$0x5] =	wrdreg s18  }
0xf: {  	s24 =	sshrl.u32 s14, $0x3;
	s10 =	sadd.s32 s11, s10;
	[dreg:$0x8] =	wrdreg s13  }
0x10: {  	s28 =	sshll.u32 s9, $0x8;
	s23 =	sadd.s32 s0, s22;
	[dreg:$0x9] =	wrdreg s10  }
0x11: {  	s29 =	sshrl.u32 s9, $0x3;
	s25 =	sadd.s32 s1, s24;
	[dreg:$0xa] =	wrdreg s23  }
0x12: {  	s9 =	sadd.s32 $0x800, s1;
	s26 =	sadd.s32 s11, s24;
	[dreg:$0xb] =	wrdreg s25  }
0x13: {  	s14 =	simm.s32 $0x5;
	s0 =	sadd.s32 s0, s28;
	[dreg:$0xc] =	wrdreg s26  }
0x14: {  	v2 =	vlaneseq.u32;
	s5 =	sadd.s32 $0x400, s1;
	s30 =	sadd.s32 s1, s29;
	[dreg:$0xd] =	wrdreg s0  }
0x15: {  	vm0 =	vmmov $0xffff;
	v1 =	vshrl.u32 v2, $0x3;
	s6 =	sadd.s32 $0x500, s1;
	s31 =	sadd.s32 s11, s29;
	[dreg:$0xe] =	wrdreg s30  }
0x16: {  	v0 =	vand.u32 $0x7, v2;
	v2 =	vor.u32 $0x8, v2;
	v1 =	vmul.u32 $0x8, v1;
	s10 =	sadd.s32 $0x900, s1;
	[dreg:$0xf] =	wrdreg s31;
	s0 =	smax.u32 s12, $0x1  }
.LBB2_1:
0x17: {  	[dreg:$0x10] =	wrdreg s0  }
0x18: {  	s17 =	rddreg [dreg:$0x4];
	s23 =	simm.s32 $0x200  }
0x19: {  	[tilespmem:s23], [sflag:$0x1] =	stream.linear.gather [hbm4b:s17+s2], $0x8000, $0x38;
	[tilespmem:$0x10200] =	vst v63  }
0x1a: {  	s18 =	rddreg [dreg:$0x5];
	s25 =	simm.s32 $0x8200  }
0x1b: {  	[tilespmem:s25], [sflag:$0x2] =	stream.linear.gather [hbm4b:s18+s2], $0x8000, $0x38;
	[tilespmem:$0x10200] =	vst v63  }
0x1c: {  	s24 =	rddreg [dreg:$0x6]  }
0x1d: {  	[tilespmem:s2], [sflag:$0x5] =	stream.linear.gather [hbm4b:s24+s2], $0x10, $0x38;
	[tilespmem:$0x10200] =	vst v63  }
0x1e: {  	_ =	swait.ge [sflag:s14], $0x10  }
0x1f: {  	[sflag:s14] =	ssyncset.done $0x0  }
0x20: {  	s28 =	simm.s32 $0x80;
	s26 =	rddreg [dreg:$0x7];
	[sflag:s14] =	ssyncadd.s32 $0xFFFFFFF0  }
0x21: {  	[tilespmem:s28], [sflag:$0x5] =	stream.linear.gather [hbm4b:s26+s2], $0x10, $0x38;
	[tilespmem:$0x10200] =	vst v63  }
0x22: {  	_ =	swait.ge [sflag:s14], $0x10  }
0x23: {  	[sflag:s14] =	ssyncset.done $0x0  }
0x24: {  	s1 =	simm.s32 $0x1;
	[sflag:s14] =	ssyncadd.s32 $0xFFFFFFF0  }
0x25: {  	_ =	swait.ge [sflag:s1], $0x8000  }
0x26: {  	[sflag:s1] =	ssyncset.done $0x0  }
0x27: {  	[sflag:s1] =	ssyncadd.s32 $0xFFFF8000  }
0x28: {  	v3 =	vld [tilespmem:$0x0];
	_ =	sdelay $0x4  }
0x29: {  	v4 =	vshll.u32 v3, $0x4  }
0x2a: {  	v3 =	vand.u32 $0x7, v3;
	v4 =	vand.u32 $0xFFFFFF80, v4  }
0x2b: {  	v3 =	vor.u32 v3, v4  }
0x2c: {  	v4 =	vperm.xlane v3, v0;
	_ =	sdelay $0x1  }
0x2d: {  	v4 =	vadd.s32 v1, v4;
	_ =	sdelay $0x3  }
0x2e: {  	s11 =	simm.s32 $0x200  }
0x2f: {  	[hbm4b:s3+s2] =	stream.indirect_vreg.scatter [tilespmem:s11], [sflag:$0x3], $0x80, v4, vm0, $0xb8;
	[tilespmem:$0x10200] =	vst v63  }
0x30: {  	s29 =	simm.s32 $0xA00  }
0x31: {  	[hbm4b:s4+s2] =	stream.indirect_vreg.scatter [tilespmem:s29], [sflag:$0x3], $0x80, v4, vm0, $0xb8;
	[tilespmem:$0x10200] =	vst v63  }
0x32: {  	s30 =	simm.s32 $0x1200  }
0x33: {  	[hbm4b:s5+s2] =	stream.indirect_vreg.scatter [tilespmem:s30], [sflag:$0x3], $0x80, v4, vm0, $0xb8;
	[tilespmem:$0x10200] =	vst v63  }
0x34: {  	s31 =	simm.s32 $0x1A00  }
0x35: {  	[hbm4b:s6+s2] =	stream.indirect_vreg.scatter [tilespmem:s31], [sflag:$0x3], $0x80, v4, vm0, $0xb8;
	[tilespmem:$0x10200] =	vst v63  }
0x36: {  	s15 =	simm.s32 $0x2200  }
0x37: {  	[hbm4b:s7+s2] =	stream.indirect_vreg.scatter [tilespmem:s15], [sflag:$0x3], $0x80, v4, vm0, $0xb8;
	[tilespmem:$0x10200] =	vst v63  }
0x38: {  	s18 =	simm.s32 $0x2A00;
	v3 =	vperm.xlane v3, v2  }
0x39: {  	[hbm4b:s8+s2] =	stream.indirect_vreg.scatter [tilespmem:s18], [sflag:$0x3], $0x80, v4, vm0, $0xb8;
	[tilespmem:$0x10200] =	vst v63  }
0x3a: {  	s19 =	simm.s32 $0x3200;
	v3 =	vadd.s32 v1, v3  }
0x3b: {  	[hbm4b:s9+s2] =	stream.indirect_vreg.scatter [tilespmem:s19], [sflag:$0x3], $0x80, v4, vm0, $0xb8;
	[tilespmem:$0x10200] =	vst v63  }
0x3c: {  	s20 =	simm.s32 $0x3A00  }
0x3d: {  	[hbm4b:s10+s2] =	stream.indirect_vreg.scatter [tilespmem:s20], [sflag:$0x3], $0x80, v4, vm0, $0xb8;
	[tilespmem:$0x10200] =	vst v63  }
0x3e: {  	s21 =	simm.s32 $0x4200  }
0x3f: {  	[hbm4b:s3+s2] =	stream.indirect_vreg.scatter [tilespmem:s21], [sflag:$0x3], $0x80, v3, vm0, $0xb8;
	[tilespmem:$0x10200] =	vst v63  }
0x40: {  	s22 =	simm.s32 $0x4A00  }
0x41: {  	[hbm4b:s4+s2] =	stream.indirect_vreg.scatter [tilespmem:s22], [sflag:$0x3], $0x80, v3, vm0, $0xb8;
	[tilespmem:$0x10200] =	vst v63  }
0x42: {  	s23 =	simm.s32 $0x5200  }
0x43: {  	[hbm4b:s5+s2] =	stream.indirect_vreg.scatter [tilespmem:s23], [sflag:$0x3], $0x80, v3, vm0, $0xb8;
	[tilespmem:$0x10200] =	vst v63  }
0x44: {  	s24 =	simm.s32 $0x5A00  }
0x45: {  	[hbm4b:s6+s2] =	stream.indirect_vreg.scatter [tilespmem:s24], [sflag:$0x3], $0x80, v3, vm0, $0xb8;
	[tilespmem:$0x10200] =	vst v63  }
0x46: {  	s25 =	simm.s32 $0x6200  }
0x47: {  	[hbm4b:s7+s2] =	stream.indirect_vreg.scatter [tilespmem:s25], [sflag:$0x3], $0x80, v3, vm0, $0xb8;
	[tilespmem:$0x10200] =	vst v63  }
0x48: {  	s26 =	simm.s32 $0x6A00  }
0x49: {  	[hbm4b:s8+s2] =	stream.indirect_vreg.scatter [tilespmem:s26], [sflag:$0x3], $0x80, v3, vm0, $0xb8;
	[tilespmem:$0x10200] =	vst v63  }
0x4a: {  	s30 =	simm.s32 $0x7200  }
0x4b: {  	[hbm4b:s9+s2] =	stream.indirect_vreg.scatter [tilespmem:s30], [sflag:$0x3], $0x80, v3, vm0, $0xb8;
	[tilespmem:$0x10200] =	vst v63  }
0x4c: {  	s31 =	simm.s32 $0x7A00  }
0x4d: {  	[hbm4b:s10+s2] =	stream.indirect_vreg.scatter [tilespmem:s31], [sflag:$0x3], $0x80, v3, vm0, $0xb8;
	[tilespmem:$0x10200] =	vst v63  }
0x4e: {  	v3 =	vld [tilespmem:$0x80];
	_ =	sdelay $0x4  }
0x4f: {  	v57 =	vshll.u32 v3, $0x4  }
0x50: {  	v3 =	vand.u32 $0x7, v3;
	v4 =	vand.u32 $0xFFFFFF80, v57  }
0x51: {  	v3 =	vor.u32 v3, v4  }
0x52: {  	v4 =	vperm.xlane v3, v0;
	_ =	sdelay $0x1  }
0x53: {  	v4 =	vadd.s32 v1, v4;
	_ =	sdelay $0x4  }
0x54: {  	[hbm4b:s3+s2] =	stream.indirect_vreg.scatter [tilespmem:s11], [sflag:$0x3], $0x80, v4, vm0, $0xb8;
	[tilespmem:$0x10200] =	vst v63  }
0x55: {  	s12 =	simm.s32 $0xA00  }
0x56: {  	[hbm4b:s4+s2] =	stream.indirect_vreg.scatter [tilespmem:s12], [sflag:$0x3], $0x80, v4, vm0, $0xb8;
	[tilespmem:$0x10200] =	vst v63  }
0x57: {  	s16 =	simm.s32 $0x1200  }
0x58: {  	[hbm4b:s5+s2] =	stream.indirect_vreg.scatter [tilespmem:s16], [sflag:$0x3], $0x80, v4, vm0, $0xb8;
	[tilespmem:$0x10200] =	vst v63  }
0x59: {  	s17 =	simm.s32 $0x1A00  }
0x5a: {  	[hbm4b:s6+s2] =	stream.indirect_vreg.scatter [tilespmem:s17], [sflag:$0x3], $0x80, v4, vm0, $0xb8;
	[tilespmem:$0x10200] =	vst v63  }
0x5b: {  	s28 =	simm.s32 $0x2200  }
0x5c: {  	[hbm4b:s7+s2] =	stream.indirect_vreg.scatter [tilespmem:s28], [sflag:$0x3], $0x80, v4, vm0, $0xb8;
	[tilespmem:$0x10200] =	vst v63  }
0x5d: {  	s29 =	simm.s32 $0x2A00;
	v3 =	vperm.xlane v3, v2  }
0x5e: {  	[hbm4b:s8+s2] =	stream.indirect_vreg.scatter [tilespmem:s29], [sflag:$0x3], $0x80, v4, vm0, $0xb8;
	[tilespmem:$0x10200] =	vst v63  }
0x5f: {  	s18 =	simm.s32 $0x3200;
	v3 =	vadd.s32 v1, v3  }
0x60: {  	[hbm4b:s9+s2] =	stream.indirect_vreg.scatter [tilespmem:s18], [sflag:$0x3], $0x80, v4, vm0, $0xb8;
	[tilespmem:$0x10200] =	vst v63  }
0x61: {  	s19 =	simm.s32 $0x3A00  }
0x62: {  	[hbm4b:s10+s2] =	stream.indirect_vreg.scatter [tilespmem:s19], [sflag:$0x3], $0x80, v4, vm0, $0xb8;
	[tilespmem:$0x10200] =	vst v63  }
0x63: {  	s20 =	simm.s32 $0x4200  }
0x64: {  	[hbm4b:s3+s2] =	stream.indirect_vreg.scatter [tilespmem:s20], [sflag:$0x3], $0x80, v3, vm0, $0xb8;
	[tilespmem:$0x10200] =	vst v63  }
0x65: {  	s21 =	simm.s32 $0x4A00  }
0x66: {  	[hbm4b:s4+s2] =	stream.indirect_vreg.scatter [tilespmem:s21], [sflag:$0x3], $0x80, v3, vm0, $0xb8;
	[tilespmem:$0x10200] =	vst v63  }
0x67: {  	s22 =	simm.s32 $0x5200  }
0x68: {  	[hbm4b:s5+s2] =	stream.indirect_vreg.scatter [tilespmem:s22], [sflag:$0x3], $0x80, v3, vm0, $0xb8;
	[tilespmem:$0x10200] =	vst v63  }
0x69: {  	s23 =	simm.s32 $0x5A00  }
0x6a: {  	[hbm4b:s6+s2] =	stream.indirect_vreg.scatter [tilespmem:s23], [sflag:$0x3], $0x80, v3, vm0, $0xb8;
	[tilespmem:$0x10200] =	vst v63  }
0x6b: {  	s24 =	simm.s32 $0x6200  }
0x6c: {  	[hbm4b:s7+s2] =	stream.indirect_vreg.scatter [tilespmem:s24], [sflag:$0x3], $0x80, v3, vm0, $0xb8;
	[tilespmem:$0x10200] =	vst v63  }
0x6d: {  	s25 =	simm.s32 $0x6A00  }
0x6e: {  	[hbm4b:s8+s2] =	stream.indirect_vreg.scatter [tilespmem:s25], [sflag:$0x3], $0x80, v3, vm0, $0xb8;
	[tilespmem:$0x10200] =	vst v63  }
0x6f: {  	s26 =	simm.s32 $0x7200  }
0x70: {  	[hbm4b:s9+s2] =	stream.indirect_vreg.scatter [tilespmem:s26], [sflag:$0x3], $0x80, v3, vm0, $0xb8;
	[tilespmem:$0x10200] =	vst v63  }
0x71: {  	s15 =	simm.s32 $0x7A00  }
0x72: {  	[hbm4b:s10+s2] =	stream.indirect_vreg.scatter [tilespmem:s15], [sflag:$0x3], $0x80, v3, vm0, $0xb8;
	[tilespmem:$0x10200] =	vst v63  }
0x73: {  	s25 =	rddreg [dreg:$0x8];
	s26 =	simm.s32 $0x100  }
0x74: {  	[tilespmem:s26], [sflag:$0x5] =	stream.linear.gather [hbm4b:s25+s2], $0x10, $0x38;
	[tilespmem:$0x10200] =	vst v63  }
0x75: {  	_ =	swait.ge [sflag:s14], $0x10  }
0x76: {  	[sflag:s14] =	ssyncset.done $0x0  }
0x77: {  	s29 =	simm.s32 $0x180;
	s28 =	rddreg [dreg:$0x9];
	[sflag:s14] =	ssyncadd.s32 $0xFFFFFFF0  }
0x78: {  	[tilespmem:s29], [sflag:$0x5] =	stream.linear.gather [hbm4b:s28+s2], $0x10, $0x38;
	[tilespmem:$0x10200] =	vst v63  }
0x79: {  	_ =	swait.ge [sflag:s14], $0x10  }
0x7a: {  	[sflag:s14] =	ssyncset.done $0x0  }
0x7b: {  	s21 =	simm.s32 $0x2;
	[sflag:s14] =	ssyncadd.s32 $0xFFFFFFF0  }
0x7c: {  	_ =	swait.ge [sflag:s21], $0x8000  }
0x7d: {  	[sflag:s21] =	ssyncset.done $0x0  }
0x7e: {  	[sflag:s21] =	ssyncadd.s32 $0xFFFF8000  }
0x7f: {  	v3 =	vld [tilespmem:$0x100];
	_ =	sdelay $0x4  }
0x80: {  	v58 =	vshll.u32 v3, $0x4  }
0x81: {  	v3 =	vand.u32 $0x7, v3;
	v4 =	vand.u32 $0xFFFFFF80, v58  }
0x82: {  	v3 =	vor.u32 v3, v4  }
0x83: {  	v4 =	vperm.xlane v3, v0;
	_ =	sdelay $0x1  }
0x84: {  	v4 =	vadd.s32 v1, v4;
	_ =	sdelay $0x3  }
0x85: {  	s17 =	simm.s32 $0x8200  }
0x86: {  	[hbm4b:s3+s2] =	stream.indirect_vreg.scatter [tilespmem:s17], [sflag:$0x4], $0x80, v4, vm0, $0xb8;
	[tilespmem:$0x10200] =	vst v63  }
0x87: {  	s30 =	simm.s32 $0x8A00  }
0x88: {  	[hbm4b:s4+s2] =	stream.indirect_vreg.scatter [tilespmem:s30], [sflag:$0x4], $0x80, v4, vm0, $0xb8;
	[tilespmem:$0x10200] =	vst v63  }
0x89: {  	s31 =	simm.s32 $0x9200  }
0x8a: {  	[hbm4b:s5+s2] =	stream.indirect_vreg.scatter [tilespmem:s31], [sflag:$0x4], $0x80, v4, vm0, $0xb8;
	[tilespmem:$0x10200] =	vst v63  }
0x8b: {  	s0 =	simm.s32 $0x9A00  }
0x8c: {  	[hbm4b:s6+s2] =	stream.indirect_vreg.scatter [tilespmem:s0], [sflag:$0x4], $0x80, v4, vm0, $0xb8;
	[tilespmem:$0x10200] =	vst v63  }
0x8d: {  	s11 =	simm.s32 $0xA200  }
0x8e: {  	[hbm4b:s7+s2] =	stream.indirect_vreg.scatter [tilespmem:s11], [sflag:$0x4], $0x80, v4, vm0, $0xb8;
	[tilespmem:$0x10200] =	vst v63  }
0x8f: {  	s15 =	simm.s32 $0xAA00;
	v3 =	vperm.xlane v3, v2  }
0x90: {  	[hbm4b:s8+s2] =	stream.indirect_vreg.scatter [tilespmem:s15], [sflag:$0x4], $0x80, v4, vm0, $0xb8;
	[tilespmem:$0x10200] =	vst v63  }
0x91: {  	s19 =	simm.s32 $0xB200;
	v3 =	vadd.s32 v1, v3  }
0x92: {  	[hbm4b:s9+s2] =	stream.indirect_vreg.scatter [tilespmem:s19], [sflag:$0x4], $0x80, v4, vm0, $0xb8;
	[tilespmem:$0x10200] =	vst v63  }
0x93: {  	s20 =	simm.s32 $0xBA00  }
0x94: {  	[hbm4b:s10+s2] =	stream.indirect_vreg.scatter [tilespmem:s20], [sflag:$0x4], $0x80, v4, vm0, $0xb8;
	[tilespmem:$0x10200] =	vst v63  }
0x95: {  	s22 =	simm.s32 $0xC200  }
0x96: {  	[hbm4b:s3+s2] =	stream.indirect_vreg.scatter [tilespmem:s22], [sflag:$0x4], $0x80, v3, vm0, $0xb8;
	[tilespmem:$0x10200] =	vst v63  }
0x97: {  	s23 =	simm.s32 $0xCA00  }
0x98: {  	[hbm4b:s4+s2] =	stream.indirect_vreg.scatter [tilespmem:s23], [sflag:$0x4], $0x80, v3, vm0, $0xb8;
	[tilespmem:$0x10200] =	vst v63  }
0x99: {  	s24 =	simm.s32 $0xD200  }
0x9a: {  	[hbm4b:s5+s2] =	stream.indirect_vreg.scatter [tilespmem:s24], [sflag:$0x4], $0x80, v3, vm0, $0xb8;
	[tilespmem:$0x10200] =	vst v63  }
0x9b: {  	s25 =	simm.s32 $0xDA00  }
0x9c: {  	[hbm4b:s6+s2] =	stream.indirect_vreg.scatter [tilespmem:s25], [sflag:$0x4], $0x80, v3, vm0, $0xb8;
	[tilespmem:$0x10200] =	vst v63  }
0x9d: {  	s26 =	simm.s32 $0xE200  }
0x9e: {  	[hbm4b:s7+s2] =	stream.indirect_vreg.scatter [tilespmem:s26], [sflag:$0x4], $0x80, v3, vm0, $0xb8;
	[tilespmem:$0x10200] =	vst v63  }
0x9f: {  	s28 =	simm.s32 $0xEA00  }
0xa0: {  	[hbm4b:s8+s2] =	stream.indirect_vreg.scatter [tilespmem:s28], [sflag:$0x4], $0x80, v3, vm0, $0xb8;
	[tilespmem:$0x10200] =	vst v63  }
0xa1: {  	s29 =	simm.s32 $0xF200  }
0xa2: {  	[hbm4b:s9+s2] =	stream.indirect_vreg.scatter [tilespmem:s29], [sflag:$0x4], $0x80, v3, vm0, $0xb8;
	[tilespmem:$0x10200] =	vst v63  }
0xa3: {  	s19 =	simm.s32 $0xFA00  }
0xa4: {  	[hbm4b:s10+s2] =	stream.indirect_vreg.scatter [tilespmem:s19], [sflag:$0x4], $0x80, v3, vm0, $0xb8;
	[tilespmem:$0x10200] =	vst v63  }
0xa5: {  	v3 =	vld [tilespmem:$0x180];
	_ =	sdelay $0x4  }
0xa6: {  	v59 =	vshll.u32 v3, $0x4  }
0xa7: {  	v3 =	vand.u32 $0x7, v3;
	v4 =	vand.u32 $0xFFFFFF80, v59  }
0xa8: {  	v3 =	vor.u32 v3, v4  }
0xa9: {  	v4 =	vperm.xlane v3, v0;
	_ =	sdelay $0x1  }
0xaa: {  	v4 =	vadd.s32 v1, v4;
	_ =	sdelay $0x4  }
0xab: {  	[hbm4b:s3+s2] =	stream.indirect_vreg.scatter [tilespmem:s17], [sflag:$0x4], $0x80, v4, vm0, $0xb8;
	[tilespmem:$0x10200] =	vst v63  }
0xac: {  	s12 =	simm.s32 $0x8A00  }
0xad: {  	[hbm4b:s4+s2] =	stream.indirect_vreg.scatter [tilespmem:s12], [sflag:$0x4], $0x80, v4, vm0, $0xb8;
	[tilespmem:$0x10200] =	vst v63  }
0xae: {  	s16 =	simm.s32 $0x9200  }
0xaf: {  	[hbm4b:s5+s2] =	stream.indirect_vreg.scatter [tilespmem:s16], [sflag:$0x4], $0x80, v4, vm0, $0xb8;
	[tilespmem:$0x10200] =	vst v63  }
0xb0: {  	s0 =	simm.s32 $0x9A00  }
0xb1: {  	[hbm4b:s6+s2] =	stream.indirect_vreg.scatter [tilespmem:s0], [sflag:$0x4], $0x80, v4, vm0, $0xb8;
	[tilespmem:$0x10200] =	vst v63  }
0xb2: {  	s30 =	simm.s32 $0xA200  }
0xb3: {  	[hbm4b:s7+s2] =	stream.indirect_vreg.scatter [tilespmem:s30], [sflag:$0x4], $0x80, v4, vm0, $0xb8;
	[tilespmem:$0x10200] =	vst v63  }
0xb4: {  	s31 =	simm.s32 $0xAA00;
	v3 =	vperm.xlane v3, v2  }
0xb5: {  	[hbm4b:s8+s2] =	stream.indirect_vreg.scatter [tilespmem:s31], [sflag:$0x4], $0x80, v4, vm0, $0xb8;
	[tilespmem:$0x10200] =	vst v63  }
0xb6: {  	s11 =	simm.s32 $0xB200;
	v3 =	vadd.s32 v1, v3  }
0xb7: {  	[hbm4b:s9+s2] =	stream.indirect_vreg.scatter [tilespmem:s11], [sflag:$0x4], $0x80, v4, vm0, $0xb8;
	[tilespmem:$0x10200] =	vst v63  }
0xb8: {  	s15 =	simm.s32 $0xBA00  }
0xb9: {  	[hbm4b:s10+s2] =	stream.indirect_vreg.scatter [tilespmem:s15], [sflag:$0x4], $0x80, v4, vm0, $0xb8;
	[tilespmem:$0x10200] =	vst v63  }
0xba: {  	s22 =	simm.s32 $0xC200  }
0xbb: {  	[hbm4b:s3+s2] =	stream.indirect_vreg.scatter [tilespmem:s22], [sflag:$0x4], $0x80, v3, vm0, $0xb8;
	[tilespmem:$0x10200] =	vst v63  }
0xbc: {  	s23 =	simm.s32 $0xCA00  }
0xbd: {  	[hbm4b:s4+s2] =	stream.indirect_vreg.scatter [tilespmem:s23], [sflag:$0x4], $0x80, v3, vm0, $0xb8;
	[tilespmem:$0x10200] =	vst v63  }
0xbe: {  	s24 =	simm.s32 $0xD200  }
0xbf: {  	[hbm4b:s5+s2] =	stream.indirect_vreg.scatter [tilespmem:s24], [sflag:$0x4], $0x80, v3, vm0, $0xb8;
	[tilespmem:$0x10200] =	vst v63  }
0xc0: {  	s25 =	simm.s32 $0xDA00  }
0xc1: {  	[hbm4b:s6+s2] =	stream.indirect_vreg.scatter [tilespmem:s25], [sflag:$0x4], $0x80, v3, vm0, $0xb8;
	[tilespmem:$0x10200] =	vst v63  }
0xc2: {  	s26 =	simm.s32 $0xE200  }
0xc3: {  	[hbm4b:s7+s2] =	stream.indirect_vreg.scatter [tilespmem:s26], [sflag:$0x4], $0x80, v3, vm0, $0xb8;
	[tilespmem:$0x10200] =	vst v63  }
0xc4: {  	s28 =	simm.s32 $0xEA00  }
0xc5: {  	[hbm4b:s8+s2] =	stream.indirect_vreg.scatter [tilespmem:s28], [sflag:$0x4], $0x80, v3, vm0, $0xb8;
	[tilespmem:$0x10200] =	vst v63  }
0xc6: {  	s29 =	simm.s32 $0xF200  }
0xc7: {  	[hbm4b:s9+s2] =	stream.indirect_vreg.scatter [tilespmem:s29], [sflag:$0x4], $0x80, v3, vm0, $0xb8;
	[tilespmem:$0x10200] =	vst v63  }
0xc8: {  	s20 =	simm.s32 $0xFA00;
	s24 =	simm.s32 $0x3  }
0xc9: {  	[hbm4b:s10+s2] =	stream.indirect_vreg.scatter [tilespmem:s20], [sflag:$0x4], $0x80, v3, vm0, $0xb8;
	[tilespmem:$0x10200] =	vst v63  }
0xca: {  	_ =	swait.ge [sflag:s24], $0x8000  }
0xcb: {  	[sflag:s24] =	ssyncset.done $0x0  }
0xcc: {  	[sflag:s24] =	ssyncadd.s32 $0xFFFF8000  }
0xcd: {  	_ =	swait.ge [sflag:s24], $0x8000  }
0xce: {  	[sflag:s24] =	ssyncset.done $0x0  }
0xcf: {  	s16 =	simm.s32 $0x200;
	s12 =	rddreg [dreg:$0xa];
	[sflag:s24] =	ssyncadd.s32 $0xFFFF8000  }
0xd0: {  	[tilespmem:s16], [sflag:$0x1] =	stream.linear.gather [hbm4b:s12+s2], $0x8000, $0x38;
	[tilespmem:$0x10200] =	vst v63  }
0xd1: {  	s15 =	rddreg [dreg:$0xb]  }
0xd2: {  	[tilespmem:s2], [sflag:$0x5] =	stream.linear.gather [hbm4b:s15+s2], $0x10, $0x38;
	[tilespmem:$0x10200] =	vst v63  }
0xd3: {  	_ =	swait.ge [sflag:s14], $0x10  }
0xd4: {  	[sflag:s14] =	ssyncset.done $0x0  }
0xd5: {  	s13 =	simm.s32 $0x80;
	s19 =	rddreg [dreg:$0xc];
	[sflag:s14] =	ssyncadd.s32 $0xFFFFFFF0  }
0xd6: {  	[tilespmem:s13], [sflag:$0x5] =	stream.linear.gather [hbm4b:s19+s2], $0x10, $0x38;
	[tilespmem:$0x10200] =	vst v63  }
0xd7: {  	_ =	swait.ge [sflag:s14], $0x10  }
0xd8: {  	[sflag:s14] =	ssyncset.done $0x0  }
0xd9: {  	[sflag:s14] =	ssyncadd.s32 $0xFFFFFFF0  }
0xda: {  	_ =	swait.ge [sflag:s1], $0x8000  }
0xdb: {  	[sflag:s1] =	ssyncset.done $0x0  }
0xdc: {  	[sflag:s1] =	ssyncadd.s32 $0xFFFF8000  }
0xdd: {  	v3 =	vld [tilespmem:$0x0];
	_ =	sdelay $0x4  }
0xde: {  	v60 =	vshll.u32 v3, $0x4  }
0xdf: {  	v3 =	vand.u32 $0x7, v3;
	v4 =	vand.u32 $0xFFFFFF80, v60  }
0xe0: {  	v3 =	vor.u32 v3, v4  }
0xe1: {  	v4 =	vperm.xlane v3, v0;
	_ =	sdelay $0x1  }
0xe2: {  	v4 =	vadd.s32 v1, v4;
	_ =	sdelay $0x4  }
0xe3: {  	[hbm4b:s3+s2] =	stream.indirect_vreg.scatter [tilespmem:s16], [sflag:$0x3], $0x80, v4, vm0, $0xb8;
	[tilespmem:$0x10200] =	vst v63  }
0xe4: {  	s1 =	simm.s32 $0xA00  }
0xe5: {  	[hbm4b:s4+s2] =	stream.indirect_vreg.scatter [tilespmem:s1], [sflag:$0x3], $0x80, v4, vm0, $0xb8;
	[tilespmem:$0x10200] =	vst v63  }
0xe6: {  	s12 =	simm.s32 $0x1200  }
0xe7: {  	[hbm4b:s5+s2] =	stream.indirect_vreg.scatter [tilespmem:s12], [sflag:$0x3], $0x80, v4, vm0, $0xb8;
	[tilespmem:$0x10200] =	vst v63  }
0xe8: {  	s16 =	simm.s32 $0x1A00  }
0xe9: {  	[hbm4b:s6+s2] =	stream.indirect_vreg.scatter [tilespmem:s16], [sflag:$0x3], $0x80, v4, vm0, $0xb8;
	[tilespmem:$0x10200] =	vst v63  }
0xea: {  	s13 =	simm.s32 $0x2200  }
0xeb: {  	[hbm4b:s7+s2] =	stream.indirect_vreg.scatter [tilespmem:s13], [sflag:$0x3], $0x80, v4, vm0, $0xb8;
	[tilespmem:$0x10200] =	vst v63  }
0xec: {  	s19 =	simm.s32 $0x2A00;
	v3 =	vperm.xlane v3, v2  }
0xed: {  	[hbm4b:s8+s2] =	stream.indirect_vreg.scatter [tilespmem:s19], [sflag:$0x3], $0x80, v4, vm0, $0xb8;
	[tilespmem:$0x10200] =	vst v63  }
0xee: {  	s17 =	simm.s32 $0x3200;
	v3 =	vadd.s32 v1, v3  }
0xef: {  	[hbm4b:s9+s2] =	stream.indirect_vreg.scatter [tilespmem:s17], [sflag:$0x3], $0x80, v4, vm0, $0xb8;
	[tilespmem:$0x10200] =	vst v63  }
0xf0: {  	s18 =	simm.s32 $0x3A00  }
0xf1: {  	[hbm4b:s10+s2] =	stream.indirect_vreg.scatter [tilespmem:s18], [sflag:$0x3], $0x80, v4, vm0, $0xb8;
	[tilespmem:$0x10200] =	vst v63  }
0xf2: {  	s26 =	simm.s32 $0x4200  }
0xf3: {  	[hbm4b:s3+s2] =	stream.indirect_vreg.scatter [tilespmem:s26], [sflag:$0x3], $0x80, v3, vm0, $0xb8;
	[tilespmem:$0x10200] =	vst v63  }
0xf4: {  	s28 =	simm.s32 $0x4A00  }
0xf5: {  	[hbm4b:s4+s2] =	stream.indirect_vreg.scatter [tilespmem:s28], [sflag:$0x3], $0x80, v3, vm0, $0xb8;
	[tilespmem:$0x10200] =	vst v63  }
0xf6: {  	s29 =	simm.s32 $0x5200  }
0xf7: {  	[hbm4b:s5+s2] =	stream.indirect_vreg.scatter [tilespmem:s29], [sflag:$0x3], $0x80, v3, vm0, $0xb8;
	[tilespmem:$0x10200] =	vst v63  }
0xf8: {  	s31 =	simm.s32 $0x5A00  }
0xf9: {  	[hbm4b:s6+s2] =	stream.indirect_vreg.scatter [tilespmem:s31], [sflag:$0x3], $0x80, v3, vm0, $0xb8;
	[tilespmem:$0x10200] =	vst v63  }
0xfa: {  	s15 =	simm.s32 $0x6200  }
0xfb: {  	[hbm4b:s7+s2] =	stream.indirect_vreg.scatter [tilespmem:s15], [sflag:$0x3], $0x80, v3, vm0, $0xb8;
	[tilespmem:$0x10200] =	vst v63  }
0xfc: {  	s11 =	simm.s32 $0x6A00  }
0xfd: {  	[hbm4b:s8+s2] =	stream.indirect_vreg.scatter [tilespmem:s11], [sflag:$0x3], $0x80, v3, vm0, $0xb8;
	[tilespmem:$0x10200] =	vst v63  }
0xfe: {  	s0 =	simm.s32 $0x7200  }
0xff: {  	[hbm4b:s9+s2] =	stream.indirect_vreg.scatter [tilespmem:s0], [sflag:$0x3], $0x80, v3, vm0, $0xb8;
	[tilespmem:$0x10200] =	vst v63  }
0x100: {  	s20 =	simm.s32 $0x7A00  }
0x101: {  	[hbm4b:s10+s2] =	stream.indirect_vreg.scatter [tilespmem:s20], [sflag:$0x3], $0x80, v3, vm0, $0xb8;
	[tilespmem:$0x10200] =	vst v63  }
0x102: {  	v3 =	vld [tilespmem:$0x80];
	_ =	sdelay $0x4  }
0x103: {  	v61 =	vshll.u32 v3, $0x4  }
0x104: {  	v3 =	vand.u32 $0x7, v3;
	v4 =	vand.u32 $0xFFFFFF80, v61  }
0x105: {  	v3 =	vor.u32 v3, v4  }
0x106: {  	v4 =	vperm.xlane v3, v0;
	_ =	sdelay $0x1  }
0x107: {  	v4 =	vadd.s32 v1, v4;
	_ =	sdelay $0x3  }
0x108: {  	s22 =	simm.s32 $0x200  }
0x109: {  	[hbm4b:s3+s2] =	stream.indirect_vreg.scatter [tilespmem:s22], [sflag:$0x3], $0x80, v4, vm0, $0xb8;
	[tilespmem:$0x10200] =	vst v63  }
0x10a: {  	_ = 	snop  }
0x10b: {  	[hbm4b:s4+s2] =	stream.indirect_vreg.scatter [tilespmem:s1], [sflag:$0x3], $0x80, v4, vm0, $0xb8;
	[tilespmem:$0x10200] =	vst v63  }
0x10c: {  	_ = 	snop  }
0x10d: {  	[hbm4b:s5+s2] =	stream.indirect_vreg.scatter [tilespmem:s12], [sflag:$0x3], $0x80, v4, vm0, $0xb8;
	[tilespmem:$0x10200] =	vst v63  }
0x10e: {  	_ = 	snop  }
0x10f: {  	[hbm4b:s6+s2] =	stream.indirect_vreg.scatter [tilespmem:s16], [sflag:$0x3], $0x80, v4, vm0, $0xb8;
	[tilespmem:$0x10200] =	vst v63  }
0x110: {  	_ = 	snop  }
0x111: {  	[hbm4b:s7+s2] =	stream.indirect_vreg.scatter [tilespmem:s13], [sflag:$0x3], $0x80, v4, vm0, $0xb8;
	[tilespmem:$0x10200] =	vst v63  }
0x112: {  	v3 =	vperm.xlane v3, v2  }
0x113: {  	[hbm4b:s8+s2] =	stream.indirect_vreg.scatter [tilespmem:s19], [sflag:$0x3], $0x80, v4, vm0, $0xb8;
	[tilespmem:$0x10200] =	vst v63  }
0x114: {  	v3 =	vadd.s32 v1, v3  }
0x115: {  	[hbm4b:s9+s2] =	stream.indirect_vreg.scatter [tilespmem:s17], [sflag:$0x3], $0x80, v4, vm0, $0xb8;
	[tilespmem:$0x10200] =	vst v63  }
0x116: {  	_ = 	snop  }
0x117: {  	[hbm4b:s10+s2] =	stream.indirect_vreg.scatter [tilespmem:s18], [sflag:$0x3], $0x80, v4, vm0, $0xb8;
	[tilespmem:$0x10200] =	vst v63  }
0x118: {  	_ = 	snop  }
0x119: {  	[hbm4b:s3+s2] =	stream.indirect_vreg.scatter [tilespmem:s26], [sflag:$0x3], $0x80, v3, vm0, $0xb8;
	[tilespmem:$0x10200] =	vst v63  }
0x11a: {  	_ = 	snop  }
0x11b: {  	[hbm4b:s4+s2] =	stream.indirect_vreg.scatter [tilespmem:s28], [sflag:$0x3], $0x80, v3, vm0, $0xb8;
	[tilespmem:$0x10200] =	vst v63  }
0x11c: {  	_ = 	snop  }
0x11d: {  	[hbm4b:s5+s2] =	stream.indirect_vreg.scatter [tilespmem:s29], [sflag:$0x3], $0x80, v3, vm0, $0xb8;
	[tilespmem:$0x10200] =	vst v63  }
0x11e: {  	_ = 	snop  }
0x11f: {  	[hbm4b:s6+s2] =	stream.indirect_vreg.scatter [tilespmem:s31], [sflag:$0x3], $0x80, v3, vm0, $0xb8;
	[tilespmem:$0x10200] =	vst v63  }
0x120: {  	_ = 	snop  }
0x121: {  	[hbm4b:s7+s2] =	stream.indirect_vreg.scatter [tilespmem:s15], [sflag:$0x3], $0x80, v3, vm0, $0xb8;
	[tilespmem:$0x10200] =	vst v63  }
0x122: {  	_ = 	snop  }
0x123: {  	[hbm4b:s8+s2] =	stream.indirect_vreg.scatter [tilespmem:s11], [sflag:$0x3], $0x80, v3, vm0, $0xb8;
	[tilespmem:$0x10200] =	vst v63  }
0x124: {  	_ = 	snop  }
0x125: {  	[hbm4b:s9+s2] =	stream.indirect_vreg.scatter [tilespmem:s0], [sflag:$0x3], $0x80, v3, vm0, $0xb8;
	[tilespmem:$0x10200] =	vst v63  }
0x126: {  	s15 =	simm.s32 $0x4  }
0x127: {  	[hbm4b:s10+s2] =	stream.indirect_vreg.scatter [tilespmem:s20], [sflag:$0x3], $0x80, v3, vm0, $0xb8;
	[tilespmem:$0x10200] =	vst v63  }
0x128: {  	_ =	swait.ge [sflag:s15], $0x8000  }
0x129: {  	[sflag:s15] =	ssyncset.done $0x0  }
0x12a: {  	[sflag:s15] =	ssyncadd.s32 $0xFFFF8000  }
0x12b: {  	_ =	swait.ge [sflag:s15], $0x8000  }
0x12c: {  	[sflag:s15] =	ssyncset.done $0x0  }
0x12d: {  	s26 =	simm.s32 $0x8200;
	s20 =	rddreg [dreg:$0xd];
	[sflag:s15] =	ssyncadd.s32 $0xFFFF8000  }
0x12e: {  	[tilespmem:s26], [sflag:$0x2] =	stream.linear.gather [hbm4b:s20+s2], $0x8000, $0x38;
	[tilespmem:$0x10200] =	vst v63  }
0x12f: {  	s28 =	simm.s32 $0x100;
	s22 =	rddreg [dreg:$0xe]  }
0x130: {  	[tilespmem:s28], [sflag:$0x5] =	stream.linear.gather [hbm4b:s22+s2], $0x10, $0x38;
	[tilespmem:$0x10200] =	vst v63  }
0x131: {  	_ =	swait.ge [sflag:s14], $0x10  }
0x132: {  	[sflag:s14] =	ssyncset.done $0x0  }
0x133: {  	s31 =	simm.s32 $0x180;
	s29 =	rddreg [dreg:$0xf];
	[sflag:s14] =	ssyncadd.s32 $0xFFFFFFF0  }
0x134: {  	[tilespmem:s31], [sflag:$0x5] =	stream.linear.gather [hbm4b:s29+s2], $0x10, $0x38;
	[tilespmem:$0x10200] =	vst v63  }
0x135: {  	_ =	swait.ge [sflag:s14], $0x10  }
0x136: {  	[sflag:s14] =	ssyncset.done $0x0  }
0x137: {  	[sflag:s14] =	ssyncadd.s32 $0xFFFFFFF0  }
0x138: {  	_ =	swait.ge [sflag:s21], $0x8000  }
0x139: {  	[sflag:s21] =	ssyncset.done $0x0  }
0x13a: {  	[sflag:s21] =	ssyncadd.s32 $0xFFFF8000  }
0x13b: {  	v3 =	vld [tilespmem:$0x100];
	_ =	sdelay $0x4  }
0x13c: {  	v62 =	vshll.u32 v3, $0x4  }
0x13d: {  	v3 =	vand.u32 $0x7, v3;
	v4 =	vand.u32 $0xFFFFFF80, v62  }
0x13e: {  	v3 =	vor.u32 v3, v4  }
0x13f: {  	v4 =	vperm.xlane v3, v0;
	_ =	sdelay $0x1  }
0x140: {  	v4 =	vadd.s32 v1, v4;
	_ =	sdelay $0x4  }
0x141: {  	[hbm4b:s3+s2] =	stream.indirect_vreg.scatter [tilespmem:s26], [sflag:$0x4], $0x80, v4, vm0, $0xb8;
	[tilespmem:$0x10200] =	vst v63  }
0x142: {  	s1 =	simm.s32 $0x8A00  }
0x143: {  	[hbm4b:s4+s2] =	stream.indirect_vreg.scatter [tilespmem:s1], [sflag:$0x4], $0x80, v4, vm0, $0xb8;
	[tilespmem:$0x10200] =	vst v63  }
0x144: {  	s12 =	simm.s32 $0x9200  }
0x145: {  	[hbm4b:s5+s2] =	stream.indirect_vreg.scatter [tilespmem:s12], [sflag:$0x4], $0x80, v4, vm0, $0xb8;
	[tilespmem:$0x10200] =	vst v63  }
0x146: {  	s11 =	simm.s32 $0x9A00  }
0x147: {  	[hbm4b:s6+s2] =	stream.indirect_vreg.scatter [tilespmem:s11], [sflag:$0x4], $0x80, v4, vm0, $0xb8;
	[tilespmem:$0x10200] =	vst v63  }
0x148: {  	s13 =	simm.s32 $0xA200  }
0x149: {  	[hbm4b:s7+s2] =	stream.indirect_vreg.scatter [tilespmem:s13], [sflag:$0x4], $0x80, v4, vm0, $0xb8;
	[tilespmem:$0x10200] =	vst v63  }
0x14a: {  	s30 =	simm.s32 $0xAA00;
	v3 =	vperm.xlane v3, v2  }
0x14b: {  	[hbm4b:s8+s2] =	stream.indirect_vreg.scatter [tilespmem:s30], [sflag:$0x4], $0x80, v4, vm0, $0xb8;
	[tilespmem:$0x10200] =	vst v63  }
0x14c: {  	s16 =	simm.s32 $0xB200;
	v3 =	vadd.s32 v1, v3  }
0x14d: {  	[hbm4b:s9+s2] =	stream.indirect_vreg.scatter [tilespmem:s16], [sflag:$0x4], $0x80, v4, vm0, $0xb8;
	[tilespmem:$0x10200] =	vst v63  }
0x14e: {  	s17 =	simm.s32 $0xBA00  }
0x14f: {  	[hbm4b:s10+s2] =	stream.indirect_vreg.scatter [tilespmem:s17], [sflag:$0x4], $0x80, v4, vm0, $0xb8;
	[tilespmem:$0x10200] =	vst v63  }
0x150: {  	s18 =	simm.s32 $0xC200  }
0x151: {  	[hbm4b:s3+s2] =	stream.indirect_vreg.scatter [tilespmem:s18], [sflag:$0x4], $0x80, v3, vm0, $0xb8;
	[tilespmem:$0x10200] =	vst v63  }
0x152: {  	s19 =	simm.s32 $0xCA00  }
0x153: {  	[hbm4b:s4+s2] =	stream.indirect_vreg.scatter [tilespmem:s19], [sflag:$0x4], $0x80, v3, vm0, $0xb8;
	[tilespmem:$0x10200] =	vst v63  }
0x154: {  	s20 =	simm.s32 $0xD200  }
0x155: {  	[hbm4b:s5+s2] =	stream.indirect_vreg.scatter [tilespmem:s20], [sflag:$0x4], $0x80, v3, vm0, $0xb8;
	[tilespmem:$0x10200] =	vst v63  }
0x156: {  	s25 =	simm.s32 $0xDA00  }
0x157: {  	[hbm4b:s6+s2] =	stream.indirect_vreg.scatter [tilespmem:s25], [sflag:$0x4], $0x80, v3, vm0, $0xb8;
	[tilespmem:$0x10200] =	vst v63  }
0x158: {  	s21 =	simm.s32 $0xE200  }
0x159: {  	[hbm4b:s7+s2] =	stream.indirect_vreg.scatter [tilespmem:s21], [sflag:$0x4], $0x80, v3, vm0, $0xb8;
	[tilespmem:$0x10200] =	vst v63  }
0x15a: {  	s22 =	simm.s32 $0xEA00  }
0x15b: {  	[hbm4b:s8+s2] =	stream.indirect_vreg.scatter [tilespmem:s22], [sflag:$0x4], $0x80, v3, vm0, $0xb8;
	[tilespmem:$0x10200] =	vst v63  }
0x15c: {  	s23 =	simm.s32 $0xF200  }
0x15d: {  	[hbm4b:s9+s2] =	stream.indirect_vreg.scatter [tilespmem:s23], [sflag:$0x4], $0x80, v3, vm0, $0xb8;
	[tilespmem:$0x10200] =	vst v63  }
0x15e: {  	s29 =	simm.s32 $0xFA00  }
0x15f: {  	[hbm4b:s10+s2] =	stream.indirect_vreg.scatter [tilespmem:s29], [sflag:$0x4], $0x80, v3, vm0, $0xb8;
	[tilespmem:$0x10200] =	vst v63  }
0x160: {  	v3 =	vld [tilespmem:$0x180];
	_ =	sdelay $0x4  }
0x161: {  	v63 =	vshll.u32 v3, $0x4  }
0x162: {  	v3 =	vand.u32 $0x7, v3;
	v4 =	vand.u32 $0xFFFFFF80, v63  }
0x163: {  	v3 =	vor.u32 v3, v4  }
0x164: {  	v4 =	vperm.xlane v3, v0;
	_ =	sdelay $0x1  }
0x165: {  	v4 =	vadd.s32 v1, v4;
	_ =	sdelay $0x3  }
0x166: {  	s0 =	simm.s32 $0x8200  }
0x167: {  	[hbm4b:s3+s2] =	stream.indirect_vreg.scatter [tilespmem:s0], [sflag:$0x4], $0x80, v4, vm0, $0xb8;
	[tilespmem:$0x10200] =	vst v63  }
0x168: {  	_ = 	snop  }
0x169: {  	[hbm4b:s4+s2] =	stream.indirect_vreg.scatter [tilespmem:s1], [sflag:$0x4], $0x80, v4, vm0, $0xb8;
	[tilespmem:$0x10200] =	vst v63  }
0x16a: {  	_ = 	snop  }
0x16b: {  	[hbm4b:s5+s2] =	stream.indirect_vreg.scatter [tilespmem:s12], [sflag:$0x4], $0x80, v4, vm0, $0xb8;
	[tilespmem:$0x10200] =	vst v63  }
0x16c: {  	_ = 	snop  }
0x16d: {  	[hbm4b:s6+s2] =	stream.indirect_vreg.scatter [tilespmem:s11], [sflag:$0x4], $0x80, v4, vm0, $0xb8;
	[tilespmem:$0x10200] =	vst v63  }
0x16e: {  	_ = 	snop  }
0x16f: {  	[hbm4b:s7+s2] =	stream.indirect_vreg.scatter [tilespmem:s13], [sflag:$0x4], $0x80, v4, vm0, $0xb8;
	[tilespmem:$0x10200] =	vst v63  }
0x170: {  	v3 =	vperm.xlane v3, v2  }
0x171: {  	[hbm4b:s8+s2] =	stream.indirect_vreg.scatter [tilespmem:s30], [sflag:$0x4], $0x80, v4, vm0, $0xb8;
	[tilespmem:$0x10200] =	vst v63  }
0x172: {  	v3 =	vadd.s32 v1, v3  }
0x173: {  	[hbm4b:s9+s2] =	stream.indirect_vreg.scatter [tilespmem:s16], [sflag:$0x4], $0x80, v4, vm0, $0xb8;
	[tilespmem:$0x10200] =	vst v63  }
0x174: {  	_ = 	snop  }
0x175: {  	[hbm4b:s10+s2] =	stream.indirect_vreg.scatter [tilespmem:s17], [sflag:$0x4], $0x80, v4, vm0, $0xb8;
	[tilespmem:$0x10200] =	vst v63  }
0x176: {  	_ = 	snop  }
0x177: {  	[hbm4b:s3+s2] =	stream.indirect_vreg.scatter [tilespmem:s18], [sflag:$0x4], $0x80, v3, vm0, $0xb8;
	[tilespmem:$0x10200] =	vst v63  }
0x178: {  	_ = 	snop  }
0x179: {  	[hbm4b:s4+s2] =	stream.indirect_vreg.scatter [tilespmem:s19], [sflag:$0x4], $0x80, v3, vm0, $0xb8;
	[tilespmem:$0x10200] =	vst v63  }
0x17a: {  	_ = 	snop  }
0x17b: {  	[hbm4b:s5+s2] =	stream.indirect_vreg.scatter [tilespmem:s20], [sflag:$0x4], $0x80, v3, vm0, $0xb8;
	[tilespmem:$0x10200] =	vst v63  }
0x17c: {  	_ = 	snop  }
0x17d: {  	[hbm4b:s6+s2] =	stream.indirect_vreg.scatter [tilespmem:s25], [sflag:$0x4], $0x80, v3, vm0, $0xb8;
	[tilespmem:$0x10200] =	vst v63  }
0x17e: {  	_ = 	snop  }
0x17f: {  	[hbm4b:s7+s2] =	stream.indirect_vreg.scatter [tilespmem:s21], [sflag:$0x4], $0x80, v3, vm0, $0xb8;
	[tilespmem:$0x10200] =	vst v63  }
0x180: {  	_ = 	snop  }
0x181: {  	[hbm4b:s8+s2] =	stream.indirect_vreg.scatter [tilespmem:s22], [sflag:$0x4], $0x80, v3, vm0, $0xb8;
	[tilespmem:$0x10200] =	vst v63  }
0x182: {  	_ = 	snop  }
0x183: {  	[hbm4b:s9+s2] =	stream.indirect_vreg.scatter [tilespmem:s23], [sflag:$0x4], $0x80, v3, vm0, $0xb8;
	[tilespmem:$0x10200] =	vst v63  }
0x184: {  	_ = 	snop  }
0x185: {  	[hbm4b:s10+s2] =	stream.indirect_vreg.scatter [tilespmem:s29], [sflag:$0x4], $0x80, v3, vm0, $0xb8;
	[tilespmem:$0x10200] =	vst v63  }
0x186: {  	s31 =	rddreg [dreg:$0x10];
	_ =	swait.ge [sflag:s24], $0x8000  }
0x187: {  	[sflag:s24] =	ssyncset.done $0x0  }
0x188: {  	[sflag:s24] =	ssyncadd.s32 $0xFFFF8000  }
0x189: {  	_ =	swait.ge [sflag:s24], $0x8000  }
0x18a: {  	[sflag:s24] =	ssyncset.done $0x0  }
0x18b: {  	[sflag:s24] =	ssyncadd.s32 $0xFFFF8000  }
0x18c: {  	p0 =	sne.s32 s31, $0x1;
	_ =	swait.ge [sflag:s15], $0x8000  }
.Ltmp0:
0x18d: {  	[sflag:s15] =	ssyncset.done $0x0;
	(pc) =	sbr.rel @p0 .LBB2_1-.Ltmp0, $4  }
0x18e: {  	[sflag:s15] =	ssyncadd.s32 $0xFFFF8000  }
0x18f: {  	_ =	swait.ge [sflag:s15], $0x8000  }
0x190: {  	[sflag:s15] =	ssyncset.done $0x0  }
0x191: {  	s0 =	sadd.s32 $0xFFFFFFFF, s31;
	[sflag:s15] =	ssyncadd.s32 $0xFFFF8000  }
0x192: {  	_ =	sfence.sel $0x180000  }
0x193: {  	[bflag:$0x0] =	sbarrier.arrive $0xFFFF  }
0x194: {  	_ =	strace $0x90000047  }
0x195: {  	s0 =	stileid.u32;
	[bflag:$0x2] =	sbarrier.arrive $0xFFFF  }
0x196: {  	p0 =	sne.s32 s0, $0x0;
	s0 =	rddreg [dreg:$0x3]  }
0x197: {  	s0 =	sadd.s32 @!p0 $0x100000, s0  }
0x198: {  	[sflag:s0] =	ssyncadd.tile.s32 @!p0 $0x1;
	_ =	shalt  }
.Lfunc_end2:
_tile_overlayer_lowered:
.L_overlay_start_2:
0x199: {  	(tag) =	ssettag $0x2  }
0x19a: {  	s0 =	rddreg [dreg:$0x0];
	s2 =	stileid.u32  }
0x19b: {  	s1 =	rddreg [dreg:$0x1];
	p0 =	sne.s32 s2, $0x0  }
0x19c: {  	s3 =	rddreg [dreg:$0x2];
	[bflag:$0x3] =	sbarrier.arrive $0xFFFF;
	s2 =	simm.s32 @!p0 $0x1C05  }
0x19d: {  	[timem:s3], [sflag:s2] =	dma.local @!p0 [hbm:s0], s1  }
0x19e: {  	s0 =	simm.s32 @!p0 $0x5  }
0x19f: {  	_ =	swait.ge @!p0 [sflag:s0], s1  }
0x1a0: {  	s1 =	ssub.s32 @!p0 $0x0, s1;
	[sflag:s0] =	ssyncset.done @!p0 $0x0  }
0x1a1: {  	[sflag:s0] =	ssyncadd.s32 @!p0 s1  }
0x1a2: {  	[bflag:$0x3] =	sbarrier.arrive $0xFFFF  }
0x1a3: {  	_ =	shalt  }

// kernel: kernel.9.cloned.1.call-start
scs
__scs_entry_jumppad:
0x0: {  	(pc) =	sbr.rel $0x88, $3  }
0x1: {  	(tag) =	ssettag $0x0;
	lr =	simm.s32 $0x1  }
0x2: {  	[smem:$0x3F9C] =	sst lr;
	_ =	strace $0xD0000000  }
0x3: {  	_ = 	snop  }
0x4: {  	_ = 	snop  }
0x5: {  	_ = 	snop  }
0x6: {  	_ = 	snop  }
0x7: {  	_ = 	snop  }
__scs_overlays_trampoline_lowered:
0x8: {  	[smem:$0x3FAB] =	sst s0  }
0x9: {  	[smem:$0x3FAC] =	sst s1  }
0xa: {  	[smem:$0x3FAD] =	sst s2  }
0xb: {  	[smem:$0x3FAE] =	sst s3  }
0xc: {  	[smem:$0x3FAF] =	sst s4  }
0xd: {  	[smem:$0x3FB0] =	sst s5  }
0xe: {  	[smem:$0x3FB1] =	sst s6  }
0xf: {  	[smem:$0x3FB2] =	sst s7  }
0x10: {  	[smem:$0x3FB3] =	sst s8  }
0x11: {  	[smem:$0x3FB4] =	sst s9;
	s0 =	simm.s32 @!p0 $0x0  }
0x12: {  	s1 =	sld [smem:$0x3F9A];
	s0 =	simm.s32 @p0 $0x1  }
0x13: {  	[smem:$0x3FB5] =	sst s0;
	s0 =	simm.s32 @!p1 $0x0  }
0x14: {  	s2 =	sld [smem:$0x3F99];
	s0 =	simm.s32 @p1 $0x1  }
0x15: {  	[smem:$0x3FB6] =	sst s0;
	s0 =	simm.s32 @!p2 $0x0  }
0x16: {  	s3 =	sld [smem:$0x3FDB];
	s0 =	simm.s32 @p2 $0x1  }
0x17: {  	s4 =	simm.s32 $0x1BF5;
	[smem:$0x3FB8] =	sst s0  }
0x18: {  	s0 =	sld [smem:$0x3F9B];
	_ =	swait.ge [sflag:s4], $0x0  }
0x19: {  	s7 =	sld [smem:$0x3F9C]  }
0x1a: {  	s8 =	sadd.s32 $0xFFFFE003, lr  }
0x1b: {  	s9 =	sadd.s32 $0xFFFFFEF7, lr;
	s5 =	simm.s32 $0xFFFFFFFF;
	p2 =	slt.u32 s8, $0xFFFFF086  }
0x1c: {  	p1 =	slt.u32 s9, $0xF7A;
	s5 =	simm.s32 @!p2 $0x0  }
0x1d: {  	s5 =	simm.s32 @p1 $0x1;
	p0 =	seq.s32 s7, s2  }
0x1e: {  	s7 =	smul.u32 @!p0 $0xF7A, s2;
	p2 =	seq.s32 @!p0 s5, $0x0  }
0x1f: {  	s9 =	smul.u32 $0xF7A, s1;
	s8 =	simm.s32 @!p0 $0x1BF5;
	p2 =	por !p2, p0  }
0x20: {  	[sflag:s8] =	ssyncset.s32 @!p0 $0xFFFFF086;
	s6 =	sadd.s32 @!p0 s3, s7;
	s7 =	simm.s32 @!p0 $0x108  }
0x21: {  	s3 =	sadd.s32 s3, s9;
	s6 =	sadd.s32 @!p0 $0x88, s6;
	s7 =	simm.s32 @p2 $0x1082  }
0x22: {  	[simem:s7], [sflag:s8] =	dma.local @!p0 [hbm:s6], $0xF7A  }
0x23: {  	s9 =	sor.u32 $0xD0000000, s2;
	s6 =	simm.s32 $0x108;
	_ =	swait.ge @!p0 [sflag:s8], $0x0  }
0x24: {  	s3 =	sadd.s32 $0x88, s3;
	s6 =	simm.s32 @!p1 $0x1082;
	[sflag:s4] =	ssyncset.s32 $0xFFFFF086  }
0x25: {  	[simem:s6], [sflag:s4] =	dma.local [hbm:s3], $0xF7A  }
0x26: {  	[smem:$0x3F9C] =	sst s1;
	(tag) =	ssettag s2;
	_ =	strace s9  }
0x27: {  	s1 =	sld [smem:$0x3FAC]  }
0x28: {  	s2 =	sld [smem:$0x3FAD]  }
0x29: {  	s4 =	sld [smem:$0x3FAF]  }
0x2a: {  	p0 =	seq.s32 s5, $0x0;
	s5 =	sld [smem:$0x3FB0]  }
0x2b: {  	s6 =	sld [smem:$0x3FB1]  }
0x2c: {  	s7 =	sld [smem:$0x3FB2]  }
0x2d: {  	s3 =	simm.s32 $0x108;
	s8 =	sld [smem:$0x3FB3]  }
0x2e: {  	s3 =	simm.s32 @!p0 $0x1082;
	s9 =	sld [smem:$0x3FB4]  }
0x2f: {  	lr =	sadd.s32 s0, s3;
	s0 =	sld [smem:$0x3FAB]  }
0x30: {  	s3 =	sld [smem:$0x3FAE]  }
0x31: {  	[smem:$0x3FB7] =	sst s10  }
0x32: {  	s10 =	sld [smem:$0x3FB5];
	_ =	sdelay $0x3  }
0x33: {  	p0 =	seq.s32 s10, $0x1;
	s10 =	sld [smem:$0x3FB7];
	_ =	sdelay $0x3  }
0x34: {  	[smem:$0x3FB7] =	sst s10  }
0x35: {  	s10 =	sld [smem:$0x3FB6];
	_ =	sdelay $0x3  }
0x36: {  	p1 =	seq.s32 s10, $0x1;
	s10 =	sld [smem:$0x3FB7];
	_ =	sdelay $0x3  }
0x37: {  	[smem:$0x3FB7] =	sst s10  }
0x38: {  	s10 =	sld [smem:$0x3FB8]  }
0x39: {  	_ = 	snop;
	(pc) =	sbr.ind lr, $3  }
0x3a: {  	_ = 	snop  }
0x3b: {  	_ = 	snop  }
0x3c: {  	p2 =	seq.s32 s10, $0x1;
	s10 =	sld [smem:$0x3FB7]  }
0x3d: {  	_ =	shalt  }
0x3e: {  	_ =	shalt  }
0x3f: {  	_ =	shalt  }
0x40: {  	_ =	shalt  }
0x41: {  	_ =	shalt  }
0x42: {  	_ =	shalt  }
0x43: {  	_ =	shalt  }
0x44: {  	_ =	shalt  }
0x45: {  	_ =	shalt  }
0x46: {  	_ =	shalt  }
0x47: {  	_ =	shalt  }
0x48: {  	_ =	shalt  }
0x49: {  	_ =	shalt  }
0x4a: {  	_ =	shalt  }
0x4b: {  	_ =	shalt  }
0x4c: {  	_ =	shalt  }
0x4d: {  	_ =	shalt  }
0x4e: {  	_ =	shalt  }
0x4f: {  	_ =	shalt  }
0x50: {  	_ =	shalt  }
0x51: {  	_ =	shalt  }
0x52: {  	_ =	shalt  }
0x53: {  	_ =	shalt  }
0x54: {  	_ =	shalt  }
0x55: {  	_ =	shalt  }
0x56: {  	_ =	shalt  }
0x57: {  	_ =	shalt  }
0x58: {  	_ =	shalt  }
0x59: {  	_ =	shalt  }
0x5a: {  	_ =	shalt  }
0x5b: {  	_ =	shalt  }
0x5c: {  	_ =	shalt  }
0x5d: {  	_ =	shalt  }
0x5e: {  	_ =	shalt  }
0x5f: {  	_ =	shalt  }
0x60: {  	_ =	shalt  }
0x61: {  	_ =	shalt  }
0x62: {  	_ =	shalt  }
0x63: {  	_ =	shalt  }
0x64: {  	_ =	shalt  }
0x65: {  	_ =	shalt  }
0x66: {  	_ =	shalt  }
0x67: {  	_ =	shalt  }
0x68: {  	_ =	shalt  }
0x69: {  	_ =	shalt  }
0x6a: {  	_ =	shalt  }
0x6b: {  	_ =	shalt  }
0x6c: {  	_ =	shalt  }
0x6d: {  	_ =	shalt  }
0x6e: {  	_ =	shalt  }
0x6f: {  	_ =	shalt  }
0x70: {  	_ =	shalt  }
0x71: {  	_ =	shalt  }
0x72: {  	_ =	shalt  }
0x73: {  	_ =	shalt  }
0x74: {  	_ =	shalt  }
0x75: {  	_ =	shalt  }
0x76: {  	_ =	shalt  }
0x77: {  	_ =	shalt  }
0x78: {  	_ =	shalt  }
0x79: {  	_ =	shalt  }
0x7a: {  	_ =	shalt  }
0x7b: {  	_ =	shalt  }
0x7c: {  	_ =	shalt  }
0x7d: {  	_ =	shalt  }
0x7e: {  	_ =	shalt  }
0x7f: {  	_ =	shalt  }
0x80: {  	_ =	shalt  }
0x81: {  	_ =	shalt  }
0x82: {  	_ =	shalt  }
0x83: {  	_ =	shalt  }
0x84: {  	_ =	shalt  }
0x85: {  	_ =	shalt  }
0x86: {  	_ =	shalt  }
0x87: {  	_ =	shalt  }
.Lfunc_end0:
.L_simem_size_0:
called_computation.1_lowered:
.L_overlay_start_0:
0x88: {  	s2 =	sld [smem:$0x3FD9]  }
0x89: {  	s3 =	sld [smem:$0x3FFE];
	_ =	sdelay $0x1  }
0x8a: {  	s1 =	srdreg.scid  }
0x8b: {  	s0 =	sand.u32 $0x1, s1  }
0x8c: {  	s17 =	sshll.u32 s0, $0xA;
	s2 =	sadd.s32 s3, s2  }
0x8d: {  	s2 =	sadd.s32 s2, s17  }
0x8e: {  	[smem:$0x3FC3] =	sst s2  }
0x8f: {  	_ = 	snop  }
0x90: {  	s2 =	sld [smem:$0x3FD0];
	(tm) =	ssettm $0x1  }
0x91: {  	s18 =	sld [smem:$0x3FFB];
	_ =	sdelay $0x3  }
0x92: {  	_ =	strace s18  }
0x93: {  	s3 =	sld [smem:$0x3FFC];
	_ =	sdelay $0x3  }
0x94: {  	_ =	strace s3  }
0x95: {  	s3 =	sld [smem:$0x3FFD];
	_ =	sdelay $0x3  }
0x96: {  	_ =	strace s3  }
0x97: {  	_ =	strace $0x8FFFFFFF  }
0x98: {  	s19 =	sld [smem:$0x3FDB];
	_ =	sdelay $0x1  }
0x99: {  	s4 =	simm.s32 $_scs_section_size  }
0x9a: {  	s5 =	simm.s32 $_size__tile_overlayer_lowered;
	s6 =	simm.s32 $_tile_overlayer_lowered  }
0x9b: {  	s22 =	simm.s32 $0x1BFF;
	s21 =	sshll.u32 s6, $0x1;
	s3 =	sadd.s32 s4, s19  }
0x9c: {  	s7 =	simm.s32 $0x0;
	s20 =	sshll.u32 s5, $0x1;
	s5 =	sadd.s32 s21, s3  }
0x9d: {  	[timem:s7], [sflag:s22] =	dma.local [hbm:s5], s20  }
0x9e: {  	_ =	swait.ge [sflag:s22], s20  }
0x9f: {  	s4 =	ssub.s32 $0x0, s20;
	[sflag:s22] =	ssyncset.done $0x0  }
0xa0: {  	[sflag:s22] =	ssyncadd.s32 s4;
	_ =	sdelay $0x1  }
0xa1: {  	s23 =	simm.s32 $0x1B8B  }
0xa2: {  	_ =	swait.ge [sflag:s23], $0x1  }
0xa3: {  	[sflag:s23] =	ssyncset.done $0x0  }
0xa4: {  	s25 =	simm.s32 $0x1B8E;
	s24 =	sld [smem:$0x3FFE];
	[sflag:s23] =	ssyncadd.s32 $0xFFFFFFFF  }
0xa5: {  	s26 =	simm.s32 $execute0_lowered;
	[smem:$0x3FD2] =	sst s25  }
0xa6: {  	s5 =	sshll.u32 s26, $0x1;
	_ =	strace $0x80000049;
	[dreg:$0x1] =	wrdreg $0xFFFFFFFF  }
0xa7: {  	s28 =	simm.s32 $_size_execute0_lowered;
	s3 =	sadd.s32 s3, s5;
	[dreg:$0x0] =	wrdreg $0x0  }
0xa8: {  	s5 =	sshll.u32 s28, $0x1;
	[dreg:$0x2] =	wrdreg s3  }
0xa9: {  	[dreg:$0x3] =	wrdreg s5  }
0xaa: {  	[dreg:$0x4] =	wrdreg $0xC0  }
0xab: {  	_ =	task [dreg:s7], $0x5FFFF  }
0xac: {  	[dreg:$0x1] =	wrdreg $0xFFFFFFFF  }
0xad: {  	[dreg:$0x0] =	wrdreg $0x60  }
0xae: {  	[dreg:$0x2] =	wrdreg s24  }
0xaf: {  	[dreg:$0x3] =	wrdreg s2  }
0xb0: {  	[dreg:$0x4] =	wrdreg $0x9  }
0xb1: {  	_ =	task.clear_ibuf [dreg:s7], $0x5FFFF;
	_ =	strace $0x90000049  }
0xb2: {  	s29 =	simm.s32 $0x9;
	_ =	strace $0x8000004B  }
0xb3: {  	_ =	swait.ge [sflag:s29], $0x1  }
0xb4: {  	[sflag:s29] =	ssyncadd.s32 $0xFFFFFFFF  }
0xb5: {  	_ =	strace $0x9000004B  }
0xb6: {  	_ =	sfence  }
0xb7: {  	s30 =	sld [smem:$0x0];
	_ =	sdelay $0x2  }
0xb8: {  	s31 =	sshll.u32 s1, $0xD;
	s1 =	sshrl.u32 s1, $0x2  }
0xb9: {  	s3 =	sand.u32 $0x4000, s31;
	s1 =	sadd.s32 s1, s30  }
0xba: {  	s0 =	sor.u32 s3, s0;
	s1 =	sshll.u32 s1, $0x11  }
0xbb: {  	s0 =	sor.u32 s1, s0  }
0xbc: {  	s0 =	sadd.s32 $0x8F2B, s0  }
0xbd: {  	[sflag:s0] =	ssyncadd.remote.s32 $0x1  }
0xbe: {  	_ =	sfence.sel $0xFFFF  }
0xbf: {  	[dreg:$0x0] =	wrdreg $0xFFFFFFFF;
	(pc) =	sbr.abs _section_cstart, $3  }
0xc0: {  	[dreg:$0x1] =	wrdreg $0xFFFFFFFF  }
0xc1: {  	_ =	task.clear_ibuf [dreg:s7], $0x2FFFF;
	_ =	strace $0x9FFFFFFF  }
0xc2: {  	(tm) =	ssettm $0x7FFFFFFF  }
0xc3: {  	_ =	shalt  }
tec
execute0_lowered:
.L_overlay_start_1:
0x0: {  	(tag) =	ssettag $0x1  }
0x1: {  	s0 =	rddreg [dreg:$0x0]  }
0x2: {  	s1 =	rddreg [dreg:$0x1];
	s2 =	simm.s32 $0x0  }
0x3: {  	s4 =	srdreg.scid;
	s5 =	stileid.u32;
	s30 =	simm.s32 $0xF200  }
0x4: {  	s31 =	simm.s32 $0xFA00;
	[smem:$0x7FF] =	sst s2;
	s3 =	sadd.s32 $0x182A00, s0  }
0x5: {  	s4 =	sand.u32 $0x1, s4;
	s5 =	sshll.u32 s5, $0x1;
	s8 =	sadd.s32 $0x181800, s0  }
0x6: {  	s28 =	sadd.s32 $0x183100, s0;
	s6 =	ssub.s32 $0x2, s4;
	s4 =	sor.u32 s4, s5  }
0x7: {  	_ =	strace $0x8000004A;
	s5 =	sadd.s32 $0x180800, s0;
	s9 =	sshll.u32 s4, $0x7  }
0x8: {  	s7 =	sshrl.u32 s6, $0x1;
	s4 =	sshll.u32 s4, $0xE;
	s15 =	sadd.s32 s8, s9  }
0x9: {  	s16 =	sadd.s32 s5, s9;
	s11 =	sor.u32 $0x10, s9;
	[dreg:$0x3] =	wrdreg s15  }
0xa: {  	s10 =	ssub.s32 s6, s7;
	[dreg:$0x4] =	wrdreg s16;
	s12 =	sadd.s32 s8, s11  }
0xb: {  	s17 =	sor.u32 $0x20, s9;
	s11 =	sadd.s32 s5, s11;
	[dreg:$0x5] =	wrdreg s12  }
0xc: {  	s6 =	sadd.s32 $0x182B00, s0;
	s18 =	sadd.s32 s8, s17;
	[dreg:$0x6] =	wrdreg s11  }
0xd: {  	s20 =	sor.u32 $0x30, s9;
	s19 =	sadd.s32 s5, s17;
	[dreg:$0x8] =	wrdreg s18  }
0xe: {  	s21 =	sor.u32 $0x40, s9;
	s22 =	sadd.s32 s8, s20;
	[dreg:$0x9] =	wrdreg s19  }
0xf: {  	s7 =	sadd.s32 $0x182C00, s0;
	s23 =	sadd.s32 s8, s21;
	[dreg:$0xa] =	wrdreg s22  }
0x10: {  	s25 =	sor.u32 $0x50, s9;
	s24 =	sadd.s32 s5, s21;
	[dreg:$0xc] =	wrdreg s23  }
0x11: {  	s26 =	sor.u32 $0x60, s9;
	s29 =	sadd.s32 s8, s25;
	[dreg:$0xd] =	wrdreg s24  }
0x12: {  	s14 =	sor.u32 $0x70, s9;
	s13 =	sadd.s32 s5, s26;
	[dreg:$0xe] =	wrdreg s29  }
0x13: {  	s9 =	simm.s32 $0x7;
	s15 =	sadd.s32 s8, s14;
	[dreg:$0x11] =	wrdreg s13  }
0x14: {  	s21 =	sadd.s32 $0x182D00, s0;
	s16 =	smax.u32 s10, $0x1;
	[dreg:$0x12] =	wrdreg s15  }
0x15: {  	s11 =	sadd.s32 s1, s4;
	s1 =	sadd.s32 s5, s20;
	[dreg:$0x14] =	wrdreg s16  }
0x16: {  	s10 =	simm.s32 $0x2;
	s12 =	sadd.s32 s8, s26;
	[dreg:$0xb] =	wrdreg s1  }
0x17: {  	s23 =	sadd.s32 $0x182E00, s0;
	s24 =	sadd.s32 $0x182F00, s0;
	[dreg:$0x10] =	wrdreg s12  }
0x18: {  	s26 =	sadd.s32 $0x183000, s0;
	s1 =	sadd.s32 s5, s25;
	[dreg:$0x7] =	wrdreg s11  }
0x19: {  	s4 =	simm.s32 $0x8180;
	s17 =	sadd.s32 $0x800, s11;
	[dreg:$0xf] =	wrdreg s1  }
0x1a: {  	s0 =	simm.s32 $0x1;
	s18 =	sadd.s32 $0x1000, s11;
	[dreg:$0x15] =	wrdreg s17  }
0x1b: {  	s8 =	simm.s32 $0x10300;
	s19 =	sadd.s32 $0x1800, s11;
	[dreg:$0x16] =	wrdreg s18  }
0x1c: {  	s13 =	simm.s32 $0x4;
	s20 =	sadd.s32 $0x2000, s11;
	[dreg:$0x17] =	wrdreg s19  }
0x1d: {  	s15 =	simm.s32 $0x3;
	s22 =	sadd.s32 $0x2800, s11;
	[dreg:$0x18] =	wrdreg s20  }
0x1e: {  	s16 =	simm.s32 $0x5;
	s25 =	sadd.s32 $0x3000, s11;
	[dreg:$0x19] =	wrdreg s22  }
0x1f: {  	s29 =	sadd.s32 $0x3800, s11;
	s11 =	simm.s32 $0x80;
	[dreg:$0x1a] =	wrdreg s25  }
0x20: {  	v2 =	vlaneseq.u32;
	s12 =	simm.s32 $0x100;
	s1 =	sadd.s32 s5, s14;
	[dreg:$0x1b] =	wrdreg s29  }
0x21: {  	vm0 =	vmmov $0xffff;
	v1 =	vshrl.u32 v2, $0x3;
	s5 =	simm.s32 $0x8200;
	s14 =	simm.s32 $0x4100;
	s17 =	simm.s32 $0x6  }
0x22: {  	v0 =	vand.u32 $0x7, v2;
	v2 =	vor.u32 $0x8, v2;
	v1 =	vmul.u32 $0x8, v1;
	s18 =	simm.s32 $0x0;
	[dreg:$0x13] =	wrdreg s1;
	s1 =	simm.s32 $0x10280  }
.LBB2_1:
0x23: {  	s19 =	rddreg [dreg:$0x3]  }
0x24: {  	[tilespmem:s2], [sflag:$0x7] =	stream.linear.gather [hbm4b:s19+s2], $0x80, $0x38;
	[tilespmem:$0x18300] =	vst v63  }
0x25: {  	_ =	swait.ge [sflag:s9], $0x80  }
0x26: {  	[sflag:s9] =	ssyncset.done $0x0  }
0x27: {  	s25 =	rddreg [dreg:$0x4];
	[sflag:s9] =	ssyncadd.s32 $0xFFFFFF80  }
0x28: {  	[tilespmem:s11], [sflag:$0x7] =	stream.linear.gather [hbm4b:s25+s2], $0x80, $0x38;
	[tilespmem:$0x18300] =	vst v63  }
0x29: {  	_ =	swait.ge [sflag:s9], $0x80  }
0x2a: {  	[sflag:s9] =	ssyncset.done $0x0  }
0x2b: {  	[sflag:s9] =	ssyncadd.s32 $0xFFFFFF80  }
0x2c: {  	v3 =	vld [tilespmem:$0x0];
	_ =	sdelay $0x4  }
0x2d: {  	v4 =	vshll.u32 v3, $0x4  }
0x2e: {  	v3 =	vand.u32 $0x7, v3;
	v4 =	vand.u32 $0xFFFFFF80, v4  }
0x2f: {  	v3 =	vor.u32 v3, v4  }
0x30: {  	v4 =	vperm.xlane v3, v0;
	_ =	sdelay $0x1  }
0x31: {  	v4 =	vadd.s32 v1, v4;
	_ =	sdelay $0x4  }
0x32: {  	[tilespmem:s12], [sflag:$0x1] =	stream.indirect_vreg.gather [hbm4b:s3+s2], $0x80, v4, vm0, $0xb8;
	[tilespmem:$0x18300] =	vst v63  }
0x33: {  	s29 =	simm.s32 $0x900  }
0x34: {  	[tilespmem:s29], [sflag:$0x1] =	stream.indirect_vreg.gather [hbm4b:s6+s2], $0x80, v4, vm0, $0xb8;
	[tilespmem:$0x18300] =	vst v63  }
0x35: {  	s20 =	simm.s32 $0x1100  }
0x36: {  	[tilespmem:s20], [sflag:$0x1] =	stream.indirect_vreg.gather [hbm4b:s7+s2], $0x80, v4, vm0, $0xb8;
	[tilespmem:$0x18300] =	vst v63  }
0x37: {  	s22 =	simm.s32 $0x1900  }
0x38: {  	[tilespmem:s22], [sflag:$0x1] =	stream.indirect_vreg.gather [hbm4b:s21+s2], $0x80, v4, vm0, $0xb8;
	[tilespmem:$0x18300] =	vst v63  }
0x39: {  	s25 =	simm.s32 $0x2100  }
0x3a: {  	[tilespmem:s25], [sflag:$0x1] =	stream.indirect_vreg.gather [hbm4b:s23+s2], $0x80, v4, vm0, $0xb8;
	[tilespmem:$0x18300] =	vst v63  }
0x3b: {  	v3 =	vperm.xlane v3, v2;
	s29 =	simm.s32 $0x2900  }
0x3c: {  	[tilespmem:s29], [sflag:$0x1] =	stream.indirect_vreg.gather [hbm4b:s24+s2], $0x80, v4, vm0, $0xb8;
	[tilespmem:$0x18300] =	vst v63  }
0x3d: {  	v3 =	vadd.s32 v1, v3;
	s20 =	simm.s32 $0x3100  }
0x3e: {  	[tilespmem:s20], [sflag:$0x1] =	stream.indirect_vreg.gather [hbm4b:s26+s2], $0x80, v4, vm0, $0xb8;
	[tilespmem:$0x18300] =	vst v63  }
0x3f: {  	s22 =	simm.s32 $0x3900  }
0x40: {  	[tilespmem:s22], [sflag:$0x1] =	stream.indirect_vreg.gather [hbm4b:s28+s2], $0x80, v4, vm0, $0xb8;
	[tilespmem:$0x18300] =	vst v63  }
0x41: {  	_ = 	snop  }
0x42: {  	[tilespmem:s14], [sflag:$0x1] =	stream.indirect_vreg.gather [hbm4b:s3+s2], $0x80, v3, vm0, $0xb8;
	[tilespmem:$0x18300] =	vst v63  }
0x43: {  	s25 =	simm.s32 $0x4900  }
0x44: {  	[tilespmem:s25], [sflag:$0x1] =	stream.indirect_vreg.gather [hbm4b:s6+s2], $0x80, v3, vm0, $0xb8;
	[tilespmem:$0x18300] =	vst v63  }
0x45: {  	s29 =	simm.s32 $0x5100  }
0x46: {  	[tilespmem:s29], [sflag:$0x1] =	stream.indirect_vreg.gather [hbm4b:s7+s2], $0x80, v3, vm0, $0xb8;
	[tilespmem:$0x18300] =	vst v63  }
0x47: {  	s20 =	simm.s32 $0x5900  }
0x48: {  	[tilespmem:s20], [sflag:$0x1] =	stream.indirect_vreg.gather [hbm4b:s21+s2], $0x80, v3, vm0, $0xb8;
	[tilespmem:$0x18300] =	vst v63  }
0x49: {  	s22 =	simm.s32 $0x6100  }
0x4a: {  	[tilespmem:s22], [sflag:$0x1] =	stream.indirect_vreg.gather [hbm4b:s23+s2], $0x80, v3, vm0, $0xb8;
	[tilespmem:$0x18300] =	vst v63  }
0x4b: {  	s25 =	simm.s32 $0x6900  }
0x4c: {  	[tilespmem:s25], [sflag:$0x1] =	stream.indirect_vreg.gather [hbm4b:s24+s2], $0x80, v3, vm0, $0xb8;
	[tilespmem:$0x18300] =	vst v63  }
0x4d: {  	s29 =	simm.s32 $0x7100  }
0x4e: {  	[tilespmem:s29], [sflag:$0x1] =	stream.indirect_vreg.gather [hbm4b:s26+s2], $0x80, v3, vm0, $0xb8;
	[tilespmem:$0x18300] =	vst v63  }
0x4f: {  	s20 =	simm.s32 $0x7900  }
0x50: {  	[tilespmem:s20], [sflag:$0x1] =	stream.indirect_vreg.gather [hbm4b:s28+s2], $0x80, v3, vm0, $0xb8;
	[tilespmem:$0x18300] =	vst v63  }
0x51: {  	s22 =	rddreg [dreg:$0x5];
	s20 =	simm.s32 $0x8100  }
0x52: {  	[tilespmem:s20], [sflag:$0x7] =	stream.linear.gather [hbm4b:s22+s2], $0x80, $0x38;
	[tilespmem:$0x18300] =	vst v63  }
0x53: {  	_ =	swait.ge [sflag:s9], $0x80  }
0x54: {  	[sflag:s9] =	ssyncset.done $0x0  }
0x55: {  	s25 =	rddreg [dreg:$0x6];
	[sflag:s9] =	ssyncadd.s32 $0xFFFFFF80  }
0x56: {  	[tilespmem:s4], [sflag:$0x7] =	stream.linear.gather [hbm4b:s25+s2], $0x80, $0x38;
	[tilespmem:$0x18300] =	vst v63  }
0x57: {  	_ =	swait.ge [sflag:s9], $0x80  }
0x58: {  	[sflag:s9] =	ssyncset.done $0x0  }
0x59: {  	[sflag:s9] =	ssyncadd.s32 $0xFFFFFF80  }
0x5a: {  	v3 =	vld [tilespmem:$0x8100];
	_ =	sdelay $0x4  }
0x5b: {  	v63 =	vshll.u32 v3, $0x4  }
0x5c: {  	v3 =	vand.u32 $0x7, v3;
	v4 =	vand.u32 $0xFFFFFF80, v63  }
0x5d: {  	v3 =	vor.u32 v3, v4  }
0x5e: {  	v4 =	vperm.xlane v3, v0;
	_ =	sdelay $0x1  }
0x5f: {  	v4 =	vadd.s32 v1, v4;
	_ =	sdelay $0x4  }
0x60: {  	[tilespmem:s5], [sflag:$0x2] =	stream.indirect_vreg.gather [hbm4b:s3+s2], $0x80, v4, vm0, $0xb8;
	[tilespmem:$0x18300] =	vst v63  }
0x61: {  	s29 =	simm.s32 $0x8A00  }
0x62: {  	[tilespmem:s29], [sflag:$0x2] =	stream.indirect_vreg.gather [hbm4b:s6+s2], $0x80, v4, vm0, $0xb8;
	[tilespmem:$0x18300] =	vst v63  }
0x63: {  	s20 =	simm.s32 $0x9200  }
0x64: {  	[tilespmem:s20], [sflag:$0x2] =	stream.indirect_vreg.gather [hbm4b:s7+s2], $0x80, v4, vm0, $0xb8;
	[tilespmem:$0x18300] =	vst v63  }
0x65: {  	s22 =	simm.s32 $0x9A00  }
0x66: {  	[tilespmem:s22], [sflag:$0x2] =	stream.indirect_vreg.gather [hbm4b:s21+s2], $0x80, v4, vm0, $0xb8;
	[tilespmem:$0x18300] =	vst v63  }
0x67: {  	s25 =	simm.s32 $0xA200  }
0x68: {  	[tilespmem:s25], [sflag:$0x2] =	stream.indirect_vreg.gather [hbm4b:s23+s2], $0x80, v4, vm0, $0xb8;
	[tilespmem:$0x18300] =	vst v63  }
0x69: {  	v3 =	vperm.xlane v3, v2;
	s29 =	simm.s32 $0xAA00  }
0x6a: {  	[tilespmem:s29], [sflag:$0x2] =	stream.indirect_vreg.gather [hbm4b:s24+s2], $0x80, v4, vm0, $0xb8;
	[tilespmem:$0x18300] =	vst v63  }
0x6b: {  	v3 =	vadd.s32 v1, v3;
	s20 =	simm.s32 $0xB200  }
0x6c: {  	[tilespmem:s20], [sflag:$0x2] =	stream.indirect_vreg.gather [hbm4b:s26+s2], $0x80, v4, vm0, $0xb8;
	[tilespmem:$0x18300] =	vst v63  }
0x6d: {  	s22 =	simm.s32 $0xBA00  }
0x6e: {  	[tilespmem:s22], [sflag:$0x2] =	stream.indirect_vreg.gather [hbm4b:s28+s2], $0x80, v4, vm0, $0xb8;
	[tilespmem:$0x18300] =	vst v63  }
0x6f: {  	s25 =	simm.s32 $0xC200  }
0x70: {  	[tilespmem:s25], [sflag:$0x2] =	stream.indirect_vreg.gather [hbm4b:s3+s2], $0x80, v3, vm0, $0xb8;
	[tilespmem:$0x18300] =	vst v63  }
0x71: {  	s29 =	simm.s32 $0xCA00  }
0x72: {  	[tilespmem:s29], [sflag:$0x2] =	stream.indirect_vreg.gather [hbm4b:s6+s2], $0x80, v3, vm0, $0xb8;
	[tilespmem:$0x18300] =	vst v63  }
0x73: {  	s20 =	simm.s32 $0xD200  }
0x74: {  	[tilespmem:s20], [sflag:$0x2] =	stream.indirect_vreg.gather [hbm4b:s7+s2], $0x80, v3, vm0, $0xb8;
	[tilespmem:$0x18300] =	vst v63  }
0x75: {  	s22 =	simm.s32 $0xDA00  }
0x76: {  	[tilespmem:s22], [sflag:$0x2] =	stream.indirect_vreg.gather [hbm4b:s21+s2], $0x80, v3, vm0, $0xb8;
	[tilespmem:$0x18300] =	vst v63  }
0x77: {  	s25 =	simm.s32 $0xE200  }
0x78: {  	[tilespmem:s25], [sflag:$0x2] =	stream.indirect_vreg.gather [hbm4b:s23+s2], $0x80, v3, vm0, $0xb8;
	[tilespmem:$0x18300] =	vst v63  }
0x79: {  	s29 =	simm.s32 $0xEA00  }
0x7a: {  	[tilespmem:s29], [sflag:$0x2] =	stream.indirect_vreg.gather [hbm4b:s24+s2], $0x80, v3, vm0, $0xb8;
	[tilespmem:$0x18300] =	vst v63  }
0x7b: {  	_ = 	snop  }
0x7c: {  	[tilespmem:s30], [sflag:$0x2] =	stream.indirect_vreg.gather [hbm4b:s26+s2], $0x80, v3, vm0, $0xb8;
	[tilespmem:$0x18300] =	vst v63  }
0x7d: {  	_ = 	snop  }
0x7e: {  	[tilespmem:s31], [sflag:$0x2] =	stream.indirect_vreg.gather [hbm4b:s28+s2], $0x80, v3, vm0, $0xb8;
	[tilespmem:$0x18300] =	vst v63  }
0x7f: {  	_ =	swait.ge [sflag:s0], $0x8000  }
0x80: {  	[sflag:s0] =	ssyncset.done $0x0  }
0x81: {  	s20 =	simm.s32 $0x0;
	s22 =	simm.s32 $0x4100;
	[sflag:s0] =	ssyncadd.s32 $0xFFFF8000  }
.LBB2_2:
0x82: {  	v3 =	vmov s20;
	s19 =	sor.u32 $0x8, s20;
	v5 =	vld [tilespmem:s22+$0xFFFFC070]  }
0x83: {  	v6 =	vld [tilespmem:s22+$0x70];
	v4 =	vmov s19  }
0x84: {  	v8 =	vld [tilespmem:s22+$0x0]  }
0x85: {  	v7 =	vld [tilespmem:s22+$0xFFFFC010]  }
0x86: {  	v9 =	vld [tilespmem:s22+$0x10]  }
0x87: {  	v3 =	vld.idx.msk [tilespmem:v3+s11+$0x0], $0xffff  }
0x88: {  	v4 =	vld.idx.msk [tilespmem:v4+s11+$0x0], $0xffff  }
0x89: {  	v10 =	vld [tilespmem:s22+$0xFFFFC020]  }
0x8a: {  	v11 =	vld [tilespmem:s22+$0x20]  }
0x8b: {  	v12 =	vld [tilespmem:s22+$0xFFFFC030]  }
0x8c: {  	v13 =	vld [tilespmem:s22+$0x30]  }
0x8d: {  	v14 =	vld [tilespmem:s22+$0xFFFFC040];
	v5 =	vmul.f32 v5, v3;
	v6 =	vmul.f32 v6, v4  }
0x8e: {  	v16 =	vld [tilespmem:s22+$0x40];
	v15 =	vmul.f32 v7, v3;
	v9 =	vmul.f32 v9, v4  }
0x8f: {  	v10 =	vmul.f32 v10, v3;
	v7 =	vld [tilespmem:s22+$0xFFFFC050];
	v11 =	vmul.f32 v11, v4;
	v5 =	vadd.f32 v6, v5  }
0x90: {  	v15 =	vadd.f32 v9, v15;
	v6 =	vld [tilespmem:s22+$0x50]  }
0x91: {  	v12 =	vmul.f32 v12, v3;
	v13 =	vmul.f32 v13, v4;
	v17 =	vadd.f32 v11, v10;
	v9 =	vld [tilespmem:s22+$0xFFFFC060];
	[tilespmem:s22+$0xFFFFC070] =	vst v5  }
0x92: {  	v10 =	vld [tilespmem:s22+$0x60];
	v11 =	vmul.f32 v14, v3;
	[tilespmem:s22+$0xFFFFC010] =	vst v15  }
0x93: {  	s25 =	simm.s32 $0x0;
	s29 =	sadd.s32 $0x400, s22;
	s19 =	smov.u32 s22;
	v12 =	vadd.f32 v13, v12;
	v13 =	vmul.f32 v16, v4;
	v5 =	vmul.f32 v8, v4;
	v8 =	vld [tilespmem:s22+$0xFFFFC000];
	[tilespmem:s22+$0xFFFFC020] =	vst v17  }
.LBB2_3:
0x94: {  	v14 =	vld [tilespmem:s29+$0xFFFFC070];
	v7 =	vmul.f32 v7, v3  }
0x95: {  	s25 =	sadd.s32 $0x8, s25;
	v15 =	vld [tilespmem:s29+$0x70];
	[tilespmem:s19+$0xFFFFC030] =	vst v12;
	v11 =	vadd.f32 v13, v11;
	v6 =	vmul.f32 v6, v4  }
0x96: {  	p0 =	slt.u32 s25, $0x78;
	v12 =	vld [tilespmem:s29+$0x0];
	v9 =	vmul.f32 v9, v3  }
0x97: {  	v13 =	vld [tilespmem:s29+$0xFFFFC010];
	[tilespmem:s19+$0xFFFFC040] =	vst v11;
	v6 =	vadd.f32 v6, v7;
	v7 =	vmul.f32 v10, v4  }
0x98: {  	v10 =	vld [tilespmem:s29+$0x10];
	v8 =	vmul.f32 v8, v3  }
0x99: {  	v11 =	vld [tilespmem:s29+$0xFFFFC020];
	[tilespmem:s19+$0xFFFFC050] =	vst v6;
	v6 =	vadd.f32 v7, v9  }
0x9a: {  	v9 =	vmul.f32 v14, v3;
	v7 =	vld [tilespmem:s29+$0x20];
	v14 =	vmul.f32 v15, v4;
	v8 =	vadd.f32 v5, v8  }
0x9b: {  	v5 =	vmul.f32 v12, v4;
	v12 =	vld [tilespmem:s29+$0xFFFFC030];
	[tilespmem:s19+$0xFFFFC060] =	vst v6  }
0x9c: {  	v6 =	vmul.f32 v13, v3;
	v13 =	vld [tilespmem:s29+$0x30];
	v9 =	vadd.f32 v14, v9;
	[tilespmem:s19+$0xFFFFC000] =	vst v8;
	s19 =	smov.u32 s29  }
0x9d: {  	v8 =	vmul.f32 v10, v4;
	v10 =	vld [tilespmem:s29+$0xFFFFC040]  }
0x9e: {  	v11 =	vmul.f32 v11, v3;
	v14 =	vld [tilespmem:s29+$0x40];
	[tilespmem:s29+$0xFFFFC070] =	vst v9  }
.Ltmp0:
0x9f: {  	v8 =	vadd.f32 v8, v6;
	v9 =	vmul.f32 v7, v4;
	v7 =	vld [tilespmem:s29+$0xFFFFC050];
	(pc) =	sbr.rel @p0 .LBB2_3-.Ltmp0, $4  }
0xa0: {  	v12 =	vmul.f32 v12, v3;
	v6 =	vld [tilespmem:s29+$0x50]  }
0xa1: {  	[tilespmem:s29+$0xFFFFC010] =	vst v8;
	v15 =	vadd.f32 v9, v11;
	v13 =	vmul.f32 v13, v4;
	v9 =	vld [tilespmem:s29+$0xFFFFC060]  }
0xa2: {  	v11 =	vmul.f32 v10, v3;
	v10 =	vld [tilespmem:s29+$0x60]  }
0xa3: {  	s29 =	sadd.s32 $0x400, s29;
	v8 =	vld [tilespmem:s19+$0xFFFFC000];
	[tilespmem:s19+$0xFFFFC020] =	vst v15;
	v12 =	vadd.f32 v13, v12;
	v13 =	vmul.f32 v14, v4  }
0xa4: {  	_ =	sdelay $0x1  }
0xa5: {  	v7 =	vmul.f32 v7, v3;
	s20 =	sadd.s32 $0x1, s20;
	v6 =	vmul.f32 v6, v4  }
0xa6: {  	v11 =	vadd.f32 v13, v11;
	p0 =	sne.s32 s20, $0x8;
	v9 =	vmul.f32 v9, v3;
	v63 =	vmul.f32 v10, v4  }
.Ltmp1:
0xa7: {  	[tilespmem:s19+$0xFFFFC030] =	vst v12;
	v6 =	vadd.f32 v6, v7;
	v3 =	vmul.f32 v8, v3;
	(pc) =	sbr.rel @p0 .LBB2_2-.Ltmp1, $4  }
0xa8: {  	[tilespmem:s19+$0xFFFFC040] =	vst v11;
	v4 =	vadd.f32 v63, v9  }
0xa9: {  	[tilespmem:s19+$0xFFFFC050] =	vst v6;
	v3 =	vadd.f32 v5, v3  }
0xaa: {  	[tilespmem:s19+$0xFFFFC060] =	vst v4  }
0xab: {  	s22 =	sadd.s32 $0x80, s22;
	[tilespmem:s19+$0xFFFFC000] =	vst v3  }
0xac: {  	s19 =	simm.s32 $0x0;
	s20 =	rddreg [dreg:$0x7]  }
0xad: {  	[hbm4b:s20+s19] =	stream.linear.scatter [tilespmem:s12], [sflag:$0x4], $0x4000, $0x38;
	[tilespmem:$0x18300] =	vst v63  }
0xae: {  	s25 =	rddreg [dreg:$0x8];
	s22 =	simm.s32 $0x10200  }
0xaf: {  	[tilespmem:s22], [sflag:$0x7] =	stream.linear.gather [hbm4b:s25+s19], $0x80, $0x38;
	[tilespmem:$0x18300] =	vst v63  }
0xb0: {  	_ =	swait.ge [sflag:s9], $0x80  }
0xb1: {  	[sflag:s9] =	ssyncset.done $0x0  }
0xb2: {  	s29 =	rddreg [dreg:$0x9];
	[sflag:s9] =	ssyncadd.s32 $0xFFFFFF80  }
0xb3: {  	[tilespmem:s1], [sflag:$0x7] =	stream.linear.gather [hbm4b:s29+s19], $0x80, $0x38;
	[tilespmem:$0x18300] =	vst v63  }
0xb4: {  	_ =	swait.ge [sflag:s9], $0x80  }
0xb5: {  	[sflag:s9] =	ssyncset.done $0x0  }
0xb6: {  	[sflag:s9] =	ssyncadd.s32 $0xFFFFFF80  }
0xb7: {  	v3 =	vld [tilespmem:$0x10200];
	_ =	sdelay $0x4  }
0xb8: {  	v4 =	vshll.u32 v3, $0x4  }
0xb9: {  	v3 =	vand.u32 $0x7, v3;
	v4 =	vand.u32 $0xFFFFFF80, v4  }
0xba: {  	v3 =	vor.u32 v3, v4  }
0xbb: {  	v4 =	vperm.xlane v3, v0;
	_ =	sdelay $0x1  }
0xbc: {  	v4 =	vadd.s32 v1, v4;
	_ =	sdelay $0x4  }
0xbd: {  	[tilespmem:s8], [sflag:$0x3] =	stream.indirect_vreg.gather [hbm4b:s3+s19], $0x80, v4, vm0, $0xb8;
	[tilespmem:$0x18300] =	vst v63  }
0xbe: {  	s22 =	simm.s32 $0x10B00  }
0xbf: {  	[tilespmem:s22], [sflag:$0x3] =	stream.indirect_vreg.gather [hbm4b:s6+s19], $0x80, v4, vm0, $0xb8;
	[tilespmem:$0x18300] =	vst v63  }
0xc0: {  	s25 =	simm.s32 $0x11300  }
0xc1: {  	[tilespmem:s25], [sflag:$0x3] =	stream.indirect_vreg.gather [hbm4b:s7+s19], $0x80, v4, vm0, $0xb8;
	[tilespmem:$0x18300] =	vst v63  }
0xc2: {  	s29 =	simm.s32 $0x11B00  }
0xc3: {  	[tilespmem:s29], [sflag:$0x3] =	stream.indirect_vreg.gather [hbm4b:s21+s19], $0x80, v4, vm0, $0xb8;
	[tilespmem:$0x18300] =	vst v63  }
0xc4: {  	s22 =	simm.s32 $0x12300  }
0xc5: {  	[tilespmem:s22], [sflag:$0x3] =	stream.indirect_vreg.gather [hbm4b:s23+s19], $0x80, v4, vm0, $0xb8;
	[tilespmem:$0x18300] =	vst v63  }
0xc6: {  	v3 =	vperm.xlane v3, v2;
	s25 =	simm.s32 $0x12B00  }
0xc7: {  	[tilespmem:s25], [sflag:$0x3] =	stream.indirect_vreg.gather [hbm4b:s24+s19], $0x80, v4, vm0, $0xb8;
	[tilespmem:$0x18300] =	vst v63  }
0xc8: {  	v3 =	vadd.s32 v1, v3;
	s29 =	simm.s32 $0x13300  }
0xc9: {  	[tilespmem:s29], [sflag:$0x3] =	stream.indirect_vreg.gather [hbm4b:s26+s19], $0x80, v4, vm0, $0xb8;
	[tilespmem:$0x18300] =	vst v63  }
0xca: {  	s22 =	simm.s32 $0x13B00  }
0xcb: {  	[tilespmem:s22], [sflag:$0x3] =	stream.indirect_vreg.gather [hbm4b:s28+s19], $0x80, v4, vm0, $0xb8;
	[tilespmem:$0x18300] =	vst v63  }
0xcc: {  	s25 =	simm.s32 $0x14300  }
0xcd: {  	[tilespmem:s25], [sflag:$0x3] =	stream.indirect_vreg.gather [hbm4b:s3+s19], $0x80, v3, vm0, $0xb8;
	[tilespmem:$0x18300] =	vst v63  }
0xce: {  	s29 =	simm.s32 $0x14B00  }
0xcf: {  	[tilespmem:s29], [sflag:$0x3] =	stream.indirect_vreg.gather [hbm4b:s6+s19], $0x80, v3, vm0, $0xb8;
	[tilespmem:$0x18300] =	vst v63  }
0xd0: {  	s22 =	simm.s32 $0x15300  }
0xd1: {  	[tilespmem:s22], [sflag:$0x3] =	stream.indirect_vreg.gather [hbm4b:s7+s19], $0x80, v3, vm0, $0xb8;
	[tilespmem:$0x18300] =	vst v63  }
0xd2: {  	s25 =	simm.s32 $0x15B00  }
0xd3: {  	[tilespmem:s25], [sflag:$0x3] =	stream.indirect_vreg.gather [hbm4b:s21+s19], $0x80, v3, vm0, $0xb8;
	[tilespmem:$0x18300] =	vst v63  }
0xd4: {  	s29 =	simm.s32 $0x16300  }
0xd5: {  	[tilespmem:s29], [sflag:$0x3] =	stream.indirect_vreg.gather [hbm4b:s23+s19], $0x80, v3, vm0, $0xb8;
	[tilespmem:$0x18300] =	vst v63  }
0xd6: {  	s22 =	simm.s32 $0x16B00  }
0xd7: {  	[tilespmem:s22], [sflag:$0x3] =	stream.indirect_vreg.gather [hbm4b:s24+s19], $0x80, v3, vm0, $0xb8;
	[tilespmem:$0x18300] =	vst v63  }
0xd8: {  	s25 =	simm.s32 $0x17300  }
0xd9: {  	[tilespmem:s25], [sflag:$0x3] =	stream.indirect_vreg.gather [hbm4b:s26+s19], $0x80, v3, vm0, $0xb8;
	[tilespmem:$0x18300] =	vst v63  }
0xda: {  	s29 =	simm.s32 $0x17B00  }
0xdb: {  	[tilespmem:s29], [sflag:$0x3] =	stream.indirect_vreg.gather [hbm4b:s28+s19], $0x80, v3, vm0, $0xb8;
	[tilespmem:$0x18300] =	vst v63  }
0xdc: {  	_ =	swait.ge [sflag:s10], $0x8000  }
0xdd: {  	[sflag:s10] =	ssyncset.done $0x0  }
0xde: {  	s20 =	simm.s32 $0xC200;
	[sflag:s10] =	ssyncadd.s32 $0xFFFF8000  }
.LBB2_6:
0xdf: {  	v3 =	vmov s19;
	s22 =	sor.u32 $0x8, s19;
	v5 =	vld [tilespmem:s20+$0xFFFFC070]  }
0xe0: {  	v6 =	vld [tilespmem:s20+$0x70];
	v4 =	vmov s22  }
0xe1: {  	v8 =	vld [tilespmem:s20+$0x0]  }
0xe2: {  	v7 =	vld [tilespmem:s20+$0xFFFFC010]  }
0xe3: {  	v9 =	vld [tilespmem:s20+$0x10]  }
0xe4: {  	v3 =	vld.idx.msk [tilespmem:v3+s4+$0x0], $0xffff  }
0xe5: {  	v4 =	vld.idx.msk [tilespmem:v4+s4+$0x0], $0xffff  }
0xe6: {  	v10 =	vld [tilespmem:s20+$0xFFFFC020]  }
0xe7: {  	v11 =	vld [tilespmem:s20+$0x20]  }
0xe8: {  	v12 =	vld [tilespmem:s20+$0xFFFFC030]  }
0xe9: {  	v13 =	vld [tilespmem:s20+$0x30]  }
0xea: {  	v14 =	vld [tilespmem:s20+$0xFFFFC040];
	v5 =	vmul.f32 v5, v3;
	v6 =	vmul.f32 v6, v4  }
0xeb: {  	v16 =	vld [tilespmem:s20+$0x40];
	v15 =	vmul.f32 v7, v3;
	v9 =	vmul.f32 v9, v4  }
0xec: {  	v10 =	vmul.f32 v10, v3;
	v7 =	vld [tilespmem:s20+$0xFFFFC050];
	v11 =	vmul.f32 v11, v4;
	v5 =	vadd.f32 v6, v5  }
0xed: {  	v15 =	vadd.f32 v9, v15;
	v6 =	vld [tilespmem:s20+$0x50]  }
0xee: {  	v12 =	vmul.f32 v12, v3;
	v13 =	vmul.f32 v13, v4;
	v17 =	vadd.f32 v11, v10;
	v9 =	vld [tilespmem:s20+$0xFFFFC060];
	[tilespmem:s20+$0xFFFFC070] =	vst v5  }
0xef: {  	v10 =	vld [tilespmem:s20+$0x60];
	v11 =	vmul.f32 v14, v3;
	[tilespmem:s20+$0xFFFFC010] =	vst v15  }
0xf0: {  	s25 =	simm.s32 $0x0;
	s29 =	sadd.s32 $0x400, s20;
	s22 =	smov.u32 s20;
	v12 =	vadd.f32 v13, v12;
	v13 =	vmul.f32 v16, v4;
	v5 =	vmul.f32 v8, v4;
	v8 =	vld [tilespmem:s20+$0xFFFFC000];
	[tilespmem:s20+$0xFFFFC020] =	vst v17  }
.LBB2_7:
0xf1: {  	v14 =	vld [tilespmem:s29+$0xFFFFC070];
	v7 =	vmul.f32 v7, v3  }
0xf2: {  	s25 =	sadd.s32 $0x8, s25;
	v15 =	vld [tilespmem:s29+$0x70];
	[tilespmem:s22+$0xFFFFC030] =	vst v12;
	v11 =	vadd.f32 v13, v11;
	v6 =	vmul.f32 v6, v4  }
0xf3: {  	p0 =	slt.u32 s25, $0x78;
	v12 =	vld [tilespmem:s29+$0x0];
	v9 =	vmul.f32 v9, v3  }
0xf4: {  	v13 =	vld [tilespmem:s29+$0xFFFFC010];
	[tilespmem:s22+$0xFFFFC040] =	vst v11;
	v6 =	vadd.f32 v6, v7;
	v7 =	vmul.f32 v10, v4  }
0xf5: {  	v10 =	vld [tilespmem:s29+$0x10];
	v8 =	vmul.f32 v8, v3  }
0xf6: {  	v11 =	vld [tilespmem:s29+$0xFFFFC020];
	[tilespmem:s22+$0xFFFFC050] =	vst v6;
	v6 =	vadd.f32 v7, v9  }
0xf7: {  	v9 =	vmul.f32 v14, v3;
	v7 =	vld [tilespmem:s29+$0x20];
	v14 =	vmul.f32 v15, v4;
	v8 =	vadd.f32 v5, v8  }
0xf8: {  	v5 =	vmul.f32 v12, v4;
	v12 =	vld [tilespmem:s29+$0xFFFFC030];
	[tilespmem:s22+$0xFFFFC060] =	vst v6  }
0xf9: {  	v6 =	vmul.f32 v13, v3;
	v13 =	vld [tilespmem:s29+$0x30];
	v9 =	vadd.f32 v14, v9;
	[tilespmem:s22+$0xFFFFC000] =	vst v8;
	s22 =	smov.u32 s29  }
0xfa: {  	v8 =	vmul.f32 v10, v4;
	v10 =	vld [tilespmem:s29+$0xFFFFC040]  }
0xfb: {  	v11 =	vmul.f32 v11, v3;
	v14 =	vld [tilespmem:s29+$0x40];
	[tilespmem:s29+$0xFFFFC070] =	vst v9  }
.Ltmp2:
0xfc: {  	v8 =	vadd.f32 v8, v6;
	v9 =	vmul.f32 v7, v4;
	v7 =	vld [tilespmem:s29+$0xFFFFC050];
	(pc) =	sbr.rel @p0 .LBB2_7-.Ltmp2, $4  }
0xfd: {  	v12 =	vmul.f32 v12, v3;
	v6 =	vld [tilespmem:s29+$0x50]  }
0xfe: {  	[tilespmem:s29+$0xFFFFC010] =	vst v8;
	v15 =	vadd.f32 v9, v11;
	v13 =	vmul.f32 v13, v4;
	v9 =	vld [tilespmem:s29+$0xFFFFC060]  }
0xff: {  	v11 =	vmul.f32 v10, v3;
	v10 =	vld [tilespmem:s29+$0x60]  }
0x100: {  	s29 =	sadd.s32 $0x400, s29;
	v8 =	vld [tilespmem:s22+$0xFFFFC000];
	[tilespmem:s22+$0xFFFFC020] =	vst v15;
	v12 =	vadd.f32 v13, v12;
	v13 =	vmul.f32 v14, v4  }
0x101: {  	_ =	sdelay $0x1  }
0x102: {  	v7 =	vmul.f32 v7, v3;
	s19 =	sadd.s32 $0x1, s19;
	v6 =	vmul.f32 v6, v4  }
0x103: {  	v11 =	vadd.f32 v13, v11;
	p0 =	sne.s32 s19, $0x8;
	v9 =	vmul.f32 v9, v3;
	v63 =	vmul.f32 v10, v4  }
.Ltmp3:
0x104: {  	[tilespmem:s22+$0xFFFFC030] =	vst v12;
	v6 =	vadd.f32 v6, v7;
	v3 =	vmul.f32 v8, v3;
	(pc) =	sbr.rel @p0 .LBB2_6-.Ltmp3, $4  }
0x105: {  	[tilespmem:s22+$0xFFFFC040] =	vst v11;
	v4 =	vadd.f32 v63, v9  }
0x106: {  	[tilespmem:s22+$0xFFFFC050] =	vst v6;
	v3 =	vadd.f32 v5, v3  }
0x107: {  	[tilespmem:s22+$0xFFFFC060] =	vst v4  }
0x108: {  	s20 =	sadd.s32 $0x80, s20;
	[tilespmem:s22+$0xFFFFC000] =	vst v3  }
0x109: {  	s19 =	simm.s32 $0x0;
	s20 =	rddreg [dreg:$0x15]  }
0x10a: {  	[hbm4b:s20+s19] =	stream.linear.scatter [tilespmem:s5], [sflag:$0x5], $0x4000, $0x38;
	[tilespmem:$0x18300] =	vst v63  }
0x10b: {  	_ =	swait.ge [sflag:s13], $0x4000  }
0x10c: {  	[sflag:s13] =	ssyncset.done $0x0  }
0x10d: {  	s29 =	rddreg [dreg:$0xa];
	[sflag:s13] =	ssyncadd.s32 $0xFFFFC000  }
0x10e: {  	[tilespmem:s19], [sflag:$0x7] =	stream.linear.gather [hbm4b:s29+s19], $0x80, $0x38;
	[tilespmem:$0x18300] =	vst v63  }
0x10f: {  	_ =	swait.ge [sflag:s9], $0x80  }
0x110: {  	[sflag:s9] =	ssyncset.done $0x0  }
0x111: {  	s22 =	rddreg [dreg:$0xb];
	[sflag:s9] =	ssyncadd.s32 $0xFFFFFF80  }
0x112: {  	[tilespmem:s11], [sflag:$0x7] =	stream.linear.gather [hbm4b:s22+s19], $0x80, $0x38;
	[tilespmem:$0x18300] =	vst v63  }
0x113: {  	_ =	swait.ge [sflag:s9], $0x80  }
0x114: {  	[sflag:s9] =	ssyncset.done $0x0  }
0x115: {  	[sflag:s9] =	ssyncadd.s32 $0xFFFFFF80  }
0x116: {  	v3 =	vld [tilespmem:$0x0];
	_ =	sdelay $0x4  }
0x117: {  	v4 =	vshll.u32 v3, $0x4  }
0x118: {  	v3 =	vand.u32 $0x7, v3;
	v4 =	vand.u32 $0xFFFFFF80, v4  }
0x119: {  	v3 =	vor.u32 v3, v4  }
0x11a: {  	v4 =	vperm.xlane v3, v0;
	_ =	sdelay $0x1  }
0x11b: {  	v4 =	vadd.s32 v1, v4;
	_ =	sdelay $0x4  }
0x11c: {  	[tilespmem:s12], [sflag:$0x1] =	stream.indirect_vreg.gather [hbm4b:s3+s19], $0x80, v4, vm0, $0xb8;
	[tilespmem:$0x18300] =	vst v63  }
0x11d: {  	s25 =	simm.s32 $0x900  }
0x11e: {  	[tilespmem:s25], [sflag:$0x1] =	stream.indirect_vreg.gather [hbm4b:s6+s19], $0x80, v4, vm0, $0xb8;
	[tilespmem:$0x18300] =	vst v63  }
0x11f: {  	s29 =	simm.s32 $0x1100  }
0x120: {  	[tilespmem:s29], [sflag:$0x1] =	stream.indirect_vreg.gather [hbm4b:s7+s19], $0x80, v4, vm0, $0xb8;
	[tilespmem:$0x18300] =	vst v63  }
0x121: {  	s22 =	simm.s32 $0x1900  }
0x122: {  	[tilespmem:s22], [sflag:$0x1] =	stream.indirect_vreg.gather [hbm4b:s21+s19], $0x80, v4, vm0, $0xb8;
	[tilespmem:$0x18300] =	vst v63  }
0x123: {  	s25 =	simm.s32 $0x2100  }
0x124: {  	[tilespmem:s25], [sflag:$0x1] =	stream.indirect_vreg.gather [hbm4b:s23+s19], $0x80, v4, vm0, $0xb8;
	[tilespmem:$0x18300] =	vst v63  }
0x125: {  	v3 =	vperm.xlane v3, v2;
	s29 =	simm.s32 $0x2900  }
0x126: {  	[tilespmem:s29], [sflag:$0x1] =	stream.indirect_vreg.gather [hbm4b:s24+s19], $0x80, v4, vm0, $0xb8;
	[tilespmem:$0x18300] =	vst v63  }
0x127: {  	v3 =	vadd.s32 v1, v3;
	s22 =	simm.s32 $0x3100  }
0x128: {  	[tilespmem:s22], [sflag:$0x1] =	stream.indirect_vreg.gather [hbm4b:s26+s19], $0x80, v4, vm0, $0xb8;
	[tilespmem:$0x18300] =	vst v63  }
0x129: {  	s25 =	simm.s32 $0x3900  }
0x12a: {  	[tilespmem:s25], [sflag:$0x1] =	stream.indirect_vreg.gather [hbm4b:s28+s19], $0x80, v4, vm0, $0xb8;
	[tilespmem:$0x18300] =	vst v63  }
0x12b: {  	_ = 	snop  }
0x12c: {  	[tilespmem:s14], [sflag:$0x1] =	stream.indirect_vreg.gather [hbm4b:s3+s19], $0x80, v3, vm0, $0xb8;
	[tilespmem:$0x18300] =	vst v63  }
0x12d: {  	s29 =	simm.s32 $0x4900  }
0x12e: {  	[tilespmem:s29], [sflag:$0x1] =	stream.indirect_vreg.gather [hbm4b:s6+s19], $0x80, v3, vm0, $0xb8;
	[tilespmem:$0x18300] =	vst v63  }
0x12f: {  	s22 =	simm.s32 $0x5100  }
0x130: {  	[tilespmem:s22], [sflag:$0x1] =	stream.indirect_vreg.gather [hbm4b:s7+s19], $0x80, v3, vm0, $0xb8;
	[tilespmem:$0x18300] =	vst v63  }
0x131: {  	s25 =	simm.s32 $0x5900  }
0x132: {  	[tilespmem:s25], [sflag:$0x1] =	stream.indirect_vreg.gather [hbm4b:s21+s19], $0x80, v3, vm0, $0xb8;
	[tilespmem:$0x18300] =	vst v63  }
0x133: {  	s29 =	simm.s32 $0x6100  }
0x134: {  	[tilespmem:s29], [sflag:$0x1] =	stream.indirect_vreg.gather [hbm4b:s23+s19], $0x80, v3, vm0, $0xb8;
	[tilespmem:$0x18300] =	vst v63  }
0x135: {  	s22 =	simm.s32 $0x6900  }
0x136: {  	[tilespmem:s22], [sflag:$0x1] =	stream.indirect_vreg.gather [hbm4b:s24+s19], $0x80, v3, vm0, $0xb8;
	[tilespmem:$0x18300] =	vst v63  }
0x137: {  	s25 =	simm.s32 $0x7100  }
0x138: {  	[tilespmem:s25], [sflag:$0x1] =	stream.indirect_vreg.gather [hbm4b:s26+s19], $0x80, v3, vm0, $0xb8;
	[tilespmem:$0x18300] =	vst v63  }
0x139: {  	s29 =	simm.s32 $0x7900  }
0x13a: {  	[tilespmem:s29], [sflag:$0x1] =	stream.indirect_vreg.gather [hbm4b:s28+s19], $0x80, v3, vm0, $0xb8;
	[tilespmem:$0x18300] =	vst v63  }
0x13b: {  	_ =	swait.ge [sflag:s15], $0x8000  }
0x13c: {  	[sflag:s15] =	ssyncset.done $0x0  }
0x13d: {  	s20 =	simm.s32 $0x14300;
	[sflag:s15] =	ssyncadd.s32 $0xFFFF8000  }
.LBB2_10:
0x13e: {  	v3 =	vmov s19;
	s22 =	sor.u32 $0x8, s19;
	v5 =	vld [tilespmem:s20+$0xFFFFC070]  }
0x13f: {  	v6 =	vld [tilespmem:s20+$0x70];
	v4 =	vmov s22  }
0x140: {  	v8 =	vld [tilespmem:s20+$0x0]  }
0x141: {  	v7 =	vld [tilespmem:s20+$0xFFFFC010]  }
0x142: {  	v9 =	vld [tilespmem:s20+$0x10]  }
0x143: {  	v3 =	vld.idx.msk [tilespmem:v3+s1+$0x0], $0xffff  }
0x144: {  	v4 =	vld.idx.msk [tilespmem:v4+s1+$0x0], $0xffff  }
0x145: {  	v10 =	vld [tilespmem:s20+$0xFFFFC020]  }
0x146: {  	v11 =	vld [tilespmem:s20+$0x20]  }
0x147: {  	v12 =	vld [tilespmem:s20+$0xFFFFC030]  }
0x148: {  	v13 =	vld [tilespmem:s20+$0x30]  }
0x149: {  	v14 =	vld [tilespmem:s20+$0xFFFFC040];
	v5 =	vmul.f32 v5, v3;
	v6 =	vmul.f32 v6, v4  }
0x14a: {  	v16 =	vld [tilespmem:s20+$0x40];
	v15 =	vmul.f32 v7, v3;
	v9 =	vmul.f32 v9, v4  }
0x14b: {  	v10 =	vmul.f32 v10, v3;
	v7 =	vld [tilespmem:s20+$0xFFFFC050];
	v11 =	vmul.f32 v11, v4;
	v5 =	vadd.f32 v6, v5  }
0x14c: {  	v15 =	vadd.f32 v9, v15;
	v6 =	vld [tilespmem:s20+$0x50]  }
0x14d: {  	v12 =	vmul.f32 v12, v3;
	v13 =	vmul.f32 v13, v4;
	v17 =	vadd.f32 v11, v10;
	v9 =	vld [tilespmem:s20+$0xFFFFC060];
	[tilespmem:s20+$0xFFFFC070] =	vst v5  }
0x14e: {  	v10 =	vld [tilespmem:s20+$0x60];
	v11 =	vmul.f32 v14, v3;
	[tilespmem:s20+$0xFFFFC010] =	vst v15  }
0x14f: {  	s25 =	simm.s32 $0x0;
	s29 =	sadd.s32 $0x400, s20;
	s22 =	smov.u32 s20;
	v12 =	vadd.f32 v13, v12;
	v13 =	vmul.f32 v16, v4;
	v5 =	vmul.f32 v8, v4;
	v8 =	vld [tilespmem:s20+$0xFFFFC000];
	[tilespmem:s20+$0xFFFFC020] =	vst v17  }
.LBB2_11:
0x150: {  	v14 =	vld [tilespmem:s29+$0xFFFFC070];
	v7 =	vmul.f32 v7, v3  }
0x151: {  	s25 =	sadd.s32 $0x8, s25;
	v15 =	vld [tilespmem:s29+$0x70];
	[tilespmem:s22+$0xFFFFC030] =	vst v12;
	v11 =	vadd.f32 v13, v11;
	v6 =	vmul.f32 v6, v4  }
0x152: {  	p0 =	slt.u32 s25, $0x78;
	v12 =	vld [tilespmem:s29+$0x0];
	v9 =	vmul.f32 v9, v3  }
0x153: {  	v13 =	vld [tilespmem:s29+$0xFFFFC010];
	[tilespmem:s22+$0xFFFFC040] =	vst v11;
	v6 =	vadd.f32 v6, v7;
	v7 =	vmul.f32 v10, v4  }
0x154: {  	v10 =	vld [tilespmem:s29+$0x10];
	v8 =	vmul.f32 v8, v3  }
0x155: {  	v11 =	vld [tilespmem:s29+$0xFFFFC020];
	[tilespmem:s22+$0xFFFFC050] =	vst v6;
	v6 =	vadd.f32 v7, v9  }
0x156: {  	v9 =	vmul.f32 v14, v3;
	v7 =	vld [tilespmem:s29+$0x20];
	v14 =	vmul.f32 v15, v4;
	v8 =	vadd.f32 v5, v8  }
0x157: {  	v5 =	vmul.f32 v12, v4;
	v12 =	vld [tilespmem:s29+$0xFFFFC030];
	[tilespmem:s22+$0xFFFFC060] =	vst v6  }
0x158: {  	v6 =	vmul.f32 v13, v3;
	v13 =	vld [tilespmem:s29+$0x30];
	v9 =	vadd.f32 v14, v9;
	[tilespmem:s22+$0xFFFFC000] =	vst v8;
	s22 =	smov.u32 s29  }
0x159: {  	v8 =	vmul.f32 v10, v4;
	v10 =	vld [tilespmem:s29+$0xFFFFC040]  }
0x15a: {  	v11 =	vmul.f32 v11, v3;
	v14 =	vld [tilespmem:s29+$0x40];
	[tilespmem:s29+$0xFFFFC070] =	vst v9  }
.Ltmp4:
0x15b: {  	v8 =	vadd.f32 v8, v6;
	v9 =	vmul.f32 v7, v4;
	v7 =	vld [tilespmem:s29+$0xFFFFC050];
	(pc) =	sbr.rel @p0 .LBB2_11-.Ltmp4, $4  }
0x15c: {  	v12 =	vmul.f32 v12, v3;
	v6 =	vld [tilespmem:s29+$0x50]  }
0x15d: {  	[tilespmem:s29+$0xFFFFC010] =	vst v8;
	v15 =	vadd.f32 v9, v11;
	v13 =	vmul.f32 v13, v4;
	v9 =	vld [tilespmem:s29+$0xFFFFC060]  }
0x15e: {  	v11 =	vmul.f32 v10, v3;
	v10 =	vld [tilespmem:s29+$0x60]  }
0x15f: {  	s29 =	sadd.s32 $0x400, s29;
	v8 =	vld [tilespmem:s22+$0xFFFFC000];
	[tilespmem:s22+$0xFFFFC020] =	vst v15;
	v12 =	vadd.f32 v13, v12;
	v13 =	vmul.f32 v14, v4  }
0x160: {  	_ =	sdelay $0x1  }
0x161: {  	v7 =	vmul.f32 v7, v3;
	s19 =	sadd.s32 $0x1, s19;
	v6 =	vmul.f32 v6, v4  }
0x162: {  	v11 =	vadd.f32 v13, v11;
	p0 =	sne.s32 s19, $0x8;
	v9 =	vmul.f32 v9, v3;
	v63 =	vmul.f32 v10, v4  }
.Ltmp5:
0x163: {  	[tilespmem:s22+$0xFFFFC030] =	vst v12;
	v6 =	vadd.f32 v6, v7;
	v3 =	vmul.f32 v8, v3;
	(pc) =	sbr.rel @p0 .LBB2_10-.Ltmp5, $4  }
0x164: {  	[tilespmem:s22+$0xFFFFC040] =	vst v11;
	v4 =	vadd.f32 v63, v9  }
0x165: {  	[tilespmem:s22+$0xFFFFC050] =	vst v6;
	v3 =	vadd.f32 v5, v3  }
0x166: {  	[tilespmem:s22+$0xFFFFC060] =	vst v4  }
0x167: {  	s20 =	sadd.s32 $0x80, s20;
	[tilespmem:s22+$0xFFFFC000] =	vst v3  }
0x168: {  	s19 =	simm.s32 $0x0;
	s20 =	rddreg [dreg:$0x16]  }
0x169: {  	[hbm4b:s20+s19] =	stream.linear.scatter [tilespmem:s8], [sflag:$0x6], $0x4000, $0x38;
	[tilespmem:$0x18300] =	vst v63  }
0x16a: {  	_ =	swait.ge [sflag:s16], $0x4000  }
0x16b: {  	[sflag:s16] =	ssyncset.done $0x0  }
0x16c: {  	s22 =	simm.s32 $0x8100;
	s29 =	rddreg [dreg:$0xc];
	[sflag:s16] =	ssyncadd.s32 $0xFFFFC000  }
0x16d: {  	[tilespmem:s22], [sflag:$0x7] =	stream.linear.gather [hbm4b:s29+s19], $0x80, $0x38;
	[tilespmem:$0x18300] =	vst v63  }
0x16e: {  	_ =	swait.ge [sflag:s9], $0x80  }
0x16f: {  	[sflag:s9] =	ssyncset.done $0x0  }
0x170: {  	s25 =	rddreg [dreg:$0xd];
	[sflag:s9] =	ssyncadd.s32 $0xFFFFFF80  }
0x171: {  	[tilespmem:s4], [sflag:$0x7] =	stream.linear.gather [hbm4b:s25+s19], $0x80, $0x38;
	[tilespmem:$0x18300] =	vst v63  }
0x172: {  	_ =	swait.ge [sflag:s9], $0x80  }
0x173: {  	[sflag:s9] =	ssyncset.done $0x0  }
0x174: {  	[sflag:s9] =	ssyncadd.s32 $0xFFFFFF80  }
0x175: {  	v3 =	vld [tilespmem:$0x8100];
	_ =	sdelay $0x4  }
0x176: {  	v4 =	vshll.u32 v3, $0x4  }
0x177: {  	v3 =	vand.u32 $0x7, v3;
	v4 =	vand.u32 $0xFFFFFF80, v4  }
0x178: {  	v3 =	vor.u32 v3, v4  }
0x179: {  	v4 =	vperm.xlane v3, v0;
	_ =	sdelay $0x1  }
0x17a: {  	v4 =	vadd.s32 v1, v4;
	_ =	sdelay $0x4  }
0x17b: {  	[tilespmem:s5], [sflag:$0x2] =	stream.indirect_vreg.gather [hbm4b:s3+s19], $0x80, v4, vm0, $0xb8;
	[tilespmem:$0x18300] =	vst v63  }
0x17c: {  	s29 =	simm.s32 $0x8A00  }
0x17d: {  	[tilespmem:s29], [sflag:$0x2] =	stream.indirect_vreg.gather [hbm4b:s6+s19], $0x80, v4, vm0, $0xb8;
	[tilespmem:$0x18300] =	vst v63  }
0x17e: {  	s22 =	simm.s32 $0x9200  }
0x17f: {  	[tilespmem:s22], [sflag:$0x2] =	stream.indirect_vreg.gather [hbm4b:s7+s19], $0x80, v4, vm0, $0xb8;
	[tilespmem:$0x18300] =	vst v63  }
0x180: {  	s25 =	simm.s32 $0x9A00  }
0x181: {  	[tilespmem:s25], [sflag:$0x2] =	stream.indirect_vreg.gather [hbm4b:s21+s19], $0x80, v4, vm0, $0xb8;
	[tilespmem:$0x18300] =	vst v63  }
0x182: {  	s29 =	simm.s32 $0xA200  }
0x183: {  	[tilespmem:s29], [sflag:$0x2] =	stream.indirect_vreg.gather [hbm4b:s23+s19], $0x80, v4, vm0, $0xb8;
	[tilespmem:$0x18300] =	vst v63  }
0x184: {  	v3 =	vperm.xlane v3, v2;
	s22 =	simm.s32 $0xAA00  }
0x185: {  	[tilespmem:s22], [sflag:$0x2] =	stream.indirect_vreg.gather [hbm4b:s24+s19], $0x80, v4, vm0, $0xb8;
	[tilespmem:$0x18300] =	vst v63  }
0x186: {  	v3 =	vadd.s32 v1, v3;
	s25 =	simm.s32 $0xB200  }
0x187: {  	[tilespmem:s25], [sflag:$0x2] =	stream.indirect_vreg.gather [hbm4b:s26+s19], $0x80, v4, vm0, $0xb8;
	[tilespmem:$0x18300] =	vst v63  }
0x188: {  	s29 =	simm.s32 $0xBA00  }
0x189: {  	[tilespmem:s29], [sflag:$0x2] =	stream.indirect_vreg.gather [hbm4b:s28+s19], $0x80, v4, vm0, $0xb8;
	[tilespmem:$0x18300] =	vst v63  }
0x18a: {  	s22 =	simm.s32 $0xC200  }
0x18b: {  	[tilespmem:s22], [sflag:$0x2] =	stream.indirect_vreg.gather [hbm4b:s3+s19], $0x80, v3, vm0, $0xb8;
	[tilespmem:$0x18300] =	vst v63  }
0x18c: {  	s25 =	simm.s32 $0xCA00  }
0x18d: {  	[tilespmem:s25], [sflag:$0x2] =	stream.indirect_vreg.gather [hbm4b:s6+s19], $0x80, v3, vm0, $0xb8;
	[tilespmem:$0x18300] =	vst v63  }
0x18e: {  	s29 =	simm.s32 $0xD200  }
0x18f: {  	[tilespmem:s29], [sflag:$0x2] =	stream.indirect_vreg.gather [hbm4b:s7+s19], $0x80, v3, vm0, $0xb8;
	[tilespmem:$0x18300] =	vst v63  }
0x190: {  	s22 =	simm.s32 $0xDA00  }
0x191: {  	[tilespmem:s22], [sflag:$0x2] =	stream.indirect_vreg.gather [hbm4b:s21+s19], $0x80, v3, vm0, $0xb8;
	[tilespmem:$0x18300] =	vst v63  }
0x192: {  	s25 =	simm.s32 $0xE200  }
0x193: {  	[tilespmem:s25], [sflag:$0x2] =	stream.indirect_vreg.gather [hbm4b:s23+s19], $0x80, v3, vm0, $0xb8;
	[tilespmem:$0x18300] =	vst v63  }
0x194: {  	s29 =	simm.s32 $0xEA00  }
0x195: {  	[tilespmem:s29], [sflag:$0x2] =	stream.indirect_vreg.gather [hbm4b:s24+s19], $0x80, v3, vm0, $0xb8;
	[tilespmem:$0x18300] =	vst v63  }
0x196: {  	_ = 	snop  }
0x197: {  	[tilespmem:s30], [sflag:$0x2] =	stream.indirect_vreg.gather [hbm4b:s26+s19], $0x80, v3, vm0, $0xb8;
	[tilespmem:$0x18300] =	vst v63  }
0x198: {  	_ = 	snop  }
0x199: {  	[tilespmem:s31], [sflag:$0x2] =	stream.indirect_vreg.gather [hbm4b:s28+s19], $0x80, v3, vm0, $0xb8;
	[tilespmem:$0x18300] =	vst v63  }
0x19a: {  	_ =	swait.ge [sflag:s0], $0x8000  }
0x19b: {  	[sflag:s0] =	ssyncset.done $0x0  }
0x19c: {  	s20 =	simm.s32 $0x4100;
	[sflag:s0] =	ssyncadd.s32 $0xFFFF8000  }
.LBB2_14:
0x19d: {  	v3 =	vmov s19;
	s22 =	sor.u32 $0x8, s19;
	v5 =	vld [tilespmem:s20+$0xFFFFC070]  }
0x19e: {  	v6 =	vld [tilespmem:s20+$0x70];
	v4 =	vmov s22  }
0x19f: {  	v8 =	vld [tilespmem:s20+$0x0]  }
0x1a0: {  	v7 =	vld [tilespmem:s20+$0xFFFFC010]  }
0x1a1: {  	v9 =	vld [tilespmem:s20+$0x10]  }
0x1a2: {  	v3 =	vld.idx.msk [tilespmem:v3+s11+$0x0], $0xffff  }
0x1a3: {  	v4 =	vld.idx.msk [tilespmem:v4+s11+$0x0], $0xffff  }
0x1a4: {  	v10 =	vld [tilespmem:s20+$0xFFFFC020]  }
0x1a5: {  	v11 =	vld [tilespmem:s20+$0x20]  }
0x1a6: {  	v12 =	vld [tilespmem:s20+$0xFFFFC030]  }
0x1a7: {  	v13 =	vld [tilespmem:s20+$0x30]  }
0x1a8: {  	v14 =	vld [tilespmem:s20+$0xFFFFC040];
	v5 =	vmul.f32 v5, v3;
	v6 =	vmul.f32 v6, v4  }
0x1a9: {  	v16 =	vld [tilespmem:s20+$0x40];
	v15 =	vmul.f32 v7, v3;
	v9 =	vmul.f32 v9, v4  }
0x1aa: {  	v10 =	vmul.f32 v10, v3;
	v7 =	vld [tilespmem:s20+$0xFFFFC050];
	v11 =	vmul.f32 v11, v4;
	v5 =	vadd.f32 v6, v5  }
0x1ab: {  	v15 =	vadd.f32 v9, v15;
	v6 =	vld [tilespmem:s20+$0x50]  }
0x1ac: {  	v12 =	vmul.f32 v12, v3;
	v13 =	vmul.f32 v13, v4;
	v17 =	vadd.f32 v11, v10;
	v9 =	vld [tilespmem:s20+$0xFFFFC060];
	[tilespmem:s20+$0xFFFFC070] =	vst v5  }
0x1ad: {  	v10 =	vld [tilespmem:s20+$0x60];
	v11 =	vmul.f32 v14, v3;
	[tilespmem:s20+$0xFFFFC010] =	vst v15  }
0x1ae: {  	s25 =	simm.s32 $0x0;
	s29 =	sadd.s32 $0x400, s20;
	s22 =	smov.u32 s20;
	v12 =	vadd.f32 v13, v12;
	v13 =	vmul.f32 v16, v4;
	v5 =	vmul.f32 v8, v4;
	v8 =	vld [tilespmem:s20+$0xFFFFC000];
	[tilespmem:s20+$0xFFFFC020] =	vst v17  }
.LBB2_15:
0x1af: {  	v14 =	vld [tilespmem:s29+$0xFFFFC070];
	v7 =	vmul.f32 v7, v3  }
0x1b0: {  	s25 =	sadd.s32 $0x8, s25;
	v15 =	vld [tilespmem:s29+$0x70];
	[tilespmem:s22+$0xFFFFC030] =	vst v12;
	v11 =	vadd.f32 v13, v11;
	v6 =	vmul.f32 v6, v4  }
0x1b1: {  	p0 =	slt.u32 s25, $0x78;
	v12 =	vld [tilespmem:s29+$0x0];
	v9 =	vmul.f32 v9, v3  }
0x1b2: {  	v13 =	vld [tilespmem:s29+$0xFFFFC010];
	[tilespmem:s22+$0xFFFFC040] =	vst v11;
	v6 =	vadd.f32 v6, v7;
	v7 =	vmul.f32 v10, v4  }
0x1b3: {  	v10 =	vld [tilespmem:s29+$0x10];
	v8 =	vmul.f32 v8, v3  }
0x1b4: {  	v11 =	vld [tilespmem:s29+$0xFFFFC020];
	[tilespmem:s22+$0xFFFFC050] =	vst v6;
	v6 =	vadd.f32 v7, v9  }
0x1b5: {  	v9 =	vmul.f32 v14, v3;
	v7 =	vld [tilespmem:s29+$0x20];
	v14 =	vmul.f32 v15, v4;
	v8 =	vadd.f32 v5, v8  }
0x1b6: {  	v5 =	vmul.f32 v12, v4;
	v12 =	vld [tilespmem:s29+$0xFFFFC030];
	[tilespmem:s22+$0xFFFFC060] =	vst v6  }
0x1b7: {  	v6 =	vmul.f32 v13, v3;
	v13 =	vld [tilespmem:s29+$0x30];
	v9 =	vadd.f32 v14, v9;
	[tilespmem:s22+$0xFFFFC000] =	vst v8;
	s22 =	smov.u32 s29  }
0x1b8: {  	v8 =	vmul.f32 v10, v4;
	v10 =	vld [tilespmem:s29+$0xFFFFC040]  }
0x1b9: {  	v11 =	vmul.f32 v11, v3;
	v14 =	vld [tilespmem:s29+$0x40];
	[tilespmem:s29+$0xFFFFC070] =	vst v9  }
.Ltmp6:
0x1ba: {  	v8 =	vadd.f32 v8, v6;
	v9 =	vmul.f32 v7, v4;
	v7 =	vld [tilespmem:s29+$0xFFFFC050];
	(pc) =	sbr.rel @p0 .LBB2_15-.Ltmp6, $4  }
0x1bb: {  	v12 =	vmul.f32 v12, v3;
	v6 =	vld [tilespmem:s29+$0x50]  }
0x1bc: {  	[tilespmem:s29+$0xFFFFC010] =	vst v8;
	v15 =	vadd.f32 v9, v11;
	v13 =	vmul.f32 v13, v4;
	v9 =	vld [tilespmem:s29+$0xFFFFC060]  }
0x1bd: {  	v11 =	vmul.f32 v10, v3;
	v10 =	vld [tilespmem:s29+$0x60]  }
0x1be: {  	s29 =	sadd.s32 $0x400, s29;
	v8 =	vld [tilespmem:s22+$0xFFFFC000];
	[tilespmem:s22+$0xFFFFC020] =	vst v15;
	v12 =	vadd.f32 v13, v12;
	v13 =	vmul.f32 v14, v4  }
0x1bf: {  	_ =	sdelay $0x1  }
0x1c0: {  	v7 =	vmul.f32 v7, v3;
	s19 =	sadd.s32 $0x1, s19;
	v6 =	vmul.f32 v6, v4  }
0x1c1: {  	v11 =	vadd.f32 v13, v11;
	p0 =	sne.s32 s19, $0x8;
	v9 =	vmul.f32 v9, v3;
	v63 =	vmul.f32 v10, v4  }
.Ltmp7:
0x1c2: {  	[tilespmem:s22+$0xFFFFC030] =	vst v12;
	v6 =	vadd.f32 v6, v7;
	v3 =	vmul.f32 v8, v3;
	(pc) =	sbr.rel @p0 .LBB2_14-.Ltmp7, $4  }
0x1c3: {  	[tilespmem:s22+$0xFFFFC040] =	vst v11;
	v4 =	vadd.f32 v63, v9  }
0x1c4: {  	[tilespmem:s22+$0xFFFFC050] =	vst v6;
	v3 =	vadd.f32 v5, v3  }
0x1c5: {  	[tilespmem:s22+$0xFFFFC060] =	vst v4  }
0x1c6: {  	s20 =	sadd.s32 $0x80, s20;
	[tilespmem:s22+$0xFFFFC000] =	vst v3  }
0x1c7: {  	s19 =	simm.s32 $0x0;
	s20 =	rddreg [dreg:$0x17]  }
0x1c8: {  	[hbm4b:s20+s19] =	stream.linear.scatter [tilespmem:s12], [sflag:$0x4], $0x4000, $0x38;
	[tilespmem:$0x18300] =	vst v63  }
0x1c9: {  	_ =	swait.ge [sflag:s17], $0x4000  }
0x1ca: {  	[sflag:s17] =	ssyncset.done $0x0  }
0x1cb: {  	s22 =	simm.s32 $0x10200;
	s25 =	rddreg [dreg:$0xe];
	[sflag:s17] =	ssyncadd.s32 $0xFFFFC000  }
0x1cc: {  	[tilespmem:s22], [sflag:$0x7] =	stream.linear.gather [hbm4b:s25+s19], $0x80, $0x38;
	[tilespmem:$0x18300] =	vst v63  }
0x1cd: {  	_ =	swait.ge [sflag:s9], $0x80  }
0x1ce: {  	[sflag:s9] =	ssyncset.done $0x0  }
0x1cf: {  	s29 =	rddreg [dreg:$0xf];
	[sflag:s9] =	ssyncadd.s32 $0xFFFFFF80  }
0x1d0: {  	[tilespmem:s1], [sflag:$0x7] =	stream.linear.gather [hbm4b:s29+s19], $0x80, $0x38;
	[tilespmem:$0x18300] =	vst v63  }
0x1d1: {  	_ =	swait.ge [sflag:s9], $0x80  }
0x1d2: {  	[sflag:s9] =	ssyncset.done $0x0  }
0x1d3: {  	[sflag:s9] =	ssyncadd.s32 $0xFFFFFF80  }
0x1d4: {  	v3 =	vld [tilespmem:$0x10200];
	_ =	sdelay $0x4  }
0x1d5: {  	v4 =	vshll.u32 v3, $0x4  }
0x1d6: {  	v3 =	vand.u32 $0x7, v3;
	v4 =	vand.u32 $0xFFFFFF80, v4  }
0x1d7: {  	v3 =	vor.u32 v3, v4  }
0x1d8: {  	v4 =	vperm.xlane v3, v0;
	_ =	sdelay $0x1  }
0x1d9: {  	v4 =	vadd.s32 v1, v4;
	_ =	sdelay $0x4  }
0x1da: {  	[tilespmem:s8], [sflag:$0x3] =	stream.indirect_vreg.gather [hbm4b:s3+s19], $0x80, v4, vm0, $0xb8;
	[tilespmem:$0x18300] =	vst v63  }
0x1db: {  	s22 =	simm.s32 $0x10B00  }
0x1dc: {  	[tilespmem:s22], [sflag:$0x3] =	stream.indirect_vreg.gather [hbm4b:s6+s19], $0x80, v4, vm0, $0xb8;
	[tilespmem:$0x18300] =	vst v63  }
0x1dd: {  	s25 =	simm.s32 $0x11300  }
0x1de: {  	[tilespmem:s25], [sflag:$0x3] =	stream.indirect_vreg.gather [hbm4b:s7+s19], $0x80, v4, vm0, $0xb8;
	[tilespmem:$0x18300] =	vst v63  }
0x1df: {  	s29 =	simm.s32 $0x11B00  }
0x1e0: {  	[tilespmem:s29], [sflag:$0x3] =	stream.indirect_vreg.gather [hbm4b:s21+s19], $0x80, v4, vm0, $0xb8;
	[tilespmem:$0x18300] =	vst v63  }
0x1e1: {  	s22 =	simm.s32 $0x12300  }
0x1e2: {  	[tilespmem:s22], [sflag:$0x3] =	stream.indirect_vreg.gather [hbm4b:s23+s19], $0x80, v4, vm0, $0xb8;
	[tilespmem:$0x18300] =	vst v63  }
0x1e3: {  	v3 =	vperm.xlane v3, v2;
	s25 =	simm.s32 $0x12B00  }
0x1e4: {  	[tilespmem:s25], [sflag:$0x3] =	stream.indirect_vreg.gather [hbm4b:s24+s19], $0x80, v4, vm0, $0xb8;
	[tilespmem:$0x18300] =	vst v63  }
0x1e5: {  	v3 =	vadd.s32 v1, v3;
	s29 =	simm.s32 $0x13300  }
0x1e6: {  	[tilespmem:s29], [sflag:$0x3] =	stream.indirect_vreg.gather [hbm4b:s26+s19], $0x80, v4, vm0, $0xb8;
	[tilespmem:$0x18300] =	vst v63  }
0x1e7: {  	s22 =	simm.s32 $0x13B00  }
0x1e8: {  	[tilespmem:s22], [sflag:$0x3] =	stream.indirect_vreg.gather [hbm4b:s28+s19], $0x80, v4, vm0, $0xb8;
	[tilespmem:$0x18300] =	vst v63  }
0x1e9: {  	s25 =	simm.s32 $0x14300  }
0x1ea: {  	[tilespmem:s25], [sflag:$0x3] =	stream.indirect_vreg.gather [hbm4b:s3+s19], $0x80, v3, vm0, $0xb8;
	[tilespmem:$0x18300] =	vst v63  }
0x1eb: {  	s29 =	simm.s32 $0x14B00  }
0x1ec: {  	[tilespmem:s29], [sflag:$0x3] =	stream.indirect_vreg.gather [hbm4b:s6+s19], $0x80, v3, vm0, $0xb8;
	[tilespmem:$0x18300] =	vst v63  }
0x1ed: {  	s22 =	simm.s32 $0x15300  }
0x1ee: {  	[tilespmem:s22], [sflag:$0x3] =	stream.indirect_vreg.gather [hbm4b:s7+s19], $0x80, v3, vm0, $0xb8;
	[tilespmem:$0x18300] =	vst v63  }
0x1ef: {  	s25 =	simm.s32 $0x15B00  }
0x1f0: {  	[tilespmem:s25], [sflag:$0x3] =	stream.indirect_vreg.gather [hbm4b:s21+s19], $0x80, v3, vm0, $0xb8;
	[tilespmem:$0x18300] =	vst v63  }
0x1f1: {  	s29 =	simm.s32 $0x16300  }
0x1f2: {  	[tilespmem:s29], [sflag:$0x3] =	stream.indirect_vreg.gather [hbm4b:s23+s19], $0x80, v3, vm0, $0xb8;
	[tilespmem:$0x18300] =	vst v63  }
0x1f3: {  	s22 =	simm.s32 $0x16B00  }
0x1f4: {  	[tilespmem:s22], [sflag:$0x3] =	stream.indirect_vreg.gather [hbm4b:s24+s19], $0x80, v3, vm0, $0xb8;
	[tilespmem:$0x18300] =	vst v63  }
0x1f5: {  	s25 =	simm.s32 $0x17300  }
0x1f6: {  	[tilespmem:s25], [sflag:$0x3] =	stream.indirect_vreg.gather [hbm4b:s26+s19], $0x80, v3, vm0, $0xb8;
	[tilespmem:$0x18300] =	vst v63  }
0x1f7: {  	s29 =	simm.s32 $0x17B00  }
0x1f8: {  	[tilespmem:s29], [sflag:$0x3] =	stream.indirect_vreg.gather [hbm4b:s28+s19], $0x80, v3, vm0, $0xb8;
	[tilespmem:$0x18300] =	vst v63  }
0x1f9: {  	_ =	swait.ge [sflag:s10], $0x8000  }
0x1fa: {  	[sflag:s10] =	ssyncset.done $0x0  }
0x1fb: {  	s20 =	simm.s32 $0xC200;
	[sflag:s10] =	ssyncadd.s32 $0xFFFF8000  }
.LBB2_18:
0x1fc: {  	v3 =	vmov s19;
	s22 =	sor.u32 $0x8, s19;
	v5 =	vld [tilespmem:s20+$0xFFFFC070]  }
0x1fd: {  	v6 =	vld [tilespmem:s20+$0x70];
	v4 =	vmov s22  }
0x1fe: {  	v8 =	vld [tilespmem:s20+$0x0]  }
0x1ff: {  	v7 =	vld [tilespmem:s20+$0xFFFFC010]  }
0x200: {  	v9 =	vld [tilespmem:s20+$0x10]  }
0x201: {  	v3 =	vld.idx.msk [tilespmem:v3+s4+$0x0], $0xffff  }
0x202: {  	v4 =	vld.idx.msk [tilespmem:v4+s4+$0x0], $0xffff  }
0x203: {  	v10 =	vld [tilespmem:s20+$0xFFFFC020]  }
0x204: {  	v11 =	vld [tilespmem:s20+$0x20]  }
0x205: {  	v12 =	vld [tilespmem:s20+$0xFFFFC030]  }
0x206: {  	v13 =	vld [tilespmem:s20+$0x30]  }
0x207: {  	v14 =	vld [tilespmem:s20+$0xFFFFC040];
	v5 =	vmul.f32 v5, v3;
	v6 =	vmul.f32 v6, v4  }
0x208: {  	v16 =	vld [tilespmem:s20+$0x40];
	v15 =	vmul.f32 v7, v3;
	v9 =	vmul.f32 v9, v4  }
0x209: {  	v10 =	vmul.f32 v10, v3;
	v7 =	vld [tilespmem:s20+$0xFFFFC050];
	v11 =	vmul.f32 v11, v4;
	v5 =	vadd.f32 v6, v5  }
0x20a: {  	v15 =	vadd.f32 v9, v15;
	v6 =	vld [tilespmem:s20+$0x50]  }
0x20b: {  	v12 =	vmul.f32 v12, v3;
	v13 =	vmul.f32 v13, v4;
	v17 =	vadd.f32 v11, v10;
	v9 =	vld [tilespmem:s20+$0xFFFFC060];
	[tilespmem:s20+$0xFFFFC070] =	vst v5  }
0x20c: {  	v10 =	vld [tilespmem:s20+$0x60];
	v11 =	vmul.f32 v14, v3;
	[tilespmem:s20+$0xFFFFC010] =	vst v15  }
0x20d: {  	s25 =	simm.s32 $0x0;
	s29 =	sadd.s32 $0x400, s20;
	s22 =	smov.u32 s20;
	v12 =	vadd.f32 v13, v12;
	v13 =	vmul.f32 v16, v4;
	v5 =	vmul.f32 v8, v4;
	v8 =	vld [tilespmem:s20+$0xFFFFC000];
	[tilespmem:s20+$0xFFFFC020] =	vst v17  }
.LBB2_19:
0x20e: {  	v14 =	vld [tilespmem:s29+$0xFFFFC070];
	v7 =	vmul.f32 v7, v3  }
0x20f: {  	s25 =	sadd.s32 $0x8, s25;
	v15 =	vld [tilespmem:s29+$0x70];
	[tilespmem:s22+$0xFFFFC030] =	vst v12;
	v11 =	vadd.f32 v13, v11;
	v6 =	vmul.f32 v6, v4  }
0x210: {  	p0 =	slt.u32 s25, $0x78;
	v12 =	vld [tilespmem:s29+$0x0];
	v9 =	vmul.f32 v9, v3  }
0x211: {  	v13 =	vld [tilespmem:s29+$0xFFFFC010];
	[tilespmem:s22+$0xFFFFC040] =	vst v11;
	v6 =	vadd.f32 v6, v7;
	v7 =	vmul.f32 v10, v4  }
0x212: {  	v10 =	vld [tilespmem:s29+$0x10];
	v8 =	vmul.f32 v8, v3  }
0x213: {  	v11 =	vld [tilespmem:s29+$0xFFFFC020];
	[tilespmem:s22+$0xFFFFC050] =	vst v6;
	v6 =	vadd.f32 v7, v9  }
0x214: {  	v9 =	vmul.f32 v14, v3;
	v7 =	vld [tilespmem:s29+$0x20];
	v14 =	vmul.f32 v15, v4;
	v8 =	vadd.f32 v5, v8  }
0x215: {  	v5 =	vmul.f32 v12, v4;
	v12 =	vld [tilespmem:s29+$0xFFFFC030];
	[tilespmem:s22+$0xFFFFC060] =	vst v6  }
0x216: {  	v6 =	vmul.f32 v13, v3;
	v13 =	vld [tilespmem:s29+$0x30];
	v9 =	vadd.f32 v14, v9;
	[tilespmem:s22+$0xFFFFC000] =	vst v8;
	s22 =	smov.u32 s29  }
0x217: {  	v8 =	vmul.f32 v10, v4;
	v10 =	vld [tilespmem:s29+$0xFFFFC040]  }
0x218: {  	v11 =	vmul.f32 v11, v3;
	v14 =	vld [tilespmem:s29+$0x40];
	[tilespmem:s29+$0xFFFFC070] =	vst v9  }
.Ltmp8:
0x219: {  	v8 =	vadd.f32 v8, v6;
	v9 =	vmul.f32 v7, v4;
	v7 =	vld [tilespmem:s29+$0xFFFFC050];
	(pc) =	sbr.rel @p0 .LBB2_19-.Ltmp8, $4  }
0x21a: {  	v12 =	vmul.f32 v12, v3;
	v6 =	vld [tilespmem:s29+$0x50]  }
0x21b: {  	[tilespmem:s29+$0xFFFFC010] =	vst v8;
	v15 =	vadd.f32 v9, v11;
	v13 =	vmul.f32 v13, v4;
	v9 =	vld [tilespmem:s29+$0xFFFFC060]  }
0x21c: {  	v11 =	vmul.f32 v10, v3;
	v10 =	vld [tilespmem:s29+$0x60]  }
0x21d: {  	s29 =	sadd.s32 $0x400, s29;
	v8 =	vld [tilespmem:s22+$0xFFFFC000];
	[tilespmem:s22+$0xFFFFC020] =	vst v15;
	v12 =	vadd.f32 v13, v12;
	v13 =	vmul.f32 v14, v4  }
0x21e: {  	_ =	sdelay $0x1  }
0x21f: {  	v7 =	vmul.f32 v7, v3;
	s19 =	sadd.s32 $0x1, s19;
	v6 =	vmul.f32 v6, v4  }
0x220: {  	v11 =	vadd.f32 v13, v11;
	p0 =	sne.s32 s19, $0x8;
	v9 =	vmul.f32 v9, v3;
	v63 =	vmul.f32 v10, v4  }
.Ltmp9:
0x221: {  	[tilespmem:s22+$0xFFFFC030] =	vst v12;
	v6 =	vadd.f32 v6, v7;
	v3 =	vmul.f32 v8, v3;
	(pc) =	sbr.rel @p0 .LBB2_18-.Ltmp9, $4  }
0x222: {  	[tilespmem:s22+$0xFFFFC040] =	vst v11;
	v4 =	vadd.f32 v63, v9  }
0x223: {  	[tilespmem:s22+$0xFFFFC050] =	vst v6;
	v3 =	vadd.f32 v5, v3  }
0x224: {  	[tilespmem:s22+$0xFFFFC060] =	vst v4  }
0x225: {  	s20 =	sadd.s32 $0x80, s20;
	[tilespmem:s22+$0xFFFFC000] =	vst v3  }
0x226: {  	s19 =	simm.s32 $0x0;
	s20 =	rddreg [dreg:$0x18]  }
0x227: {  	[hbm4b:s20+s19] =	stream.linear.scatter [tilespmem:s5], [sflag:$0x5], $0x4000, $0x38;
	[tilespmem:$0x18300] =	vst v63  }
0x228: {  	_ =	swait.ge [sflag:s13], $0x4000  }
0x229: {  	[sflag:s13] =	ssyncset.done $0x0  }
0x22a: {  	s29 =	rddreg [dreg:$0x10];
	[sflag:s13] =	ssyncadd.s32 $0xFFFFC000  }
0x22b: {  	[tilespmem:s19], [sflag:$0x7] =	stream.linear.gather [hbm4b:s29+s19], $0x80, $0x38;
	[tilespmem:$0x18300] =	vst v63  }
0x22c: {  	_ =	swait.ge [sflag:s9], $0x80  }
0x22d: {  	[sflag:s9] =	ssyncset.done $0x0  }
0x22e: {  	s22 =	rddreg [dreg:$0x11];
	[sflag:s9] =	ssyncadd.s32 $0xFFFFFF80  }
0x22f: {  	[tilespmem:s11], [sflag:$0x7] =	stream.linear.gather [hbm4b:s22+s19], $0x80, $0x38;
	[tilespmem:$0x18300] =	vst v63  }
0x230: {  	_ =	swait.ge [sflag:s9], $0x80  }
0x231: {  	[sflag:s9] =	ssyncset.done $0x0  }
0x232: {  	[sflag:s9] =	ssyncadd.s32 $0xFFFFFF80  }
0x233: {  	v3 =	vld [tilespmem:$0x0];
	_ =	sdelay $0x4  }
0x234: {  	v4 =	vshll.u32 v3, $0x4  }
0x235: {  	v3 =	vand.u32 $0x7, v3;
	v4 =	vand.u32 $0xFFFFFF80, v4  }
0x236: {  	v3 =	vor.u32 v3, v4  }
0x237: {  	v4 =	vperm.xlane v3, v0;
	_ =	sdelay $0x1  }
0x238: {  	v4 =	vadd.s32 v1, v4;
	_ =	sdelay $0x4  }
0x239: {  	[tilespmem:s12], [sflag:$0x1] =	stream.indirect_vreg.gather [hbm4b:s3+s19], $0x80, v4, vm0, $0xb8;
	[tilespmem:$0x18300] =	vst v63  }
0x23a: {  	s25 =	simm.s32 $0x900  }
0x23b: {  	[tilespmem:s25], [sflag:$0x1] =	stream.indirect_vreg.gather [hbm4b:s6+s19], $0x80, v4, vm0, $0xb8;
	[tilespmem:$0x18300] =	vst v63  }
0x23c: {  	s29 =	simm.s32 $0x1100  }
0x23d: {  	[tilespmem:s29], [sflag:$0x1] =	stream.indirect_vreg.gather [hbm4b:s7+s19], $0x80, v4, vm0, $0xb8;
	[tilespmem:$0x18300] =	vst v63  }
0x23e: {  	s22 =	simm.s32 $0x1900  }
0x23f: {  	[tilespmem:s22], [sflag:$0x1] =	stream.indirect_vreg.gather [hbm4b:s21+s19], $0x80, v4, vm0, $0xb8;
	[tilespmem:$0x18300] =	vst v63  }
0x240: {  	s25 =	simm.s32 $0x2100  }
0x241: {  	[tilespmem:s25], [sflag:$0x1] =	stream.indirect_vreg.gather [hbm4b:s23+s19], $0x80, v4, vm0, $0xb8;
	[tilespmem:$0x18300] =	vst v63  }
0x242: {  	v3 =	vperm.xlane v3, v2;
	s29 =	simm.s32 $0x2900  }
0x243: {  	[tilespmem:s29], [sflag:$0x1] =	stream.indirect_vreg.gather [hbm4b:s24+s19], $0x80, v4, vm0, $0xb8;
	[tilespmem:$0x18300] =	vst v63  }
0x244: {  	v3 =	vadd.s32 v1, v3;
	s22 =	simm.s32 $0x3100  }
0x245: {  	[tilespmem:s22], [sflag:$0x1] =	stream.indirect_vreg.gather [hbm4b:s26+s19], $0x80, v4, vm0, $0xb8;
	[tilespmem:$0x18300] =	vst v63  }
0x246: {  	s25 =	simm.s32 $0x3900  }
0x247: {  	[tilespmem:s25], [sflag:$0x1] =	stream.indirect_vreg.gather [hbm4b:s28+s19], $0x80, v4, vm0, $0xb8;
	[tilespmem:$0x18300] =	vst v63  }
0x248: {  	_ = 	snop  }
0x249: {  	[tilespmem:s14], [sflag:$0x1] =	stream.indirect_vreg.gather [hbm4b:s3+s19], $0x80, v3, vm0, $0xb8;
	[tilespmem:$0x18300] =	vst v63  }
0x24a: {  	s29 =	simm.s32 $0x4900  }
0x24b: {  	[tilespmem:s29], [sflag:$0x1] =	stream.indirect_vreg.gather [hbm4b:s6+s19], $0x80, v3, vm0, $0xb8;
	[tilespmem:$0x18300] =	vst v63  }
0x24c: {  	s22 =	simm.s32 $0x5100  }
0x24d: {  	[tilespmem:s22], [sflag:$0x1] =	stream.indirect_vreg.gather [hbm4b:s7+s19], $0x80, v3, vm0, $0xb8;
	[tilespmem:$0x18300] =	vst v63  }
0x24e: {  	s25 =	simm.s32 $0x5900  }
0x24f: {  	[tilespmem:s25], [sflag:$0x1] =	stream.indirect_vreg.gather [hbm4b:s21+s19], $0x80, v3, vm0, $0xb8;
	[tilespmem:$0x18300] =	vst v63  }
0x250: {  	s29 =	simm.s32 $0x6100  }
0x251: {  	[tilespmem:s29], [sflag:$0x1] =	stream.indirect_vreg.gather [hbm4b:s23+s19], $0x80, v3, vm0, $0xb8;
	[tilespmem:$0x18300] =	vst v63  }
0x252: {  	s22 =	simm.s32 $0x6900  }
0x253: {  	[tilespmem:s22], [sflag:$0x1] =	stream.indirect_vreg.gather [hbm4b:s24+s19], $0x80, v3, vm0, $0xb8;
	[tilespmem:$0x18300] =	vst v63  }
0x254: {  	s25 =	simm.s32 $0x7100  }
0x255: {  	[tilespmem:s25], [sflag:$0x1] =	stream.indirect_vreg.gather [hbm4b:s26+s19], $0x80, v3, vm0, $0xb8;
	[tilespmem:$0x18300] =	vst v63  }
0x256: {  	s29 =	simm.s32 $0x7900  }
0x257: {  	[tilespmem:s29], [sflag:$0x1] =	stream.indirect_vreg.gather [hbm4b:s28+s19], $0x80, v3, vm0, $0xb8;
	[tilespmem:$0x18300] =	vst v63  }
0x258: {  	_ =	swait.ge [sflag:s15], $0x8000  }
0x259: {  	[sflag:s15] =	ssyncset.done $0x0  }
0x25a: {  	s20 =	simm.s32 $0x14300;
	[sflag:s15] =	ssyncadd.s32 $0xFFFF8000  }
.LBB2_22:
0x25b: {  	v3 =	vmov s19;
	s22 =	sor.u32 $0x8, s19;
	v5 =	vld [tilespmem:s20+$0xFFFFC070]  }
0x25c: {  	v6 =	vld [tilespmem:s20+$0x70];
	v4 =	vmov s22  }
0x25d: {  	v8 =	vld [tilespmem:s20+$0x0]  }
0x25e: {  	v7 =	vld [tilespmem:s20+$0xFFFFC010]  }
0x25f: {  	v9 =	vld [tilespmem:s20+$0x10]  }
0x260: {  	v3 =	vld.idx.msk [tilespmem:v3+s1+$0x0], $0xffff  }
0x261: {  	v4 =	vld.idx.msk [tilespmem:v4+s1+$0x0], $0xffff  }
0x262: {  	v10 =	vld [tilespmem:s20+$0xFFFFC020]  }
0x263: {  	v11 =	vld [tilespmem:s20+$0x20]  }
0x264: {  	v12 =	vld [tilespmem:s20+$0xFFFFC030]  }
0x265: {  	v13 =	vld [tilespmem:s20+$0x30]  }
0x266: {  	v14 =	vld [tilespmem:s20+$0xFFFFC040];
	v5 =	vmul.f32 v5, v3;
	v6 =	vmul.f32 v6, v4  }
0x267: {  	v16 =	vld [tilespmem:s20+$0x40];
	v15 =	vmul.f32 v7, v3;
	v9 =	vmul.f32 v9, v4  }
0x268: {  	v10 =	vmul.f32 v10, v3;
	v7 =	vld [tilespmem:s20+$0xFFFFC050];
	v11 =	vmul.f32 v11, v4;
	v5 =	vadd.f32 v6, v5  }
0x269: {  	v15 =	vadd.f32 v9, v15;
	v6 =	vld [tilespmem:s20+$0x50]  }
0x26a: {  	v12 =	vmul.f32 v12, v3;
	v13 =	vmul.f32 v13, v4;
	v17 =	vadd.f32 v11, v10;
	v9 =	vld [tilespmem:s20+$0xFFFFC060];
	[tilespmem:s20+$0xFFFFC070] =	vst v5  }
0x26b: {  	v10 =	vld [tilespmem:s20+$0x60];
	v11 =	vmul.f32 v14, v3;
	[tilespmem:s20+$0xFFFFC010] =	vst v15  }
0x26c: {  	s25 =	simm.s32 $0x0;
	s29 =	sadd.s32 $0x400, s20;
	s22 =	smov.u32 s20;
	v12 =	vadd.f32 v13, v12;
	v13 =	vmul.f32 v16, v4;
	v5 =	vmul.f32 v8, v4;
	v8 =	vld [tilespmem:s20+$0xFFFFC000];
	[tilespmem:s20+$0xFFFFC020] =	vst v17  }
.LBB2_23:
0x26d: {  	v14 =	vld [tilespmem:s29+$0xFFFFC070];
	v7 =	vmul.f32 v7, v3  }
0x26e: {  	s25 =	sadd.s32 $0x8, s25;
	v15 =	vld [tilespmem:s29+$0x70];
	[tilespmem:s22+$0xFFFFC030] =	vst v12;
	v11 =	vadd.f32 v13, v11;
	v6 =	vmul.f32 v6, v4  }
0x26f: {  	p0 =	slt.u32 s25, $0x78;
	v12 =	vld [tilespmem:s29+$0x0];
	v9 =	vmul.f32 v9, v3  }
0x270: {  	v13 =	vld [tilespmem:s29+$0xFFFFC010];
	[tilespmem:s22+$0xFFFFC040] =	vst v11;
	v6 =	vadd.f32 v6, v7;
	v7 =	vmul.f32 v10, v4  }
0x271: {  	v10 =	vld [tilespmem:s29+$0x10];
	v8 =	vmul.f32 v8, v3  }
0x272: {  	v11 =	vld [tilespmem:s29+$0xFFFFC020];
	[tilespmem:s22+$0xFFFFC050] =	vst v6;
	v6 =	vadd.f32 v7, v9  }
0x273: {  	v9 =	vmul.f32 v14, v3;
	v7 =	vld [tilespmem:s29+$0x20];
	v14 =	vmul.f32 v15, v4;
	v8 =	vadd.f32 v5, v8  }
0x274: {  	v5 =	vmul.f32 v12, v4;
	v12 =	vld [tilespmem:s29+$0xFFFFC030];
	[tilespmem:s22+$0xFFFFC060] =	vst v6  }
0x275: {  	v6 =	vmul.f32 v13, v3;
	v13 =	vld [tilespmem:s29+$0x30];
	v9 =	vadd.f32 v14, v9;
	[tilespmem:s22+$0xFFFFC000] =	vst v8;
	s22 =	smov.u32 s29  }
0x276: {  	v8 =	vmul.f32 v10, v4;
	v10 =	vld [tilespmem:s29+$0xFFFFC040]  }
0x277: {  	v11 =	vmul.f32 v11, v3;
	v14 =	vld [tilespmem:s29+$0x40];
	[tilespmem:s29+$0xFFFFC070] =	vst v9  }
.Ltmp10:
0x278: {  	v8 =	vadd.f32 v8, v6;
	v9 =	vmul.f32 v7, v4;
	v7 =	vld [tilespmem:s29+$0xFFFFC050];
	(pc) =	sbr.rel @p0 .LBB2_23-.Ltmp10, $4  }
0x279: {  	v12 =	vmul.f32 v12, v3;
	v6 =	vld [tilespmem:s29+$0x50]  }
0x27a: {  	[tilespmem:s29+$0xFFFFC010] =	vst v8;
	v15 =	vadd.f32 v9, v11;
	v13 =	vmul.f32 v13, v4;
	v9 =	vld [tilespmem:s29+$0xFFFFC060]  }
0x27b: {  	v11 =	vmul.f32 v10, v3;
	v10 =	vld [tilespmem:s29+$0x60]  }
0x27c: {  	s29 =	sadd.s32 $0x400, s29;
	v8 =	vld [tilespmem:s22+$0xFFFFC000];
	[tilespmem:s22+$0xFFFFC020] =	vst v15;
	v12 =	vadd.f32 v13, v12;
	v13 =	vmul.f32 v14, v4  }
0x27d: {  	_ =	sdelay $0x1  }
0x27e: {  	v7 =	vmul.f32 v7, v3;
	s19 =	sadd.s32 $0x1, s19;
	v6 =	vmul.f32 v6, v4  }
0x27f: {  	v11 =	vadd.f32 v13, v11;
	p0 =	sne.s32 s19, $0x8;
	v9 =	vmul.f32 v9, v3;
	v63 =	vmul.f32 v10, v4  }
.Ltmp11:
0x280: {  	[tilespmem:s22+$0xFFFFC030] =	vst v12;
	v6 =	vadd.f32 v6, v7;
	v3 =	vmul.f32 v8, v3;
	(pc) =	sbr.rel @p0 .LBB2_22-.Ltmp11, $4  }
0x281: {  	[tilespmem:s22+$0xFFFFC040] =	vst v11;
	v4 =	vadd.f32 v63, v9  }
0x282: {  	[tilespmem:s22+$0xFFFFC050] =	vst v6;
	v3 =	vadd.f32 v5, v3  }
0x283: {  	[tilespmem:s22+$0xFFFFC060] =	vst v4  }
0x284: {  	s20 =	sadd.s32 $0x80, s20;
	[tilespmem:s22+$0xFFFFC000] =	vst v3  }
0x285: {  	s19 =	simm.s32 $0x0;
	s20 =	rddreg [dreg:$0x19]  }
0x286: {  	[hbm4b:s20+s19] =	stream.linear.scatter [tilespmem:s8], [sflag:$0x6], $0x4000, $0x38;
	[tilespmem:$0x18300] =	vst v63  }
0x287: {  	_ =	swait.ge [sflag:s16], $0x4000  }
0x288: {  	[sflag:s16] =	ssyncset.done $0x0  }
0x289: {  	s22 =	simm.s32 $0x8100;
	s29 =	rddreg [dreg:$0x12];
	[sflag:s16] =	ssyncadd.s32 $0xFFFFC000  }
0x28a: {  	[tilespmem:s22], [sflag:$0x7] =	stream.linear.gather [hbm4b:s29+s19], $0x80, $0x38;
	[tilespmem:$0x18300] =	vst v63  }
0x28b: {  	_ =	swait.ge [sflag:s9], $0x80  }
0x28c: {  	[sflag:s9] =	ssyncset.done $0x0  }
0x28d: {  	s25 =	rddreg [dreg:$0x13];
	[sflag:s9] =	ssyncadd.s32 $0xFFFFFF80  }
0x28e: {  	[tilespmem:s4], [sflag:$0x7] =	stream.linear.gather [hbm4b:s25+s19], $0x80, $0x38;
	[tilespmem:$0x18300] =	vst v63  }
0x28f: {  	_ =	swait.ge [sflag:s9], $0x80  }
0x290: {  	[sflag:s9] =	ssyncset.done $0x0  }
0x291: {  	[sflag:s9] =	ssyncadd.s32 $0xFFFFFF80  }
0x292: {  	v3 =	vld [tilespmem:$0x8100];
	_ =	sdelay $0x4  }
0x293: {  	v4 =	vshll.u32 v3, $0x4  }
0x294: {  	v3 =	vand.u32 $0x7, v3;
	v4 =	vand.u32 $0xFFFFFF80, v4  }
0x295: {  	v3 =	vor.u32 v3, v4  }
0x296: {  	v4 =	vperm.xlane v3, v0;
	_ =	sdelay $0x1  }
0x297: {  	v4 =	vadd.s32 v1, v4;
	_ =	sdelay $0x4  }
0x298: {  	[tilespmem:s5], [sflag:$0x2] =	stream.indirect_vreg.gather [hbm4b:s3+s19], $0x80, v4, vm0, $0xb8;
	[tilespmem:$0x18300] =	vst v63  }
0x299: {  	s29 =	simm.s32 $0x8A00  }
0x29a: {  	[tilespmem:s29], [sflag:$0x2] =	stream.indirect_vreg.gather [hbm4b:s6+s19], $0x80, v4, vm0, $0xb8;
	[tilespmem:$0x18300] =	vst v63  }
0x29b: {  	s22 =	simm.s32 $0x9200  }
0x29c: {  	[tilespmem:s22], [sflag:$0x2] =	stream.indirect_vreg.gather [hbm4b:s7+s19], $0x80, v4, vm0, $0xb8;
	[tilespmem:$0x18300] =	vst v63  }
0x29d: {  	s25 =	simm.s32 $0x9A00  }
0x29e: {  	[tilespmem:s25], [sflag:$0x2] =	stream.indirect_vreg.gather [hbm4b:s21+s19], $0x80, v4, vm0, $0xb8;
	[tilespmem:$0x18300] =	vst v63  }
0x29f: {  	s29 =	simm.s32 $0xA200  }
0x2a0: {  	[tilespmem:s29], [sflag:$0x2] =	stream.indirect_vreg.gather [hbm4b:s23+s19], $0x80, v4, vm0, $0xb8;
	[tilespmem:$0x18300] =	vst v63  }
0x2a1: {  	v3 =	vperm.xlane v3, v2;
	s22 =	simm.s32 $0xAA00  }
0x2a2: {  	[tilespmem:s22], [sflag:$0x2] =	stream.indirect_vreg.gather [hbm4b:s24+s19], $0x80, v4, vm0, $0xb8;
	[tilespmem:$0x18300] =	vst v63  }
0x2a3: {  	v3 =	vadd.s32 v1, v3;
	s25 =	simm.s32 $0xB200  }
0x2a4: {  	[tilespmem:s25], [sflag:$0x2] =	stream.indirect_vreg.gather [hbm4b:s26+s19], $0x80, v4, vm0, $0xb8;
	[tilespmem:$0x18300] =	vst v63  }
0x2a5: {  	s29 =	simm.s32 $0xBA00  }
0x2a6: {  	[tilespmem:s29], [sflag:$0x2] =	stream.indirect_vreg.gather [hbm4b:s28+s19], $0x80, v4, vm0, $0xb8;
	[tilespmem:$0x18300] =	vst v63  }
0x2a7: {  	s22 =	simm.s32 $0xC200  }
0x2a8: {  	[tilespmem:s22], [sflag:$0x2] =	stream.indirect_vreg.gather [hbm4b:s3+s19], $0x80, v3, vm0, $0xb8;
	[tilespmem:$0x18300] =	vst v63  }
0x2a9: {  	s25 =	simm.s32 $0xCA00  }
0x2aa: {  	[tilespmem:s25], [sflag:$0x2] =	stream.indirect_vreg.gather [hbm4b:s6+s19], $0x80, v3, vm0, $0xb8;
	[tilespmem:$0x18300] =	vst v63  }
0x2ab: {  	s29 =	simm.s32 $0xD200  }
0x2ac: {  	[tilespmem:s29], [sflag:$0x2] =	stream.indirect_vreg.gather [hbm4b:s7+s19], $0x80, v3, vm0, $0xb8;
	[tilespmem:$0x18300] =	vst v63  }
0x2ad: {  	s22 =	simm.s32 $0xDA00  }
0x2ae: {  	[tilespmem:s22], [sflag:$0x2] =	stream.indirect_vreg.gather [hbm4b:s21+s19], $0x80, v3, vm0, $0xb8;
	[tilespmem:$0x18300] =	vst v63  }
0x2af: {  	s25 =	simm.s32 $0xE200  }
0x2b0: {  	[tilespmem:s25], [sflag:$0x2] =	stream.indirect_vreg.gather [hbm4b:s23+s19], $0x80, v3, vm0, $0xb8;
	[tilespmem:$0x18300] =	vst v63  }
0x2b1: {  	s29 =	simm.s32 $0xEA00  }
0x2b2: {  	[tilespmem:s29], [sflag:$0x2] =	stream.indirect_vreg.gather [hbm4b:s24+s19], $0x80, v3, vm0, $0xb8;
	[tilespmem:$0x18300] =	vst v63  }
0x2b3: {  	_ = 	snop  }
0x2b4: {  	[tilespmem:s30], [sflag:$0x2] =	stream.indirect_vreg.gather [hbm4b:s26+s19], $0x80, v3, vm0, $0xb8;
	[tilespmem:$0x18300] =	vst v63  }
0x2b5: {  	_ = 	snop  }
0x2b6: {  	[tilespmem:s31], [sflag:$0x2] =	stream.indirect_vreg.gather [hbm4b:s28+s19], $0x80, v3, vm0, $0xb8;
	[tilespmem:$0x18300] =	vst v63  }
0x2b7: {  	_ =	swait.ge [sflag:s0], $0x8000  }
0x2b8: {  	[sflag:s0] =	ssyncset.done $0x0  }
0x2b9: {  	s20 =	simm.s32 $0x4100;
	[sflag:s0] =	ssyncadd.s32 $0xFFFF8000  }
.LBB2_26:
0x2ba: {  	v3 =	vmov s19;
	s22 =	sor.u32 $0x8, s19;
	v5 =	vld [tilespmem:s20+$0xFFFFC070]  }
0x2bb: {  	v6 =	vld [tilespmem:s20+$0x70];
	v4 =	vmov s22  }
0x2bc: {  	v8 =	vld [tilespmem:s20+$0x0]  }
0x2bd: {  	v7 =	vld [tilespmem:s20+$0xFFFFC010]  }
0x2be: {  	v9 =	vld [tilespmem:s20+$0x10]  }
0x2bf: {  	v3 =	vld.idx.msk [tilespmem:v3+s11+$0x0], $0xffff  }
0x2c0: {  	v4 =	vld.idx.msk [tilespmem:v4+s11+$0x0], $0xffff  }
0x2c1: {  	v10 =	vld [tilespmem:s20+$0xFFFFC020]  }
0x2c2: {  	v11 =	vld [tilespmem:s20+$0x20]  }
0x2c3: {  	v12 =	vld [tilespmem:s20+$0xFFFFC030]  }
0x2c4: {  	v13 =	vld [tilespmem:s20+$0x30]  }
0x2c5: {  	v14 =	vld [tilespmem:s20+$0xFFFFC040];
	v5 =	vmul.f32 v5, v3;
	v6 =	vmul.f32 v6, v4  }
0x2c6: {  	v16 =	vld [tilespmem:s20+$0x40];
	v15 =	vmul.f32 v7, v3;
	v9 =	vmul.f32 v9, v4  }
0x2c7: {  	v10 =	vmul.f32 v10, v3;
	v7 =	vld [tilespmem:s20+$0xFFFFC050];
	v11 =	vmul.f32 v11, v4;
	v5 =	vadd.f32 v6, v5  }
0x2c8: {  	v15 =	vadd.f32 v9, v15;
	v6 =	vld [tilespmem:s20+$0x50]  }
0x2c9: {  	v12 =	vmul.f32 v12, v3;
	v13 =	vmul.f32 v13, v4;
	v17 =	vadd.f32 v11, v10;
	v9 =	vld [tilespmem:s20+$0xFFFFC060];
	[tilespmem:s20+$0xFFFFC070] =	vst v5  }
0x2ca: {  	v10 =	vld [tilespmem:s20+$0x60];
	v11 =	vmul.f32 v14, v3;
	[tilespmem:s20+$0xFFFFC010] =	vst v15  }
0x2cb: {  	s25 =	simm.s32 $0x0;
	s29 =	sadd.s32 $0x400, s20;
	s22 =	smov.u32 s20;
	v12 =	vadd.f32 v13, v12;
	v13 =	vmul.f32 v16, v4;
	v5 =	vmul.f32 v8, v4;
	v8 =	vld [tilespmem:s20+$0xFFFFC000];
	[tilespmem:s20+$0xFFFFC020] =	vst v17  }
.LBB2_27:
0x2cc: {  	v14 =	vld [tilespmem:s29+$0xFFFFC070];
	v7 =	vmul.f32 v7, v3  }
0x2cd: {  	s25 =	sadd.s32 $0x8, s25;
	v15 =	vld [tilespmem:s29+$0x70];
	[tilespmem:s22+$0xFFFFC030] =	vst v12;
	v11 =	vadd.f32 v13, v11;
	v6 =	vmul.f32 v6, v4  }
0x2ce: {  	p0 =	slt.u32 s25, $0x78;
	v12 =	vld [tilespmem:s29+$0x0];
	v9 =	vmul.f32 v9, v3  }
0x2cf: {  	v13 =	vld [tilespmem:s29+$0xFFFFC010];
	[tilespmem:s22+$0xFFFFC040] =	vst v11;
	v6 =	vadd.f32 v6, v7;
	v7 =	vmul.f32 v10, v4  }
0x2d0: {  	v10 =	vld [tilespmem:s29+$0x10];
	v8 =	vmul.f32 v8, v3  }
0x2d1: {  	v11 =	vld [tilespmem:s29+$0xFFFFC020];
	[tilespmem:s22+$0xFFFFC050] =	vst v6;
	v6 =	vadd.f32 v7, v9  }
0x2d2: {  	v9 =	vmul.f32 v14, v3;
	v7 =	vld [tilespmem:s29+$0x20];
	v14 =	vmul.f32 v15, v4;
	v8 =	vadd.f32 v5, v8  }
0x2d3: {  	v5 =	vmul.f32 v12, v4;
	v12 =	vld [tilespmem:s29+$0xFFFFC030];
	[tilespmem:s22+$0xFFFFC060] =	vst v6  }
0x2d4: {  	v6 =	vmul.f32 v13, v3;
	v13 =	vld [tilespmem:s29+$0x30];
	v9 =	vadd.f32 v14, v9;
	[tilespmem:s22+$0xFFFFC000] =	vst v8;
	s22 =	smov.u32 s29  }
0x2d5: {  	v8 =	vmul.f32 v10, v4;
	v10 =	vld [tilespmem:s29+$0xFFFFC040]  }
0x2d6: {  	v11 =	vmul.f32 v11, v3;
	v14 =	vld [tilespmem:s29+$0x40];
	[tilespmem:s29+$0xFFFFC070] =	vst v9  }
.Ltmp12:
0x2d7: {  	v8 =	vadd.f32 v8, v6;
	v9 =	vmul.f32 v7, v4;
	v7 =	vld [tilespmem:s29+$0xFFFFC050];
	(pc) =	sbr.rel @p0 .LBB2_27-.Ltmp12, $4  }
0x2d8: {  	v12 =	vmul.f32 v12, v3;
	v6 =	vld [tilespmem:s29+$0x50]  }
0x2d9: {  	[tilespmem:s29+$0xFFFFC010] =	vst v8;
	v15 =	vadd.f32 v9, v11;
	v13 =	vmul.f32 v13, v4;
	v9 =	vld [tilespmem:s29+$0xFFFFC060]  }
0x2da: {  	v11 =	vmul.f32 v10, v3;
	v10 =	vld [tilespmem:s29+$0x60]  }
0x2db: {  	s29 =	sadd.s32 $0x400, s29;
	v8 =	vld [tilespmem:s22+$0xFFFFC000];
	[tilespmem:s22+$0xFFFFC020] =	vst v15;
	v12 =	vadd.f32 v13, v12;
	v13 =	vmul.f32 v14, v4  }
0x2dc: {  	_ =	sdelay $0x1  }
0x2dd: {  	v7 =	vmul.f32 v7, v3;
	s19 =	sadd.s32 $0x1, s19;
	v6 =	vmul.f32 v6, v4  }
0x2de: {  	v11 =	vadd.f32 v13, v11;
	p0 =	sne.s32 s19, $0x8;
	v9 =	vmul.f32 v9, v3;
	v63 =	vmul.f32 v10, v4  }
.Ltmp13:
0x2df: {  	[tilespmem:s22+$0xFFFFC030] =	vst v12;
	v6 =	vadd.f32 v6, v7;
	v3 =	vmul.f32 v8, v3;
	(pc) =	sbr.rel @p0 .LBB2_26-.Ltmp13, $4  }
0x2e0: {  	[tilespmem:s22+$0xFFFFC040] =	vst v11;
	v4 =	vadd.f32 v63, v9  }
0x2e1: {  	[tilespmem:s22+$0xFFFFC050] =	vst v6;
	v3 =	vadd.f32 v5, v3  }
0x2e2: {  	[tilespmem:s22+$0xFFFFC060] =	vst v4  }
0x2e3: {  	s20 =	sadd.s32 $0x80, s20;
	[tilespmem:s22+$0xFFFFC000] =	vst v3  }
0x2e4: {  	s19 =	simm.s32 $0x0;
	s20 =	rddreg [dreg:$0x1a]  }
0x2e5: {  	[hbm4b:s20+s19] =	stream.linear.scatter [tilespmem:s12], [sflag:$0x4], $0x4000, $0x38;
	[tilespmem:$0x18300] =	vst v63  }
0x2e6: {  	_ =	swait.ge [sflag:s10], $0x8000  }
0x2e7: {  	[sflag:s10] =	ssyncset.done $0x0  }
0x2e8: {  	s20 =	simm.s32 $0xC200;
	[sflag:s10] =	ssyncadd.s32 $0xFFFF8000  }
.LBB2_30:
0x2e9: {  	v3 =	vmov s19;
	s22 =	sor.u32 $0x8, s19;
	v5 =	vld [tilespmem:s20+$0xFFFFC070]  }
0x2ea: {  	v6 =	vld [tilespmem:s20+$0x70];
	v4 =	vmov s22  }
0x2eb: {  	v8 =	vld [tilespmem:s20+$0x0]  }
0x2ec: {  	v7 =	vld [tilespmem:s20+$0xFFFFC010]  }
0x2ed: {  	v9 =	vld [tilespmem:s20+$0x10]  }
0x2ee: {  	v3 =	vld.idx.msk [tilespmem:v3+s4+$0x0], $0xffff  }
0x2ef: {  	v4 =	vld.idx.msk [tilespmem:v4+s4+$0x0], $0xffff  }
0x2f0: {  	v10 =	vld [tilespmem:s20+$0xFFFFC020]  }
0x2f1: {  	v11 =	vld [tilespmem:s20+$0x20]  }
0x2f2: {  	v12 =	vld [tilespmem:s20+$0xFFFFC030]  }
0x2f3: {  	v13 =	vld [tilespmem:s20+$0x30]  }
0x2f4: {  	v14 =	vld [tilespmem:s20+$0xFFFFC040];
	v5 =	vmul.f32 v5, v3;
	v6 =	vmul.f32 v6, v4  }
0x2f5: {  	v16 =	vld [tilespmem:s20+$0x40];
	v15 =	vmul.f32 v7, v3;
	v9 =	vmul.f32 v9, v4  }
0x2f6: {  	v10 =	vmul.f32 v10, v3;
	v7 =	vld [tilespmem:s20+$0xFFFFC050];
	v11 =	vmul.f32 v11, v4;
	v5 =	vadd.f32 v6, v5  }
0x2f7: {  	v15 =	vadd.f32 v9, v15;
	v6 =	vld [tilespmem:s20+$0x50]  }
0x2f8: {  	v12 =	vmul.f32 v12, v3;
	v13 =	vmul.f32 v13, v4;
	v17 =	vadd.f32 v11, v10;
	v9 =	vld [tilespmem:s20+$0xFFFFC060];
	[tilespmem:s20+$0xFFFFC070] =	vst v5  }
0x2f9: {  	v10 =	vld [tilespmem:s20+$0x60];
	v11 =	vmul.f32 v14, v3;
	[tilespmem:s20+$0xFFFFC010] =	vst v15  }
0x2fa: {  	s25 =	simm.s32 $0x0;
	s29 =	sadd.s32 $0x400, s20;
	s22 =	smov.u32 s20;
	v12 =	vadd.f32 v13, v12;
	v13 =	vmul.f32 v16, v4;
	v5 =	vmul.f32 v8, v4;
	v8 =	vld [tilespmem:s20+$0xFFFFC000];
	[tilespmem:s20+$0xFFFFC020] =	vst v17  }
.LBB2_31:
0x2fb: {  	v14 =	vld [tilespmem:s29+$0xFFFFC070];
	v7 =	vmul.f32 v7, v3  }
0x2fc: {  	s25 =	sadd.s32 $0x8, s25;
	v15 =	vld [tilespmem:s29+$0x70];
	[tilespmem:s22+$0xFFFFC030] =	vst v12;
	v11 =	vadd.f32 v13, v11;
	v6 =	vmul.f32 v6, v4  }
0x2fd: {  	p0 =	slt.u32 s25, $0x78;
	v12 =	vld [tilespmem:s29+$0x0];
	v9 =	vmul.f32 v9, v3  }
0x2fe: {  	v13 =	vld [tilespmem:s29+$0xFFFFC010];
	[tilespmem:s22+$0xFFFFC040] =	vst v11;
	v6 =	vadd.f32 v6, v7;
	v7 =	vmul.f32 v10, v4  }
0x2ff: {  	v10 =	vld [tilespmem:s29+$0x10];
	v8 =	vmul.f32 v8, v3  }
0x300: {  	v11 =	vld [tilespmem:s29+$0xFFFFC020];
	[tilespmem:s22+$0xFFFFC050] =	vst v6;
	v6 =	vadd.f32 v7, v9  }
0x301: {  	v9 =	vmul.f32 v14, v3;
	v7 =	vld [tilespmem:s29+$0x20];
	v14 =	vmul.f32 v15, v4;
	v8 =	vadd.f32 v5, v8  }
0x302: {  	v5 =	vmul.f32 v12, v4;
	v12 =	vld [tilespmem:s29+$0xFFFFC030];
	[tilespmem:s22+$0xFFFFC060] =	vst v6  }
0x303: {  	v6 =	vmul.f32 v13, v3;
	v13 =	vld [tilespmem:s29+$0x30];
	v9 =	vadd.f32 v14, v9;
	[tilespmem:s22+$0xFFFFC000] =	vst v8;
	s22 =	smov.u32 s29  }
0x304: {  	v8 =	vmul.f32 v10, v4;
	v10 =	vld [tilespmem:s29+$0xFFFFC040]  }
0x305: {  	v11 =	vmul.f32 v11, v3;
	v14 =	vld [tilespmem:s29+$0x40];
	[tilespmem:s29+$0xFFFFC070] =	vst v9  }
.Ltmp14:
0x306: {  	v8 =	vadd.f32 v8, v6;
	v9 =	vmul.f32 v7, v4;
	v7 =	vld [tilespmem:s29+$0xFFFFC050];
	(pc) =	sbr.rel @p0 .LBB2_31-.Ltmp14, $4  }
0x307: {  	v12 =	vmul.f32 v12, v3;
	v6 =	vld [tilespmem:s29+$0x50]  }
0x308: {  	[tilespmem:s29+$0xFFFFC010] =	vst v8;
	v15 =	vadd.f32 v9, v11;
	v13 =	vmul.f32 v13, v4;
	v9 =	vld [tilespmem:s29+$0xFFFFC060]  }
0x309: {  	v11 =	vmul.f32 v10, v3;
	v10 =	vld [tilespmem:s29+$0x60]  }
0x30a: {  	s29 =	sadd.s32 $0x400, s29;
	v8 =	vld [tilespmem:s22+$0xFFFFC000];
	[tilespmem:s22+$0xFFFFC020] =	vst v15;
	v12 =	vadd.f32 v13, v12;
	v13 =	vmul.f32 v14, v4  }
0x30b: {  	_ =	sdelay $0x1  }
0x30c: {  	v7 =	vmul.f32 v7, v3;
	s19 =	sadd.s32 $0x1, s19;
	v6 =	vmul.f32 v6, v4  }
0x30d: {  	v11 =	vadd.f32 v13, v11;
	p0 =	sne.s32 s19, $0x8;
	v9 =	vmul.f32 v9, v3;
	v63 =	vmul.f32 v10, v4  }
.Ltmp15:
0x30e: {  	[tilespmem:s22+$0xFFFFC030] =	vst v12;
	v6 =	vadd.f32 v6, v7;
	v3 =	vmul.f32 v8, v3;
	(pc) =	sbr.rel @p0 .LBB2_30-.Ltmp15, $4  }
0x30f: {  	[tilespmem:s22+$0xFFFFC040] =	vst v11;
	v4 =	vadd.f32 v63, v9  }
0x310: {  	[tilespmem:s22+$0xFFFFC050] =	vst v6;
	v3 =	vadd.f32 v5, v3  }
0x311: {  	[tilespmem:s22+$0xFFFFC060] =	vst v4  }
0x312: {  	s20 =	sadd.s32 $0x80, s20;
	[tilespmem:s22+$0xFFFFC000] =	vst v3  }
0x313: {  	s19 =	rddreg [dreg:$0x1b]  }
0x314: {  	[hbm4b:s19+s2] =	stream.linear.scatter [tilespmem:s5], [sflag:$0x5], $0x4000, $0x38;
	[tilespmem:$0x18300] =	vst v63  }
0x315: {  	_ =	swait.ge [sflag:s13], $0x4000  }
0x316: {  	[sflag:s13] =	ssyncset.done $0x0  }
0x317: {  	[sflag:s13] =	ssyncadd.s32 $0xFFFFC000  }
0x318: {  	_ =	swait.ge [sflag:s16], $0x4000  }
0x319: {  	s18 =	sadd.s32 $0x1, s18;
	s29 =	rddreg [dreg:$0x14]  }
0x31a: {  	p0 =	sne.s32 s18, s29  }
.Ltmp16:
0x31b: {  	_ = 	snop;
	(pc) =	sbr.rel @p0 .LBB2_1-.Ltmp16, $3  }
0x31c: {  	_ =	sdelay $0x1  }
0x31d: {  	[sflag:s16] =	ssyncset.done $0x0  }
0x31e: {  	[sflag:s16] =	ssyncadd.s32 $0xFFFFC000  }
0x31f: {  	_ =	sfence.sel $0x180000  }
0x320: {  	[bflag:$0x0] =	sbarrier.arrive $0xFFFF  }
0x321: {  	_ =	strace $0x9000004A  }
0x322: {  	s0 =	stileid.u32;
	[bflag:$0x2] =	sbarrier.arrive $0xFFFF  }
0x323: {  	p0 =	sne.s32 s0, $0x0;
	s0 =	rddreg [dreg:$0x2]  }
0x324: {  	s0 =	sadd.s32 @!p0 $0x100000, s0  }
0x325: {  	[sflag:s0] =	ssyncadd.tile.s32 @!p0 $0x1;
	_ =	shalt  }
.Lfunc_end2:
_tile_overlayer_lowered:
.L_overlay_start_2:
0x326: {  	(tag) =	ssettag $0x2  }
0x327: {  	s0 =	rddreg [dreg:$0x0];
	s2 =	stileid.u32  }
0x328: {  	s1 =	rddreg [dreg:$0x1];
	p0 =	sne.s32 s2, $0x0  }
0x329: {  	s3 =	rddreg [dreg:$0x2];
	[bflag:$0x3] =	sbarrier.arrive $0xFFFF;
	s2 =	simm.s32 @!p0 $0x1C07  }
0x32a: {  	[timem:s3], [sflag:s2] =	dma.local @!p0 [hbm:s0], s1  }
0x32b: {  	s0 =	simm.s32 @!p0 $0x7  }
0x32c: {  	_ =	swait.ge @!p0 [sflag:s0], s1  }
0x32d: {  	s1 =	ssub.s32 @!p0 $0x0, s1;
	[sflag:s0] =	ssyncset.done @!p0 $0x0  }
0x32e: {  	[sflag:s0] =	ssyncadd.s32 @!p0 s1  }
0x32f: {  	[bflag:$0x3] =	sbarrier.arrive $0xFFFF  }
0x330: {  	_ =	shalt  }

</sc_bundles>
